<compile_context>
chip_gen: v7x
topology: tpu7x:2x2x1
jax: 0.10.2.dev20260603
libtpu: 0.0.44.dev20260713+nightly
codegen_flags: <defaults>
</compile_context>

<pallas_src>
import functools
import math

import jax
import jax.numpy as jnp
from jax import lax
from jax.experimental import pallas as pl
from jax.experimental.pallas import tpu as pltpu
from jax.experimental.pallas import tpu_sc as plsc

_NUM_CORES = 2
_NUM_SUBCORES = 16
_NW = _NUM_CORES * _NUM_SUBCORES
_LANES = 16
_NBUF = 4
_SEQ_PER_CHUNK = 2


def _positional_encoding(max_len, d_model):
    pos = jnp.arange(max_len, dtype=jnp.float32)[:, None]
    index = jnp.arange(d_model, dtype=jnp.float32)[None, :]
    pe = pos / jnp.power(10000.0, (index - index % 2) / float(d_model))
    pe_s = jnp.sin(pe[:, 0::2])[..., None]
    pe_c = jnp.cos(pe[:, 1::2])[..., None]
    return jnp.concatenate([pe_s, pe_c], axis=-1).reshape(pe.shape[0], -1)


@functools.partial(jax.jit, static_argnames=("v", "seq_len", "d"))
def _lookup(idx, table_flat, pe_flat, v, seq_len, d):
    (n,) = idx.shape
    per_w = n // _NW
    ch = _SEQ_PER_CHUNK * seq_len
    n_ch = per_w // ch
    subs = []
    off = 0
    while off < ch:
        klen = min(104, ch - off)
        subs.append((off, klen))
        off += klen
    scale = float(math.sqrt(d))
    mesh = plsc.VectorSubcoreMesh(core_axis_name="c", subcore_axis_name="s")

    @functools.partial(
        pl.kernel,
        out_type=jax.ShapeDtypeStruct((n, d), jnp.float32),
        mesh=mesh,
        compiler_params=pltpu.CompilerParams(use_tc_tiling_on_sc=False),
        scratch_types=[
            pltpu.VMEM((per_w,), jnp.int32),
            pltpu.VMEM((_NBUF, ch, d), jnp.float32),
            pltpu.VMEM((seq_len * d,), jnp.float32),
            [pltpu.SemaphoreType.DMA] * _NBUF,
            [pltpu.SemaphoreType.DMA] * _NBUF,
        ],
    )
    def k(tab_hbm, idx_hbm, pe_hbm, out_hbm,
          idx_v, rows_v, pe_v, gsems, ssems):
        wid = lax.axis_index("s") * _NUM_CORES + lax.axis_index("c")
        tab2d = tab_hbm
        out2d = out_hbm
        pltpu.sync_copy(pe_hbm, pe_v)
        pltpu.sync_copy(idx_hbm.at[pl.ds(wid * per_w, per_w)], idx_v)

        def _gather_copies(c, b):
            return [
                pltpu.make_async_copy(
                    tab2d.at[idx_v.at[pl.ds(c * ch + o, klen)]],
                    rows_v.at[b].at[pl.ds(o, klen)],
                    gsems[b],
                )
                for o, klen in subs
            ]

        def start_gather(c, b):
            for cp in _gather_copies(c, b):
                cp.start()

        def wait_gather(c, b):
            for cp in _gather_copies(c, b):
                cp.wait()

        def start_scatter(c, b):
            row0 = wid * per_w + c * ch
            pltpu.async_copy(rows_v.at[b], out2d.at[pl.ds(row0, ch)], ssems[b])

        def wait_scatter(b):
            pltpu.make_async_copy(
                rows_v.at[b], out2d.at[pl.ds(0, ch)], ssems[b]
            ).wait()

        def compute(b):
            buf = rows_v.at[b]

            @plsc.parallel_loop(0, seq_len, unroll=4)
            def _(p):
                for t in range(d // _LANES):
                    sl = pl.ds(t * _LANES, _LANES)
                    pe_val = pe_v[pl.ds(p * d + t * _LANES, _LANES)]
                    buf[p, sl] = buf[p, sl] * scale + pe_val
                    q = p + seq_len
                    buf[q, sl] = buf[q, sl] * scale + pe_val

        start_gather(0, 0)
        start_gather(1, 1)

        def outer(o, carry):
            for bb in range(_NBUF):
                c = o * _NBUF + bb
                bn = (bb + 2) % _NBUF

                @pl.when(c + 2 < n_ch)
                def _():
                    @pl.when(c >= 2)
                    def _():
                        wait_scatter(bn)

                    start_gather(c + 2, bn)

                wait_gather(c, bb)
                compute(bb)
                start_scatter(c, bb)
            return carry

        lax.fori_loop(0, n_ch // _NBUF, outer, 0)
        wait_scatter((n_ch - 2) % _NBUF)
        wait_scatter((n_ch - 1) % _NBUF)

    return k(table_flat.reshape(v, d), idx, pe_flat)


def kernel(sequences, table):
    b, s = sequences.shape
    v, d = table.shape
    n = b * s
    idx = sequences.astype(jnp.int32).reshape(n)
    table_flat = table.reshape(v * d)
    pe_flat = _positional_encoding(s, d).reshape(s * d)
    out = _lookup(idx, table_flat, pe_flat, v, s, d)
    return out.reshape(b, s, d)

# --- scband reference (transcript-rebuilt; emitter-appended) ---
"""Pipeline reference for scband-embeddinglayer-64948495450671 (READ-ONLY COPY).

The authoritative reference and input builder live on the scoring server;
editing this copy changes nothing except your own understanding.
"""

import jax, jax.numpy as jnp
import numpy as np

VOCAB_SIZE = 1000000
D_MODEL = 64


def positional_encoding(max_len, d_model):
    pos = jnp.arange(max_len, dtype=jnp.float32)[:, None]
    index = jnp.arange(d_model, dtype=jnp.float32)[None, :]
    pe = pos / jnp.power(10000.0, (index - index % 2) / float(d_model))
    pe_s = jnp.sin(pe[:, 0::2])[..., None]
    pe_c = jnp.cos(pe[:, 1::2])[..., None]
    pe = jnp.concatenate([pe_s, pe_c], axis=-1).reshape(pe.shape[0], -1)
    return pe[None, :, :].astype(jnp.float32)


def setup_inputs(seed: int = 0) -> dict:
    key = jax.random.key(seed)
    k1, k2 = jax.random.split(key)
    sequences = jax.random.randint(k1, (1024, 200), 0, VOCAB_SIZE, dtype=jnp.int64 if jax.config.read('jax_enable_x64') else jnp.int32)
    table = jax.random.normal(k2, (VOCAB_SIZE, D_MODEL), dtype=jnp.float32)
    return {"sequences": sequences, "table": table}


def reference(sequences, table):
    out = jnp.take(table, sequences, axis=0) * jnp.sqrt(jnp.asarray(D_MODEL, dtype=jnp.float32))
    out = out + positional_encoding(sequences.shape[1], D_MODEL)
    return out

if __name__ == "__main__":
    import jax
    _d = setup_inputs()
    print(jax.jit(kernel)(*tuple(_d.values())))

</pallas_src>

<mosaic_0001>
#map = affine_map<(d0, d1) -> (0, 0)>
#map1 = affine_map<(d0, d1) -> (0)>
module attributes {stable_mosaic.version = 14 : i64} {
  func.func @k(%arg0: i32, %arg1: i32, %arg2: memref<1000000x64xf32, #tpu.memory_space<hbm>>, %arg3: memref<204800xi32, #tpu.memory_space<hbm>>, %arg4: memref<12800xf32, #tpu.memory_space<hbm>>, %arg5: memref<204800x64xf32, #tpu.memory_space<hbm>>, %arg6: memref<6400xi32, #tpu.memory_space<vmem>>, %arg7: memref<4x400x64xf32, #tpu.memory_space<vmem>>, %arg8: memref<12800xf32, #tpu.memory_space<vmem>>, %arg9: memref<!tpu.dma_semaphore, #tpu.memory_space<semaphore_mem>>, %arg10: memref<!tpu.dma_semaphore, #tpu.memory_space<semaphore_mem>>, %arg11: memref<!tpu.dma_semaphore, #tpu.memory_space<semaphore_mem>>, %arg12: memref<!tpu.dma_semaphore, #tpu.memory_space<semaphore_mem>>, %arg13: memref<!tpu.dma_semaphore, #tpu.memory_space<semaphore_mem>>, %arg14: memref<!tpu.dma_semaphore, #tpu.memory_space<semaphore_mem>>, %arg15: memref<!tpu.dma_semaphore, #tpu.memory_space<semaphore_mem>>, %arg16: memref<!tpu.dma_semaphore, #tpu.memory_space<semaphore_mem>>) attributes {dimension_semantics = [#tpu.dimension_semantics<core_parallel>, #tpu.dimension_semantics<subcore_parallel>], iteration_bounds = array<i64: 2, 16>, scalar_prefetch = 0 : i64, scratch_operands = 11 : i64, tpu.core_type = #tpu.core_type<sc_vector_subcore>, window_params = [{transform_indices = #map}, {transform_indices = #map1}, {transform_indices = #map1}, {transform_indices = #map}]} {
    %mul3A = arith.constant 2 : i32
    %mul3A_0 = arith.muli %arg1, %mul3A : i32
    %add3A = arith.addi %mul3A_0, %arg0 : i32
    "tpu.region"() ({
      %run_scoped3A = tpu.sem_alloc : memref<!tpu.dma_semaphore, #tpu.memory_space<semaphore_mem>>
      tpu.enqueue_dma source(%arg4 : memref<12800xf32, #tpu.memory_space<hbm>>) target(%arg8 : memref<12800xf32, #tpu.memory_space<vmem>>) target_semaphore(%run_scoped3A : memref<!tpu.dma_semaphore, #tpu.memory_space<semaphore_mem>>)
      tpu.wait_dma2 semaphore(%run_scoped3A : memref<!tpu.dma_semaphore, #tpu.memory_space<semaphore_mem>>) src(%arg4 : memref<12800xf32, #tpu.memory_space<hbm>>) dst(%arg8 : memref<12800xf32, #tpu.memory_space<vmem>>)
      tpu.yield
    }) : () -> ()
    %mul3A_1 = arith.constant 6400 : i32
    %mul3A_2 = arith.muli %add3A, %mul3A_1 : i32
    "tpu.region"() ({
      %run_scoped3A = tpu.sem_alloc : memref<!tpu.dma_semaphore, #tpu.memory_space<semaphore_mem>>
      %dma_start3A_140 = tpu.memref_slice %arg3[%mul3A_2] : memref<204800xi32, #tpu.memory_space<hbm>> -> memref<6400xi32, #tpu.memory_space<hbm>>
      %dma_start3A_141 = tpu.memref_slice %arg3[%mul3A_2] : memref<204800xi32, #tpu.memory_space<hbm>> -> memref<6400xi32, #tpu.memory_space<hbm>>
      tpu.enqueue_dma source(%dma_start3A_141 : memref<6400xi32, #tpu.memory_space<hbm>>) target(%arg6 : memref<6400xi32, #tpu.memory_space<vmem>>) target_semaphore(%run_scoped3A : memref<!tpu.dma_semaphore, #tpu.memory_space<semaphore_mem>>)
      %dma_wait3A_142 = tpu.memref_slice %arg3[%mul3A_2] : memref<204800xi32, #tpu.memory_space<hbm>> -> memref<6400xi32, #tpu.memory_space<hbm>>
      %dma_wait3A_143 = tpu.memref_slice %arg3[%mul3A_2] : memref<204800xi32, #tpu.memory_space<hbm>> -> memref<6400xi32, #tpu.memory_space<hbm>>
      tpu.wait_dma2 semaphore(%run_scoped3A : memref<!tpu.dma_semaphore, #tpu.memory_space<semaphore_mem>>) src(%dma_wait3A_143 : memref<6400xi32, #tpu.memory_space<hbm>>) dst(%arg6 : memref<6400xi32, #tpu.memory_space<vmem>>)
      tpu.yield
    }) : () -> ()
    %dma_start3A = arith.constant 0 : i32
    %dma_start3A_3 = arith.constant 0 : i32
    %dma_start3A_4 = arith.constant 0 : i32
    %dma_start3A_5 = tpu.memref_slice %arg7[%dma_start3A, %dma_start3A_3, %dma_start3A_4] : memref<4x400x64xf32, #tpu.memory_space<vmem>> -> memref<1x400x64xf32, #tpu.memory_space<vmem>>
    %dma_start3A_6 = tpu.memref_squeeze %dma_start3A_5 : memref<1x400x64xf32, #tpu.memory_space<vmem>> -> memref<400x64xf32, #tpu.memory_space<vmem>>
    %dma_start3A_7 = arith.constant 0 : i32
    %dma_start3A_8 = arith.constant 0 : i32
    %dma_start3A_9 = tpu.memref_slice %dma_start3A_6[%dma_start3A_7, %dma_start3A_8] : memref<400x64xf32, #tpu.memory_space<vmem>> -> memref<104x64xf32, #tpu.memory_space<vmem>>
    %dma_start3A_10 = arith.constant 0 : i32
    %dma_start3A_11 = tpu.memref_slice %arg6[%dma_start3A_10] : memref<6400xi32, #tpu.memory_space<vmem>> -> memref<104xi32, #tpu.memory_space<vmem>>
    %dma_start3A_12 = arith.constant 0 : i32
    %dma_start3A_13 = arith.constant 0 : i32
    %dma_start3A_14 = tpu.memref_slice %arg2[%dma_start3A_12, %dma_start3A_13] : memref<1000000x64xf32, #tpu.memory_space<hbm>> -> memref<1000000x64xf32, #tpu.memory_space<hbm>>
    tpu.enqueue_indirect_dma source(%dma_start3A_14 : memref<1000000x64xf32, #tpu.memory_space<hbm>>) target(%dma_start3A_9 : memref<104x64xf32, #tpu.memory_space<vmem>>) offsets(%dma_start3A_11 : memref<104xi32, #tpu.memory_space<vmem>>) semaphore(%arg9 : memref<!tpu.dma_semaphore, #tpu.memory_space<semaphore_mem>>)
    %dma_start3A_15 = arith.constant 0 : i32
    %dma_start3A_16 = arith.constant 0 : i32
    %dma_start3A_17 = arith.constant 0 : i32
    %dma_start3A_18 = tpu.memref_slice %arg7[%dma_start3A_15, %dma_start3A_16, %dma_start3A_17] : memref<4x400x64xf32, #tpu.memory_space<vmem>> -> memref<1x400x64xf32, #tpu.memory_space<vmem>>
    %dma_start3A_19 = tpu.memref_squeeze %dma_start3A_18 : memref<1x400x64xf32, #tpu.memory_space<vmem>> -> memref<400x64xf32, #tpu.memory_space<vmem>>
    %dma_start3A_20 = arith.constant 104 : i32
    %dma_start3A_21 = arith.constant 0 : i32
    %dma_start3A_22 = tpu.memref_slice %dma_start3A_19[%dma_start3A_20, %dma_start3A_21] : memref<400x64xf32, #tpu.memory_space<vmem>> -> memref<104x64xf32, #tpu.memory_space<vmem>>
    %dma_start3A_23 = arith.constant 104 : i32
    %dma_start3A_24 = tpu.memref_slice %arg6[%dma_start3A_23] : memref<6400xi32, #tpu.memory_space<vmem>> -> memref<104xi32, #tpu.memory_space<vmem>>
    %dma_start3A_25 = arith.constant 0 : i32
    %dma_start3A_26 = arith.constant 0 : i32
    %dma_start3A_27 = tpu.memref_slice %arg2[%dma_start3A_25, %dma_start3A_26] : memref<1000000x64xf32, #tpu.memory_space<hbm>> -> memref<1000000x64xf32, #tpu.memory_space<hbm>>
    tpu.enqueue_indirect_dma source(%dma_start3A_27 : memref<1000000x64xf32, #tpu.memory_space<hbm>>) target(%dma_start3A_22 : memref<104x64xf32, #tpu.memory_space<vmem>>) offsets(%dma_start3A_24 : memref<104xi32, #tpu.memory_space<vmem>>) semaphore(%arg9 : memref<!tpu.dma_semaphore, #tpu.memory_space<semaphore_mem>>)
    %dma_start3A_28 = arith.constant 0 : i32
    %dma_start3A_29 = arith.constant 0 : i32
    %dma_start3A_30 = arith.constant 0 : i32
    %dma_start3A_31 = tpu.memref_slice %arg7[%dma_start3A_28, %dma_start3A_29, %dma_start3A_30] : memref<4x400x64xf32, #tpu.memory_space<vmem>> -> memref<1x400x64xf32, #tpu.memory_space<vmem>>
    %dma_start3A_32 = tpu.memref_squeeze %dma_start3A_31 : memref<1x400x64xf32, #tpu.memory_space<vmem>> -> memref<400x64xf32, #tpu.memory_space<vmem>>
    %dma_start3A_33 = arith.constant 208 : i32
    %dma_start3A_34 = arith.constant 0 : i32
    %dma_start3A_35 = tpu.memref_slice %dma_start3A_32[%dma_start3A_33, %dma_start3A_34] : memref<400x64xf32, #tpu.memory_space<vmem>> -> memref<104x64xf32, #tpu.memory_space<vmem>>
    %dma_start3A_36 = arith.constant 208 : i32
    %dma_start3A_37 = tpu.memref_slice %arg6[%dma_start3A_36] : memref<6400xi32, #tpu.memory_space<vmem>> -> memref<104xi32, #tpu.memory_space<vmem>>
    %dma_start3A_38 = arith.constant 0 : i32
    %dma_start3A_39 = arith.constant 0 : i32
    %dma_start3A_40 = tpu.memref_slice %arg2[%dma_start3A_38, %dma_start3A_39] : memref<1000000x64xf32, #tpu.memory_space<hbm>> -> memref<1000000x64xf32, #tpu.memory_space<hbm>>
    tpu.enqueue_indirect_dma source(%dma_start3A_40 : memref<1000000x64xf32, #tpu.memory_space<hbm>>) target(%dma_start3A_35 : memref<104x64xf32, #tpu.memory_space<vmem>>) offsets(%dma_start3A_37 : memref<104xi32, #tpu.memory_space<vmem>>) semaphore(%arg9 : memref<!tpu.dma_semaphore, #tpu.memory_space<semaphore_mem>>)
    %dma_start3A_41 = arith.constant 0 : i32
    %dma_start3A_42 = arith.constant 0 : i32
    %dma_start3A_43 = arith.constant 0 : i32
    %dma_start3A_44 = tpu.memref_slice %arg7[%dma_start3A_41, %dma_start3A_42, %dma_start3A_43] : memref<4x400x64xf32, #tpu.memory_space<vmem>> -> memref<1x400x64xf32, #tpu.memory_space<vmem>>
    %dma_start3A_45 = tpu.memref_squeeze %dma_start3A_44 : memref<1x400x64xf32, #tpu.memory_space<vmem>> -> memref<400x64xf32, #tpu.memory_space<vmem>>
    %dma_start3A_46 = arith.constant 312 : i32
    %dma_start3A_47 = arith.constant 0 : i32
    %dma_start3A_48 = tpu.memref_slice %dma_start3A_45[%dma_start3A_46, %dma_start3A_47] : memref<400x64xf32, #tpu.memory_space<vmem>> -> memref<88x64xf32, #tpu.memory_space<vmem>>
    %dma_start3A_49 = arith.constant 312 : i32
    %dma_start3A_50 = tpu.memref_slice %arg6[%dma_start3A_49] : memref<6400xi32, #tpu.memory_space<vmem>> -> memref<88xi32, #tpu.memory_space<vmem>>
    %dma_start3A_51 = arith.constant 0 : i32
    %dma_start3A_52 = arith.constant 0 : i32
    %dma_start3A_53 = tpu.memref_slice %arg2[%dma_start3A_51, %dma_start3A_52] : memref<1000000x64xf32, #tpu.memory_space<hbm>> -> memref<1000000x64xf32, #tpu.memory_space<hbm>>
    tpu.enqueue_indirect_dma source(%dma_start3A_53 : memref<1000000x64xf32, #tpu.memory_space<hbm>>) target(%dma_start3A_48 : memref<88x64xf32, #tpu.memory_space<vmem>>) offsets(%dma_start3A_50 : memref<88xi32, #tpu.memory_space<vmem>>) semaphore(%arg9 : memref<!tpu.dma_semaphore, #tpu.memory_space<semaphore_mem>>)
    %dma_start3A_54 = arith.constant 1 : i32
    %dma_start3A_55 = arith.constant 0 : i32
    %dma_start3A_56 = arith.constant 0 : i32
    %dma_start3A_57 = tpu.memref_slice %arg7[%dma_start3A_54, %dma_start3A_55, %dma_start3A_56] : memref<4x400x64xf32, #tpu.memory_space<vmem>> -> memref<1x400x64xf32, #tpu.memory_space<vmem>>
    %dma_start3A_58 = tpu.memref_squeeze %dma_start3A_57 : memref<1x400x64xf32, #tpu.memory_space<vmem>> -> memref<400x64xf32, #tpu.memory_space<vmem>>
    %dma_start3A_59 = arith.constant 0 : i32
    %dma_start3A_60 = arith.constant 0 : i32
    %dma_start3A_61 = tpu.memref_slice %dma_start3A_58[%dma_start3A_59, %dma_start3A_60] : memref<400x64xf32, #tpu.memory_space<vmem>> -> memref<104x64xf32, #tpu.memory_space<vmem>>
    %dma_start3A_62 = arith.constant 400 : i32
    %dma_start3A_63 = tpu.memref_slice %arg6[%dma_start3A_62] : memref<6400xi32, #tpu.memory_space<vmem>> -> memref<104xi32, #tpu.memory_space<vmem>>
    %dma_start3A_64 = arith.constant 0 : i32
    %dma_start3A_65 = arith.constant 0 : i32
    %dma_start3A_66 = tpu.memref_slice %arg2[%dma_start3A_64, %dma_start3A_65] : memref<1000000x64xf32, #tpu.memory_space<hbm>> -> memref<1000000x64xf32, #tpu.memory_space<hbm>>
    tpu.enqueue_indirect_dma source(%dma_start3A_66 : memref<1000000x64xf32, #tpu.memory_space<hbm>>) target(%dma_start3A_61 : memref<104x64xf32, #tpu.memory_space<vmem>>) offsets(%dma_start3A_63 : memref<104xi32, #tpu.memory_space<vmem>>) semaphore(%arg10 : memref<!tpu.dma_semaphore, #tpu.memory_space<semaphore_mem>>)
    %dma_start3A_67 = arith.constant 1 : i32
    %dma_start3A_68 = arith.constant 0 : i32
    %dma_start3A_69 = arith.constant 0 : i32
    %dma_start3A_70 = tpu.memref_slice %arg7[%dma_start3A_67, %dma_start3A_68, %dma_start3A_69] : memref<4x400x64xf32, #tpu.memory_space<vmem>> -> memref<1x400x64xf32, #tpu.memory_space<vmem>>
    %dma_start3A_71 = tpu.memref_squeeze %dma_start3A_70 : memref<1x400x64xf32, #tpu.memory_space<vmem>> -> memref<400x64xf32, #tpu.memory_space<vmem>>
    %dma_start3A_72 = arith.constant 104 : i32
    %dma_start3A_73 = arith.constant 0 : i32
    %dma_start3A_74 = tpu.memref_slice %dma_start3A_71[%dma_start3A_72, %dma_start3A_73] : memref<400x64xf32, #tpu.memory_space<vmem>> -> memref<104x64xf32, #tpu.memory_space<vmem>>
    %dma_start3A_75 = arith.constant 504 : i32
    %dma_start3A_76 = tpu.memref_slice %arg6[%dma_start3A_75] : memref<6400xi32, #tpu.memory_space<vmem>> -> memref<104xi32, #tpu.memory_space<vmem>>
    %dma_start3A_77 = arith.constant 0 : i32
    %dma_start3A_78 = arith.constant 0 : i32
    %dma_start3A_79 = tpu.memref_slice %arg2[%dma_start3A_77, %dma_start3A_78] : memref<1000000x64xf32, #tpu.memory_space<hbm>> -> memref<1000000x64xf32, #tpu.memory_space<hbm>>
    tpu.enqueue_indirect_dma source(%dma_start3A_79 : memref<1000000x64xf32, #tpu.memory_space<hbm>>) target(%dma_start3A_74 : memref<104x64xf32, #tpu.memory_space<vmem>>) offsets(%dma_start3A_76 : memref<104xi32, #tpu.memory_space<vmem>>) semaphore(%arg10 : memref<!tpu.dma_semaphore, #tpu.memory_space<semaphore_mem>>)
    %dma_start3A_80 = arith.constant 1 : i32
    %dma_start3A_81 = arith.constant 0 : i32
    %dma_start3A_82 = arith.constant 0 : i32
    %dma_start3A_83 = tpu.memref_slice %arg7[%dma_start3A_80, %dma_start3A_81, %dma_start3A_82] : memref<4x400x64xf32, #tpu.memory_space<vmem>> -> memref<1x400x64xf32, #tpu.memory_space<vmem>>
    %dma_start3A_84 = tpu.memref_squeeze %dma_start3A_83 : memref<1x400x64xf32, #tpu.memory_space<vmem>> -> memref<400x64xf32, #tpu.memory_space<vmem>>
    %dma_start3A_85 = arith.constant 208 : i32
    %dma_start3A_86 = arith.constant 0 : i32
    %dma_start3A_87 = tpu.memref_slice %dma_start3A_84[%dma_start3A_85, %dma_start3A_86] : memref<400x64xf32, #tpu.memory_space<vmem>> -> memref<104x64xf32, #tpu.memory_space<vmem>>
    %dma_start3A_88 = arith.constant 608 : i32
    %dma_start3A_89 = tpu.memref_slice %arg6[%dma_start3A_88] : memref<6400xi32, #tpu.memory_space<vmem>> -> memref<104xi32, #tpu.memory_space<vmem>>
    %dma_start3A_90 = arith.constant 0 : i32
    %dma_start3A_91 = arith.constant 0 : i32
    %dma_start3A_92 = tpu.memref_slice %arg2[%dma_start3A_90, %dma_start3A_91] : memref<1000000x64xf32, #tpu.memory_space<hbm>> -> memref<1000000x64xf32, #tpu.memory_space<hbm>>
    tpu.enqueue_indirect_dma source(%dma_start3A_92 : memref<1000000x64xf32, #tpu.memory_space<hbm>>) target(%dma_start3A_87 : memref<104x64xf32, #tpu.memory_space<vmem>>) offsets(%dma_start3A_89 : memref<104xi32, #tpu.memory_space<vmem>>) semaphore(%arg10 : memref<!tpu.dma_semaphore, #tpu.memory_space<semaphore_mem>>)
    %dma_start3A_93 = arith.constant 1 : i32
    %dma_start3A_94 = arith.constant 0 : i32
    %dma_start3A_95 = arith.constant 0 : i32
    %dma_start3A_96 = tpu.memref_slice %arg7[%dma_start3A_93, %dma_start3A_94, %dma_start3A_95] : memref<4x400x64xf32, #tpu.memory_space<vmem>> -> memref<1x400x64xf32, #tpu.memory_space<vmem>>
    %dma_start3A_97 = tpu.memref_squeeze %dma_start3A_96 : memref<1x400x64xf32, #tpu.memory_space<vmem>> -> memref<400x64xf32, #tpu.memory_space<vmem>>
    %dma_start3A_98 = arith.constant 312 : i32
    %dma_start3A_99 = arith.constant 0 : i32
    %dma_start3A_100 = tpu.memref_slice %dma_start3A_97[%dma_start3A_98, %dma_start3A_99] : memref<400x64xf32, #tpu.memory_space<vmem>> -> memref<88x64xf32, #tpu.memory_space<vmem>>
    %dma_start3A_101 = arith.constant 712 : i32
    %dma_start3A_102 = tpu.memref_slice %arg6[%dma_start3A_101] : memref<6400xi32, #tpu.memory_space<vmem>> -> memref<88xi32, #tpu.memory_space<vmem>>
    %dma_start3A_103 = arith.constant 0 : i32
    %dma_start3A_104 = arith.constant 0 : i32
    %dma_start3A_105 = tpu.memref_slice %arg2[%dma_start3A_103, %dma_start3A_104] : memref<1000000x64xf32, #tpu.memory_space<hbm>> -> memref<1000000x64xf32, #tpu.memory_space<hbm>>
    tpu.enqueue_indirect_dma source(%dma_start3A_105 : memref<1000000x64xf32, #tpu.memory_space<hbm>>) target(%dma_start3A_100 : memref<88x64xf32, #tpu.memory_space<vmem>>) offsets(%dma_start3A_102 : memref<88xi32, #tpu.memory_space<vmem>>) semaphore(%arg10 : memref<!tpu.dma_semaphore, #tpu.memory_space<semaphore_mem>>)
    %scan3A = arith.constant 0 : i32
    %scan3A_106 = arith.constant 0 : i32
    %scan3A_107 = arith.constant 4 : i32
    %scan3A_108 = arith.addi %scan3A_106, %scan3A_107 : i32
    %scan3A_109 = arith.constant 1 : i32
    scf.for %scan3A_140 = %scan3A_106 to %scan3A_108 step %scan3A_109  : i32 {
      %mul3A_141 = arith.constant 4 : i32
      %mul3A_142 = arith.muli %scan3A_140, %mul3A_141 : i32
      %add3A_143 = arith.constant 0 : i32
      %add3A_144 = arith.addi %mul3A_142, %add3A_143 : i32
      %add3A_145 = arith.constant 2 : i32
      %add3A_146 = arith.addi %add3A_144, %add3A_145 : i32
      %lt3A = arith.constant 16 : i32
      %lt3A_147 = arith.cmpi slt, %add3A_146, %lt3A : i32
      %convert_element_type3A = arith.extui %lt3A_147 : i1 to i32
      %cond3A = arith.constant 0 : i32
      %cond3A_148 = arith.cmpi ne, %convert_element_type3A, %cond3A : i32
      scf.if %cond3A_148 {
        %ge3A = arith.constant 2 : i32
        %ge3A_525 = arith.cmpi sge, %add3A_144, %ge3A : i32
        %convert_element_type3A_526 = arith.extui %ge3A_525 : i1 to i32
        %cond3A_527 = arith.constant 0 : i32
        %cond3A_528 = arith.cmpi ne, %convert_element_type3A_526, %cond3A_527 : i32
        scf.if %cond3A_528 {
          %dma_wait3A_595 = arith.constant 2 : i32
          %dma_wait3A_596 = arith.constant 0 : i32
          %dma_wait3A_597 = arith.constant 0 : i32
          %dma_wait3A_598 = tpu.memref_slice %arg7[%dma_wait3A_595, %dma_wait3A_596, %dma_wait3A_597] : memref<4x400x64xf32, #tpu.memory_space<vmem>> -> memref<1x400x64xf32, #tpu.memory_space<vmem>>
          %dma_wait3A_599 = tpu.memref_squeeze %dma_wait3A_598 : memref<1x400x64xf32, #tpu.memory_space<vmem>> -> memref<400x64xf32, #tpu.memory_space<vmem>>
          %dma_wait3A_600 = arith.constant 0 : i32
          %dma_wait3A_601 = arith.constant 0 : i32
          %dma_wait3A_602 = tpu.memref_slice %arg5[%dma_wait3A_600, %dma_wait3A_601] : memref<204800x64xf32, #tpu.memory_space<hbm>> -> memref<400x64xf32, #tpu.memory_space<hbm>>
          %dma_wait3A_603 = arith.constant 0 : i32
          %dma_wait3A_604 = arith.constant 0 : i32
          %dma_wait3A_605 = tpu.memref_slice %arg5[%dma_wait3A_603, %dma_wait3A_604] : memref<204800x64xf32, #tpu.memory_space<hbm>> -> memref<400x64xf32, #tpu.memory_space<hbm>>
          %dma_wait3A_606 = arith.constant 0 : i32
          %dma_wait3A_607 = arith.constant 0 : i32
          %dma_wait3A_608 = tpu.memref_slice %arg7[%dma_wait3A_595, %dma_wait3A_606, %dma_wait3A_607] : memref<4x400x64xf32, #tpu.memory_space<vmem>> -> memref<1x400x64xf32, #tpu.memory_space<vmem>>
          %dma_wait3A_609 = tpu.memref_squeeze %dma_wait3A_608 : memref<1x400x64xf32, #tpu.memory_space<vmem>> -> memref<400x64xf32, #tpu.memory_space<vmem>>
          tpu.wait_dma2 semaphore(%arg15 : memref<!tpu.dma_semaphore, #tpu.memory_space<semaphore_mem>>) src(%dma_wait3A_609 : memref<400x64xf32, #tpu.memory_space<vmem>>) dst(%dma_wait3A_605 : memref<400x64xf32, #tpu.memory_space<hbm>>)
        } else {
        }
        %add3A_529 = arith.constant 2 : i32
        %add3A_530 = arith.addi %add3A_144, %add3A_529 : i32
        %mul3A_531 = arith.constant 400 : i32
        %mul3A_532 = arith.muli %add3A_530, %mul3A_531 : i32
        %add3A_533 = arith.constant 0 : i32
        %add3A_534 = arith.addi %mul3A_532, %add3A_533 : i32
        %mul3A_535 = arith.constant 400 : i32
        %mul3A_536 = arith.muli %add3A_530, %mul3A_535 : i32
        %add3A_537 = arith.constant 104 : i32
        %add3A_538 = arith.addi %mul3A_536, %add3A_537 : i32
        %mul3A_539 = arith.constant 400 : i32
        %mul3A_540 = arith.muli %add3A_530, %mul3A_539 : i32
        %add3A_541 = arith.constant 208 : i32
        %add3A_542 = arith.addi %mul3A_540, %add3A_541 : i32
        %mul3A_543 = arith.constant 400 : i32
        %mul3A_544 = arith.muli %add3A_530, %mul3A_543 : i32
        %add3A_545 = arith.constant 312 : i32
        %add3A_546 = arith.addi %mul3A_544, %add3A_545 : i32
        %dma_start3A_547 = arith.constant 2 : i32
        %dma_start3A_548 = arith.constant 0 : i32
        %dma_start3A_549 = arith.constant 0 : i32
        %dma_start3A_550 = tpu.memref_slice %arg7[%dma_start3A_547, %dma_start3A_548, %dma_start3A_549] : memref<4x400x64xf32, #tpu.memory_space<vmem>> -> memref<1x400x64xf32, #tpu.memory_space<vmem>>
        %dma_start3A_551 = tpu.memref_squeeze %dma_start3A_550 : memref<1x400x64xf32, #tpu.memory_space<vmem>> -> memref<400x64xf32, #tpu.memory_space<vmem>>
        %dma_start3A_552 = arith.constant 0 : i32
        %dma_start3A_553 = arith.constant 0 : i32
        %dma_start3A_554 = tpu.memref_slice %dma_start3A_551[%dma_start3A_552, %dma_start3A_553] : memref<400x64xf32, #tpu.memory_space<vmem>> -> memref<104x64xf32, #tpu.memory_space<vmem>>
        %dma_start3A_555 = tpu.memref_slice %arg6[%add3A_534] : memref<6400xi32, #tpu.memory_space<vmem>> -> memref<104xi32, #tpu.memory_space<vmem>>
        %dma_start3A_556 = arith.constant 0 : i32
        %dma_start3A_557 = arith.constant 0 : i32
        %dma_start3A_558 = tpu.memref_slice %arg2[%dma_start3A_556, %dma_start3A_557] : memref<1000000x64xf32, #tpu.memory_space<hbm>> -> memref<1000000x64xf32, #tpu.memory_space<hbm>>
        tpu.enqueue_indirect_dma source(%dma_start3A_558 : memref<1000000x64xf32, #tpu.memory_space<hbm>>) target(%dma_start3A_554 : memref<104x64xf32, #tpu.memory_space<vmem>>) offsets(%dma_start3A_555 : memref<104xi32, #tpu.memory_space<vmem>>) semaphore(%arg11 : memref<!tpu.dma_semaphore, #tpu.memory_space<semaphore_mem>>)
        %dma_start3A_559 = arith.constant 2 : i32
        %dma_start3A_560 = arith.constant 0 : i32
        %dma_start3A_561 = arith.constant 0 : i32
        %dma_start3A_562 = tpu.memref_slice %arg7[%dma_start3A_559, %dma_start3A_560, %dma_start3A_561] : memref<4x400x64xf32, #tpu.memory_space<vmem>> -> memref<1x400x64xf32, #tpu.memory_space<vmem>>
        %dma_start3A_563 = tpu.memref_squeeze %dma_start3A_562 : memref<1x400x64xf32, #tpu.memory_space<vmem>> -> memref<400x64xf32, #tpu.memory_space<vmem>>
        %dma_start3A_564 = arith.constant 104 : i32
        %dma_start3A_565 = arith.constant 0 : i32
        %dma_start3A_566 = tpu.memref_slice %dma_start3A_563[%dma_start3A_564, %dma_start3A_565] : memref<400x64xf32, #tpu.memory_space<vmem>> -> memref<104x64xf32, #tpu.memory_space<vmem>>
        %dma_start3A_567 = tpu.memref_slice %arg6[%add3A_538] : memref<6400xi32, #tpu.memory_space<vmem>> -> memref<104xi32, #tpu.memory_space<vmem>>
        %dma_start3A_568 = arith.constant 0 : i32
        %dma_start3A_569 = arith.constant 0 : i32
        %dma_start3A_570 = tpu.memref_slice %arg2[%dma_start3A_568, %dma_start3A_569] : memref<1000000x64xf32, #tpu.memory_space<hbm>> -> memref<1000000x64xf32, #tpu.memory_space<hbm>>
        tpu.enqueue_indirect_dma source(%dma_start3A_570 : memref<1000000x64xf32, #tpu.memory_space<hbm>>) target(%dma_start3A_566 : memref<104x64xf32, #tpu.memory_space<vmem>>) offsets(%dma_start3A_567 : memref<104xi32, #tpu.memory_space<vmem>>) semaphore(%arg11 : memref<!tpu.dma_semaphore, #tpu.memory_space<semaphore_mem>>)
        %dma_start3A_571 = arith.constant 2 : i32
        %dma_start3A_572 = arith.constant 0 : i32
        %dma_start3A_573 = arith.constant 0 : i32
        %dma_start3A_574 = tpu.memref_slice %arg7[%dma_start3A_571, %dma_start3A_572, %dma_start3A_573] : memref<4x400x64xf32, #tpu.memory_space<vmem>> -> memref<1x400x64xf32, #tpu.memory_space<vmem>>
        %dma_start3A_575 = tpu.memref_squeeze %dma_start3A_574 : memref<1x400x64xf32, #tpu.memory_space<vmem>> -> memref<400x64xf32, #tpu.memory_space<vmem>>
        %dma_start3A_576 = arith.constant 208 : i32
        %dma_start3A_577 = arith.constant 0 : i32
        %dma_start3A_578 = tpu.memref_slice %dma_start3A_575[%dma_start3A_576, %dma_start3A_577] : memref<400x64xf32, #tpu.memory_space<vmem>> -> memref<104x64xf32, #tpu.memory_space<vmem>>
        %dma_start3A_579 = tpu.memref_slice %arg6[%add3A_542] : memref<6400xi32, #tpu.memory_space<vmem>> -> memref<104xi32, #tpu.memory_space<vmem>>
        %dma_start3A_580 = arith.constant 0 : i32
        %dma_start3A_581 = arith.constant 0 : i32
        %dma_start3A_582 = tpu.memref_slice %arg2[%dma_start3A_580, %dma_start3A_581] : memref<1000000x64xf32, #tpu.memory_space<hbm>> -> memref<1000000x64xf32, #tpu.memory_space<hbm>>
        tpu.enqueue_indirect_dma source(%dma_start3A_582 : memref<1000000x64xf32, #tpu.memory_space<hbm>>) target(%dma_start3A_578 : memref<104x64xf32, #tpu.memory_space<vmem>>) offsets(%dma_start3A_579 : memref<104xi32, #tpu.memory_space<vmem>>) semaphore(%arg11 : memref<!tpu.dma_semaphore, #tpu.memory_space<semaphore_mem>>)
        %dma_start3A_583 = arith.constant 2 : i32
        %dma_start3A_584 = arith.constant 0 : i32
        %dma_start3A_585 = arith.constant 0 : i32
        %dma_start3A_586 = tpu.memref_slice %arg7[%dma_start3A_583, %dma_start3A_584, %dma_start3A_585] : memref<4x400x64xf32, #tpu.memory_space<vmem>> -> memref<1x400x64xf32, #tpu.memory_space<vmem>>
        %dma_start3A_587 = tpu.memref_squeeze %dma_start3A_586 : memref<1x400x64xf32, #tpu.memory_space<vmem>> -> memref<400x64xf32, #tpu.memory_space<vmem>>
        %dma_start3A_588 = arith.constant 312 : i32
        %dma_start3A_589 = arith.constant 0 : i32
        %dma_start3A_590 = tpu.memref_slice %dma_start3A_587[%dma_start3A_588, %dma_start3A_589] : memref<400x64xf32, #tpu.memory_space<vmem>> -> memref<88x64xf32, #tpu.memory_space<vmem>>
        %dma_start3A_591 = tpu.memref_slice %arg6[%add3A_546] : memref<6400xi32, #tpu.memory_space<vmem>> -> memref<88xi32, #tpu.memory_space<vmem>>
        %dma_start3A_592 = arith.constant 0 : i32
        %dma_start3A_593 = arith.constant 0 : i32
        %dma_start3A_594 = tpu.memref_slice %arg2[%dma_start3A_592, %dma_start3A_593] : memref<1000000x64xf32, #tpu.memory_space<hbm>> -> memref<1000000x64xf32, #tpu.memory_space<hbm>>
        tpu.enqueue_indirect_dma source(%dma_start3A_594 : memref<1000000x64xf32, #tpu.memory_space<hbm>>) target(%dma_start3A_590 : memref<88x64xf32, #tpu.memory_space<vmem>>) offsets(%dma_start3A_591 : memref<88xi32, #tpu.memory_space<vmem>>) semaphore(%arg11 : memref<!tpu.dma_semaphore, #tpu.memory_space<semaphore_mem>>)
      } else {
      }
      %mul3A_149 = arith.constant 400 : i32
      %mul3A_150 = arith.muli %add3A_144, %mul3A_149 : i32
      %add3A_151 = arith.constant 0 : i32
      %add3A_152 = arith.addi %mul3A_150, %add3A_151 : i32
      %mul3A_153 = arith.constant 400 : i32
      %mul3A_154 = arith.muli %add3A_144, %mul3A_153 : i32
      %add3A_155 = arith.constant 104 : i32
      %add3A_156 = arith.addi %mul3A_154, %add3A_155 : i32
      %mul3A_157 = arith.constant 400 : i32
      %mul3A_158 = arith.muli %add3A_144, %mul3A_157 : i32
      %add3A_159 = arith.constant 208 : i32
      %add3A_160 = arith.addi %mul3A_158, %add3A_159 : i32
      %mul3A_161 = arith.constant 400 : i32
      %mul3A_162 = arith.muli %add3A_144, %mul3A_161 : i32
      %add3A_163 = arith.constant 312 : i32
      %add3A_164 = arith.addi %mul3A_162, %add3A_163 : i32
      %dma_wait3A_165 = arith.constant 0 : i32
      %dma_wait3A_166 = arith.constant 0 : i32
      %dma_wait3A_167 = arith.constant 0 : i32
      %dma_wait3A_168 = tpu.memref_slice %arg7[%dma_wait3A_165, %dma_wait3A_166, %dma_wait3A_167] : memref<4x400x64xf32, #tpu.memory_space<vmem>> -> memref<1x400x64xf32, #tpu.memory_space<vmem>>
      %dma_wait3A_169 = tpu.memref_squeeze %dma_wait3A_168 : memref<1x400x64xf32, #tpu.memory_space<vmem>> -> memref<400x64xf32, #tpu.memory_space<vmem>>
      %dma_wait3A_170 = arith.constant 0 : i32
      %dma_wait3A_171 = arith.constant 0 : i32
      %dma_wait3A_172 = tpu.memref_slice %dma_wait3A_169[%dma_wait3A_170, %dma_wait3A_171] : memref<400x64xf32, #tpu.memory_space<vmem>> -> memref<104x64xf32, #tpu.memory_space<vmem>>
      %dma_wait3A_173 = tpu.memref_slice %arg6[%add3A_152] : memref<6400xi32, #tpu.memory_space<vmem>> -> memref<104xi32, #tpu.memory_space<vmem>>
      %dma_wait3A_174 = arith.constant 0 : i32
      %dma_wait3A_175 = arith.constant 0 : i32
      %dma_wait3A_176 = tpu.memref_slice %arg2[%dma_wait3A_174, %dma_wait3A_175] : memref<1000000x64xf32, #tpu.memory_space<hbm>> -> memref<1000000x64xf32, #tpu.memory_space<hbm>>
      tpu.wait_indirect_dma semaphore(%arg9 : memref<!tpu.dma_semaphore, #tpu.memory_space<semaphore_mem>>) src(%dma_wait3A_176 : memref<1000000x64xf32, #tpu.memory_space<hbm>>) dst(%dma_wait3A_172 : memref<104x64xf32, #tpu.memory_space<vmem>>)
      %dma_wait3A_177 = arith.constant 0 : i32
      %dma_wait3A_178 = arith.constant 0 : i32
      %dma_wait3A_179 = arith.constant 0 : i32
      %dma_wait3A_180 = tpu.memref_slice %arg7[%dma_wait3A_177, %dma_wait3A_178, %dma_wait3A_179] : memref<4x400x64xf32, #tpu.memory_space<vmem>> -> memref<1x400x64xf32, #tpu.memory_space<vmem>>
      %dma_wait3A_181 = tpu.memref_squeeze %dma_wait3A_180 : memref<1x400x64xf32, #tpu.memory_space<vmem>> -> memref<400x64xf32, #tpu.memory_space<vmem>>
      %dma_wait3A_182 = arith.constant 104 : i32
      %dma_wait3A_183 = arith.constant 0 : i32
      %dma_wait3A_184 = tpu.memref_slice %dma_wait3A_181[%dma_wait3A_182, %dma_wait3A_183] : memref<400x64xf32, #tpu.memory_space<vmem>> -> memref<104x64xf32, #tpu.memory_space<vmem>>
      %dma_wait3A_185 = tpu.memref_slice %arg6[%add3A_156] : memref<6400xi32, #tpu.memory_space<vmem>> -> memref<104xi32, #tpu.memory_space<vmem>>
      %dma_wait3A_186 = arith.constant 0 : i32
      %dma_wait3A_187 = arith.constant 0 : i32
      %dma_wait3A_188 = tpu.memref_slice %arg2[%dma_wait3A_186, %dma_wait3A_187] : memref<1000000x64xf32, #tpu.memory_space<hbm>> -> memref<1000000x64xf32, #tpu.memory_space<hbm>>
      tpu.wait_indirect_dma semaphore(%arg9 : memref<!tpu.dma_semaphore, #tpu.memory_space<semaphore_mem>>) src(%dma_wait3A_188 : memref<1000000x64xf32, #tpu.memory_space<hbm>>) dst(%dma_wait3A_184 : memref<104x64xf32, #tpu.memory_space<vmem>>)
      %dma_wait3A_189 = arith.constant 0 : i32
      %dma_wait3A_190 = arith.constant 0 : i32
      %dma_wait3A_191 = arith.constant 0 : i32
      %dma_wait3A_192 = tpu.memref_slice %arg7[%dma_wait3A_189, %dma_wait3A_190, %dma_wait3A_191] : memref<4x400x64xf32, #tpu.memory_space<vmem>> -> memref<1x400x64xf32, #tpu.memory_space<vmem>>
      %dma_wait3A_193 = tpu.memref_squeeze %dma_wait3A_192 : memref<1x400x64xf32, #tpu.memory_space<vmem>> -> memref<400x64xf32, #tpu.memory_space<vmem>>
      %dma_wait3A_194 = arith.constant 208 : i32
      %dma_wait3A_195 = arith.constant 0 : i32
      %dma_wait3A_196 = tpu.memref_slice %dma_wait3A_193[%dma_wait3A_194, %dma_wait3A_195] : memref<400x64xf32, #tpu.memory_space<vmem>> -> memref<104x64xf32, #tpu.memory_space<vmem>>
      %dma_wait3A_197 = tpu.memref_slice %arg6[%add3A_160] : memref<6400xi32, #tpu.memory_space<vmem>> -> memref<104xi32, #tpu.memory_space<vmem>>
      %dma_wait3A_198 = arith.constant 0 : i32
      %dma_wait3A_199 = arith.constant 0 : i32
      %dma_wait3A_200 = tpu.memref_slice %arg2[%dma_wait3A_198, %dma_wait3A_199] : memref<1000000x64xf32, #tpu.memory_space<hbm>> -> memref<1000000x64xf32, #tpu.memory_space<hbm>>
      tpu.wait_indirect_dma semaphore(%arg9 : memref<!tpu.dma_semaphore, #tpu.memory_space<semaphore_mem>>) src(%dma_wait3A_200 : memref<1000000x64xf32, #tpu.memory_space<hbm>>) dst(%dma_wait3A_196 : memref<104x64xf32, #tpu.memory_space<vmem>>)
      %dma_wait3A_201 = arith.constant 0 : i32
      %dma_wait3A_202 = arith.constant 0 : i32
      %dma_wait3A_203 = arith.constant 0 : i32
      %dma_wait3A_204 = tpu.memref_slice %arg7[%dma_wait3A_201, %dma_wait3A_202, %dma_wait3A_203] : memref<4x400x64xf32, #tpu.memory_space<vmem>> -> memref<1x400x64xf32, #tpu.memory_space<vmem>>
      %dma_wait3A_205 = tpu.memref_squeeze %dma_wait3A_204 : memref<1x400x64xf32, #tpu.memory_space<vmem>> -> memref<400x64xf32, #tpu.memory_space<vmem>>
      %dma_wait3A_206 = arith.constant 312 : i32
      %dma_wait3A_207 = arith.constant 0 : i32
      %dma_wait3A_208 = tpu.memref_slice %dma_wait3A_205[%dma_wait3A_206, %dma_wait3A_207] : memref<400x64xf32, #tpu.memory_space<vmem>> -> memref<88x64xf32, #tpu.memory_space<vmem>>
      %dma_wait3A_209 = tpu.memref_slice %arg6[%add3A_164] : memref<6400xi32, #tpu.memory_space<vmem>> -> memref<88xi32, #tpu.memory_space<vmem>>
      %dma_wait3A_210 = arith.constant 0 : i32
      %dma_wait3A_211 = arith.constant 0 : i32
      %dma_wait3A_212 = tpu.memref_slice %arg2[%dma_wait3A_210, %dma_wait3A_211] : memref<1000000x64xf32, #tpu.memory_space<hbm>> -> memref<1000000x64xf32, #tpu.memory_space<hbm>>
      tpu.wait_indirect_dma semaphore(%arg9 : memref<!tpu.dma_semaphore, #tpu.memory_space<semaphore_mem>>) src(%dma_wait3A_212 : memref<1000000x64xf32, #tpu.memory_space<hbm>>) dst(%dma_wait3A_208 : memref<88x64xf32, #tpu.memory_space<vmem>>)
      %parallel_loop3A = arith.constant 0 : i32
      %parallel_loop3A_213 = arith.constant 200 : i32
      %parallel_loop3A_214 = arith.constant 1 : i32
      %parallel_loop3A_215 = arith.constant 0 : i32
      scf.for %parallel_loop3A_525 = %parallel_loop3A to %parallel_loop3A_213 step %parallel_loop3A_214  : i32 {
        %parallel_loop3A_526 = arith.constant 64 : i32
        %parallel_loop3A_527 = arith.muli %parallel_loop3A_525, %parallel_loop3A_526 : i32
        %parallel_loop3A_528 = arith.constant 0 : i32
        %parallel_loop3A_529 = arith.addi %parallel_loop3A_527, %parallel_loop3A_528 : i32
        %parallel_loop3A_530 = arith.index_cast %parallel_loop3A_529 : i32 to index
        %parallel_loop3A_531 = tpu.vector_load %arg8[%parallel_loop3A_530] {strides = array<i32>} : memref<12800xf32, #tpu.memory_space<vmem>>, vector<16xf32>,
        %parallel_loop3A_532 = vector.shape_cast %parallel_loop3A_531 : vector<16xf32> to vector<16xf32>
        %parallel_loop3A_533 = arith.constant 0 : i32
        %parallel_loop3A_534 = arith.constant 0 : i32
        %parallel_loop3A_535 = tpu.memref_slice %arg7[%parallel_loop3A_215, %parallel_loop3A_533, %parallel_loop3A_534] : memref<4x400x64xf32, #tpu.memory_space<vmem>> -> memref<1x400x64xf32, #tpu.memory_space<vmem>>
        %parallel_loop3A_536 = tpu.memref_squeeze %parallel_loop3A_535 : memref<1x400x64xf32, #tpu.memory_space<vmem>> -> memref<400x64xf32, #tpu.memory_space<vmem>>
        %parallel_loop3A_537 = arith.index_cast %parallel_loop3A_525 : i32 to index
        %parallel_loop3A_538 = arith.constant 0 : index
        %parallel_loop3A_539 = tpu.vector_load %parallel_loop3A_536[%parallel_loop3A_537, %parallel_loop3A_538] {strides = array<i32>} : memref<400x64xf32, #tpu.memory_space<vmem>>, vector<1x16xf32>,
        %parallel_loop3A_540 = vector.shape_cast %parallel_loop3A_539 : vector<1x16xf32> to vector<16xf32>
        %parallel_loop3A_541 = arith.constant 8.000000e+00 : f32
        %parallel_loop3A_542 = vector.broadcast %parallel_loop3A_541 : f32 to vector<16xf32>
        %parallel_loop3A_543 = arith.mulf %parallel_loop3A_540, %parallel_loop3A_542 : vector<16xf32>
        %parallel_loop3A_544 = arith.addf %parallel_loop3A_543, %parallel_loop3A_532 : vector<16xf32>
        %parallel_loop3A_545 = arith.constant 0 : i32
        %parallel_loop3A_546 = arith.constant 0 : i32
        %parallel_loop3A_547 = tpu.memref_slice %arg7[%parallel_loop3A_215, %parallel_loop3A_545, %parallel_loop3A_546] : memref<4x400x64xf32, #tpu.memory_space<vmem>> -> memref<1x400x64xf32, #tpu.memory_space<vmem>>
        %parallel_loop3A_548 = tpu.memref_squeeze %parallel_loop3A_547 : memref<1x400x64xf32, #tpu.memory_space<vmem>> -> memref<400x64xf32, #tpu.memory_space<vmem>>
        %parallel_loop3A_549 = arith.index_cast %parallel_loop3A_525 : i32 to index
        %parallel_loop3A_550 = arith.constant 0 : index
        %parallel_loop3A_551 = tpu.vector_load %parallel_loop3A_548[%parallel_loop3A_549, %parallel_loop3A_550] {strides = array<i32>} : memref<400x64xf32, #tpu.memory_space<vmem>>, vector<1x16xf32>,
        %parallel_loop3A_552 = vector.shape_cast %parallel_loop3A_551 : vector<1x16xf32> to vector<16xf32>
        %parallel_loop3A_553 = vector.shape_cast %parallel_loop3A_544 : vector<16xf32> to vector<1x16xf32>
        tpu.vector_store %parallel_loop3A_548[%parallel_loop3A_549, %parallel_loop3A_550], %parallel_loop3A_553 {strides = array<i32>} : memref<400x64xf32, #tpu.memory_space<vmem>>, vector<1x16xf32>,
        %parallel_loop3A_554 = arith.constant 200 : i32
        %parallel_loop3A_555 = arith.addi %parallel_loop3A_525, %parallel_loop3A_554 : i32
        %parallel_loop3A_556 = arith.constant 0 : i32
        %parallel_loop3A_557 = arith.constant 0 : i32
        %parallel_loop3A_558 = tpu.memref_slice %arg7[%parallel_loop3A_215, %parallel_loop3A_556, %parallel_loop3A_557] : memref<4x400x64xf32, #tpu.memory_space<vmem>> -> memref<1x400x64xf32, #tpu.memory_space<vmem>>
        %parallel_loop3A_559 = tpu.memref_squeeze %parallel_loop3A_558 : memref<1x400x64xf32, #tpu.memory_space<vmem>> -> memref<400x64xf32, #tpu.memory_space<vmem>>
        %parallel_loop3A_560 = arith.index_cast %parallel_loop3A_555 : i32 to index
        %parallel_loop3A_561 = arith.constant 0 : index
        %parallel_loop3A_562 = tpu.vector_load %parallel_loop3A_559[%parallel_loop3A_560, %parallel_loop3A_561] {strides = array<i32>} : memref<400x64xf32, #tpu.memory_space<vmem>>, vector<1x16xf32>,
        %parallel_loop3A_563 = vector.shape_cast %parallel_loop3A_562 : vector<1x16xf32> to vector<16xf32>
        %parallel_loop3A_564 = arith.constant 8.000000e+00 : f32
        %parallel_loop3A_565 = vector.broadcast %parallel_loop3A_564 : f32 to vector<16xf32>
        %parallel_loop3A_566 = arith.mulf %parallel_loop3A_563, %parallel_loop3A_565 : vector<16xf32>
        %parallel_loop3A_567 = arith.addf %parallel_loop3A_566, %parallel_loop3A_532 : vector<16xf32>
        %parallel_loop3A_568 = arith.constant 0 : i32
        %parallel_loop3A_569 = arith.constant 0 : i32
        %parallel_loop3A_570 = tpu.memref_slice %arg7[%parallel_loop3A_215, %parallel_loop3A_568, %parallel_loop3A_569] : memref<4x400x64xf32, #tpu.memory_space<vmem>> -> memref<1x400x64xf32, #tpu.memory_space<vmem>>
        %parallel_loop3A_571 = tpu.memref_squeeze %parallel_loop3A_570 : memref<1x400x64xf32, #tpu.memory_space<vmem>> -> memref<400x64xf32, #tpu.memory_space<vmem>>
        %parallel_loop3A_572 = arith.index_cast %parallel_loop3A_555 : i32 to index
        %parallel_loop3A_573 = arith.constant 0 : index
        %parallel_loop3A_574 = tpu.vector_load %parallel_loop3A_571[%parallel_loop3A_572, %parallel_loop3A_573] {strides = array<i32>} : memref<400x64xf32, #tpu.memory_space<vmem>>, vector<1x16xf32>,
        %parallel_loop3A_575 = vector.shape_cast %parallel_loop3A_574 : vector<1x16xf32> to vector<16xf32>
        %parallel_loop3A_576 = vector.shape_cast %parallel_loop3A_567 : vector<16xf32> to vector<1x16xf32>
        tpu.vector_store %parallel_loop3A_571[%parallel_loop3A_572, %parallel_loop3A_573], %parallel_loop3A_576 {strides = array<i32>} : memref<400x64xf32, #tpu.memory_space<vmem>>, vector<1x16xf32>,
        %parallel_loop3A_577 = arith.constant 64 : i32
        %parallel_loop3A_578 = arith.muli %parallel_loop3A_525, %parallel_loop3A_577 : i32
        %parallel_loop3A_579 = arith.constant 16 : i32
        %parallel_loop3A_580 = arith.addi %parallel_loop3A_578, %parallel_loop3A_579 : i32
        %parallel_loop3A_581 = arith.index_cast %parallel_loop3A_580 : i32 to index
        %parallel_loop3A_582 = tpu.vector_load %arg8[%parallel_loop3A_581] {strides = array<i32>} : memref<12800xf32, #tpu.memory_space<vmem>>, vector<16xf32>,
        %parallel_loop3A_583 = vector.shape_cast %parallel_loop3A_582 : vector<16xf32> to vector<16xf32>
        %parallel_loop3A_584 = arith.constant 0 : i32
        %parallel_loop3A_585 = arith.constant 0 : i32
        %parallel_loop3A_586 = tpu.memref_slice %arg7[%parallel_loop3A_215, %parallel_loop3A_584, %parallel_loop3A_585] : memref<4x400x64xf32, #tpu.memory_space<vmem>> -> memref<1x400x64xf32, #tpu.memory_space<vmem>>
        %parallel_loop3A_587 = tpu.memref_squeeze %parallel_loop3A_586 : memref<1x400x64xf32, #tpu.memory_space<vmem>> -> memref<400x64xf32, #tpu.memory_space<vmem>>
        %parallel_loop3A_588 = arith.index_cast %parallel_loop3A_525 : i32 to index
        %parallel_loop3A_589 = arith.constant 16 : index
        %parallel_loop3A_590 = tpu.vector_load %parallel_loop3A_587[%parallel_loop3A_588, %parallel_loop3A_589] {strides = array<i32>} : memref<400x64xf32, #tpu.memory_space<vmem>>, vector<1x16xf32>,
        %parallel_loop3A_591 = vector.shape_cast %parallel_loop3A_590 : vector<1x16xf32> to vector<16xf32>
        %parallel_loop3A_592 = arith.constant 8.000000e+00 : f32
        %parallel_loop3A_593 = vector.broadcast %parallel_loop3A_592 : f32 to vector<16xf32>
        %parallel_loop3A_594 = arith.mulf %parallel_loop3A_591, %parallel_loop3A_593 : vector<16xf32>
        %parallel_loop3A_595 = arith.addf %parallel_loop3A_594, %parallel_loop3A_583 : vector<16xf32>
        %parallel_loop3A_596 = arith.constant 0 : i32
        %parallel_loop3A_597 = arith.constant 0 : i32
        %parallel_loop3A_598 = tpu.memref_slice %arg7[%parallel_loop3A_215, %parallel_loop3A_596, %parallel_loop3A_597] : memref<4x400x64xf32, #tpu.memory_space<vmem>> -> memref<1x400x64xf32, #tpu.memory_space<vmem>>
        %parallel_loop3A_599 = tpu.memref_squeeze %parallel_loop3A_598 : memref<1x400x64xf32, #tpu.memory_space<vmem>> -> memref<400x64xf32, #tpu.memory_space<vmem>>
        %parallel_loop3A_600 = arith.index_cast %parallel_loop3A_525 : i32 to index
        %parallel_loop3A_601 = arith.constant 16 : index
        %parallel_loop3A_602 = tpu.vector_load %parallel_loop3A_599[%parallel_loop3A_600, %parallel_loop3A_601] {strides = array<i32>} : memref<400x64xf32, #tpu.memory_space<vmem>>, vector<1x16xf32>,
        %parallel_loop3A_603 = vector.shape_cast %parallel_loop3A_602 : vector<1x16xf32> to vector<16xf32>
        %parallel_loop3A_604 = vector.shape_cast %parallel_loop3A_595 : vector<16xf32> to vector<1x16xf32>
        tpu.vector_store %parallel_loop3A_599[%parallel_loop3A_600, %parallel_loop3A_601], %parallel_loop3A_604 {strides = array<i32>} : memref<400x64xf32, #tpu.memory_space<vmem>>, vector<1x16xf32>,
        %parallel_loop3A_605 = arith.constant 200 : i32
        %parallel_loop3A_606 = arith.addi %parallel_loop3A_525, %parallel_loop3A_605 : i32
        %parallel_loop3A_607 = arith.constant 0 : i32
        %parallel_loop3A_608 = arith.constant 0 : i32
        %parallel_loop3A_609 = tpu.memref_slice %arg7[%parallel_loop3A_215, %parallel_loop3A_607, %parallel_loop3A_608] : memref<4x400x64xf32, #tpu.memory_space<vmem>> -> memref<1x400x64xf32, #tpu.memory_space<vmem>>
        %parallel_loop3A_610 = tpu.memref_squeeze %parallel_loop3A_609 : memref<1x400x64xf32, #tpu.memory_space<vmem>> -> memref<400x64xf32, #tpu.memory_space<vmem>>
        %parallel_loop3A_611 = arith.index_cast %parallel_loop3A_606 : i32 to index
        %parallel_loop3A_612 = arith.constant 16 : index
        %parallel_loop3A_613 = tpu.vector_load %parallel_loop3A_610[%parallel_loop3A_611, %parallel_loop3A_612] {strides = array<i32>} : memref<400x64xf32, #tpu.memory_space<vmem>>, vector<1x16xf32>,
        %parallel_loop3A_614 = vector.shape_cast %parallel_loop3A_613 : vector<1x16xf32> to vector<16xf32>
        %parallel_loop3A_615 = arith.constant 8.000000e+00 : f32
        %parallel_loop3A_616 = vector.broadcast %parallel_loop3A_615 : f32 to vector<16xf32>
        %parallel_loop3A_617 = arith.mulf %parallel_loop3A_614, %parallel_loop3A_616 : vector<16xf32>
        %parallel_loop3A_618 = arith.addf %parallel_loop3A_617, %parallel_loop3A_583 : vector<16xf32>
        %parallel_loop3A_619 = arith.constant 0 : i32
        %parallel_loop3A_620 = arith.constant 0 : i32
        %parallel_loop3A_621 = tpu.memref_slice %arg7[%parallel_loop3A_215, %parallel_loop3A_619, %parallel_loop3A_620] : memref<4x400x64xf32, #tpu.memory_space<vmem>> -> memref<1x400x64xf32, #tpu.memory_space<vmem>>
        %parallel_loop3A_622 = tpu.memref_squeeze %parallel_loop3A_621 : memref<1x400x64xf32, #tpu.memory_space<vmem>> -> memref<400x64xf32, #tpu.memory_space<vmem>>
        %parallel_loop3A_623 = arith.index_cast %parallel_loop3A_606 : i32 to index
        %parallel_loop3A_624 = arith.constant 16 : index
        %parallel_loop3A_625 = tpu.vector_load %parallel_loop3A_622[%parallel_loop3A_623, %parallel_loop3A_624] {strides = array<i32>} : memref<400x64xf32, #tpu.memory_space<vmem>>, vector<1x16xf32>,
        %parallel_loop3A_626 = vector.shape_cast %parallel_loop3A_625 : vector<1x16xf32> to vector<16xf32>
        %parallel_loop3A_627 = vector.shape_cast %parallel_loop3A_618 : vector<16xf32> to vector<1x16xf32>
        tpu.vector_store %parallel_loop3A_622[%parallel_loop3A_623, %parallel_loop3A_624], %parallel_loop3A_627 {strides = array<i32>} : memref<400x64xf32, #tpu.memory_space<vmem>>, vector<1x16xf32>,
        %parallel_loop3A_628 = arith.constant 64 : i32
        %parallel_loop3A_629 = arith.muli %parallel_loop3A_525, %parallel_loop3A_628 : i32
        %parallel_loop3A_630 = arith.constant 32 : i32
        %parallel_loop3A_631 = arith.addi %parallel_loop3A_629, %parallel_loop3A_630 : i32
        %parallel_loop3A_632 = arith.index_cast %parallel_loop3A_631 : i32 to index
        %parallel_loop3A_633 = tpu.vector_load %arg8[%parallel_loop3A_632] {strides = array<i32>} : memref<12800xf32, #tpu.memory_space<vmem>>, vector<16xf32>,
        %parallel_loop3A_634 = vector.shape_cast %parallel_loop3A_633 : vector<16xf32> to vector<16xf32>
        %parallel_loop3A_635 = arith.constant 0 : i32
        %parallel_loop3A_636 = arith.constant 0 : i32
        %parallel_loop3A_637 = tpu.memref_slice %arg7[%parallel_loop3A_215, %parallel_loop3A_635, %parallel_loop3A_636] : memref<4x400x64xf32, #tpu.memory_space<vmem>> -> memref<1x400x64xf32, #tpu.memory_space<vmem>>
        %parallel_loop3A_638 = tpu.memref_squeeze %parallel_loop3A_637 : memref<1x400x64xf32, #tpu.memory_space<vmem>> -> memref<400x64xf32, #tpu.memory_space<vmem>>
        %parallel_loop3A_639 = arith.index_cast %parallel_loop3A_525 : i32 to index
        %parallel_loop3A_640 = arith.constant 32 : index
        %parallel_loop3A_641 = tpu.vector_load %parallel_loop3A_638[%parallel_loop3A_639, %parallel_loop3A_640] {strides = array<i32>} : memref<400x64xf32, #tpu.memory_space<vmem>>, vector<1x16xf32>,
        %parallel_loop3A_642 = vector.shape_cast %parallel_loop3A_641 : vector<1x16xf32> to vector<16xf32>
        %parallel_loop3A_643 = arith.constant 8.000000e+00 : f32
        %parallel_loop3A_644 = vector.broadcast %parallel_loop3A_643 : f32 to vector<16xf32>
        %parallel_loop3A_645 = arith.mulf %parallel_loop3A_642, %parallel_loop3A_644 : vector<16xf32>
        %parallel_loop3A_646 = arith.addf %parallel_loop3A_645, %parallel_loop3A_634 : vector<16xf32>
        %parallel_loop3A_647 = arith.constant 0 : i32
        %parallel_loop3A_648 = arith.constant 0 : i32
        %parallel_loop3A_649 = tpu.memref_slice %arg7[%parallel_loop3A_215, %parallel_loop3A_647, %parallel_loop3A_648] : memref<4x400x64xf32, #tpu.memory_space<vmem>> -> memref<1x400x64xf32, #tpu.memory_space<vmem>>
        %parallel_loop3A_650 = tpu.memref_squeeze %parallel_loop3A_649 : memref<1x400x64xf32, #tpu.memory_space<vmem>> -> memref<400x64xf32, #tpu.memory_space<vmem>>
        %parallel_loop3A_651 = arith.index_cast %parallel_loop3A_525 : i32 to index
        %parallel_loop3A_652 = arith.constant 32 : index
        %parallel_loop3A_653 = tpu.vector_load %parallel_loop3A_650[%parallel_loop3A_651, %parallel_loop3A_652] {strides = array<i32>} : memref<400x64xf32, #tpu.memory_space<vmem>>, vector<1x16xf32>,
        %parallel_loop3A_654 = vector.shape_cast %parallel_loop3A_653 : vector<1x16xf32> to vector<16xf32>
        %parallel_loop3A_655 = vector.shape_cast %parallel_loop3A_646 : vector<16xf32> to vector<1x16xf32>
        tpu.vector_store %parallel_loop3A_650[%parallel_loop3A_651, %parallel_loop3A_652], %parallel_loop3A_655 {strides = array<i32>} : memref<400x64xf32, #tpu.memory_space<vmem>>, vector<1x16xf32>,
        %parallel_loop3A_656 = arith.constant 200 : i32
        %parallel_loop3A_657 = arith.addi %parallel_loop3A_525, %parallel_loop3A_656 : i32
        %parallel_loop3A_658 = arith.constant 0 : i32
        %parallel_loop3A_659 = arith.constant 0 : i32
        %parallel_loop3A_660 = tpu.memref_slice %arg7[%parallel_loop3A_215, %parallel_loop3A_658, %parallel_loop3A_659] : memref<4x400x64xf32, #tpu.memory_space<vmem>> -> memref<1x400x64xf32, #tpu.memory_space<vmem>>
        %parallel_loop3A_661 = tpu.memref_squeeze %parallel_loop3A_660 : memref<1x400x64xf32, #tpu.memory_space<vmem>> -> memref<400x64xf32, #tpu.memory_space<vmem>>
        %parallel_loop3A_662 = arith.index_cast %parallel_loop3A_657 : i32 to index
        %parallel_loop3A_663 = arith.constant 32 : index
        %parallel_loop3A_664 = tpu.vector_load %parallel_loop3A_661[%parallel_loop3A_662, %parallel_loop3A_663] {strides = array<i32>} : memref<400x64xf32, #tpu.memory_space<vmem>>, vector<1x16xf32>,
        %parallel_loop3A_665 = vector.shape_cast %parallel_loop3A_664 : vector<1x16xf32> to vector<16xf32>
        %parallel_loop3A_666 = arith.constant 8.000000e+00 : f32
        %parallel_loop3A_667 = vector.broadcast %parallel_loop3A_666 : f32 to vector<16xf32>
        %parallel_loop3A_668 = arith.mulf %parallel_loop3A_665, %parallel_loop3A_667 : vector<16xf32>
        %parallel_loop3A_669 = arith.addf %parallel_loop3A_668, %parallel_loop3A_634 : vector<16xf32>
        %parallel_loop3A_670 = arith.constant 0 : i32
        %parallel_loop3A_671 = arith.constant 0 : i32
        %parallel_loop3A_672 = tpu.memref_slice %arg7[%parallel_loop3A_215, %parallel_loop3A_670, %parallel_loop3A_671] : memref<4x400x64xf32, #tpu.memory_space<vmem>> -> memref<1x400x64xf32, #tpu.memory_space<vmem>>
        %parallel_loop3A_673 = tpu.memref_squeeze %parallel_loop3A_672 : memref<1x400x64xf32, #tpu.memory_space<vmem>> -> memref<400x64xf32, #tpu.memory_space<vmem>>
        %parallel_loop3A_674 = arith.index_cast %parallel_loop3A_657 : i32 to index
        %parallel_loop3A_675 = arith.constant 32 : index
        %parallel_loop3A_676 = tpu.vector_load %parallel_loop3A_673[%parallel_loop3A_674, %parallel_loop3A_675] {strides = array<i32>} : memref<400x64xf32, #tpu.memory_space<vmem>>, vector<1x16xf32>,
        %parallel_loop3A_677 = vector.shape_cast %parallel_loop3A_676 : vector<1x16xf32> to vector<16xf32>
        %parallel_loop3A_678 = vector.shape_cast %parallel_loop3A_669 : vector<16xf32> to vector<1x16xf32>
        tpu.vector_store %parallel_loop3A_673[%parallel_loop3A_674, %parallel_loop3A_675], %parallel_loop3A_678 {strides = array<i32>} : memref<400x64xf32, #tpu.memory_space<vmem>>, vector<1x16xf32>,
        %parallel_loop3A_679 = arith.constant 64 : i32
        %parallel_loop3A_680 = arith.muli %parallel_loop3A_525, %parallel_loop3A_679 : i32
        %parallel_loop3A_681 = arith.constant 48 : i32
        %parallel_loop3A_682 = arith.addi %parallel_loop3A_680, %parallel_loop3A_681 : i32
        %parallel_loop3A_683 = arith.index_cast %parallel_loop3A_682 : i32 to index
        %parallel_loop3A_684 = tpu.vector_load %arg8[%parallel_loop3A_683] {strides = array<i32>} : memref<12800xf32, #tpu.memory_space<vmem>>, vector<16xf32>,
        %parallel_loop3A_685 = vector.shape_cast %parallel_loop3A_684 : vector<16xf32> to vector<16xf32>
        %parallel_loop3A_686 = arith.constant 0 : i32
        %parallel_loop3A_687 = arith.constant 0 : i32
        %parallel_loop3A_688 = tpu.memref_slice %arg7[%parallel_loop3A_215, %parallel_loop3A_686, %parallel_loop3A_687] : memref<4x400x64xf32, #tpu.memory_space<vmem>> -> memref<1x400x64xf32, #tpu.memory_space<vmem>>
        %parallel_loop3A_689 = tpu.memref_squeeze %parallel_loop3A_688 : memref<1x400x64xf32, #tpu.memory_space<vmem>> -> memref<400x64xf32, #tpu.memory_space<vmem>>
        %parallel_loop3A_690 = arith.index_cast %parallel_loop3A_525 : i32 to index
        %parallel_loop3A_691 = arith.constant 48 : index
        %parallel_loop3A_692 = tpu.vector_load %parallel_loop3A_689[%parallel_loop3A_690, %parallel_loop3A_691] {strides = array<i32>} : memref<400x64xf32, #tpu.memory_space<vmem>>, vector<1x16xf32>,
        %parallel_loop3A_693 = vector.shape_cast %parallel_loop3A_692 : vector<1x16xf32> to vector<16xf32>
        %parallel_loop3A_694 = arith.constant 8.000000e+00 : f32
        %parallel_loop3A_695 = vector.broadcast %parallel_loop3A_694 : f32 to vector<16xf32>
        %parallel_loop3A_696 = arith.mulf %parallel_loop3A_693, %parallel_loop3A_695 : vector<16xf32>
        %parallel_loop3A_697 = arith.addf %parallel_loop3A_696, %parallel_loop3A_685 : vector<16xf32>
        %parallel_loop3A_698 = arith.constant 0 : i32
        %parallel_loop3A_699 = arith.constant 0 : i32
        %parallel_loop3A_700 = tpu.memref_slice %arg7[%parallel_loop3A_215, %parallel_loop3A_698, %parallel_loop3A_699] : memref<4x400x64xf32, #tpu.memory_space<vmem>> -> memref<1x400x64xf32, #tpu.memory_space<vmem>>
        %parallel_loop3A_701 = tpu.memref_squeeze %parallel_loop3A_700 : memref<1x400x64xf32, #tpu.memory_space<vmem>> -> memref<400x64xf32, #tpu.memory_space<vmem>>
        %parallel_loop3A_702 = arith.index_cast %parallel_loop3A_525 : i32 to index
        %parallel_loop3A_703 = arith.constant 48 : index
        %parallel_loop3A_704 = tpu.vector_load %parallel_loop3A_701[%parallel_loop3A_702, %parallel_loop3A_703] {strides = array<i32>} : memref<400x64xf32, #tpu.memory_space<vmem>>, vector<1x16xf32>,
        %parallel_loop3A_705 = vector.shape_cast %parallel_loop3A_704 : vector<1x16xf32> to vector<16xf32>
        %parallel_loop3A_706 = vector.shape_cast %parallel_loop3A_697 : vector<16xf32> to vector<1x16xf32>
        tpu.vector_store %parallel_loop3A_701[%parallel_loop3A_702, %parallel_loop3A_703], %parallel_loop3A_706 {strides = array<i32>} : memref<400x64xf32, #tpu.memory_space<vmem>>, vector<1x16xf32>,
        %parallel_loop3A_707 = arith.constant 200 : i32
        %parallel_loop3A_708 = arith.addi %parallel_loop3A_525, %parallel_loop3A_707 : i32
        %parallel_loop3A_709 = arith.constant 0 : i32
        %parallel_loop3A_710 = arith.constant 0 : i32
        %parallel_loop3A_711 = tpu.memref_slice %arg7[%parallel_loop3A_215, %parallel_loop3A_709, %parallel_loop3A_710] : memref<4x400x64xf32, #tpu.memory_space<vmem>> -> memref<1x400x64xf32, #tpu.memory_space<vmem>>
        %parallel_loop3A_712 = tpu.memref_squeeze %parallel_loop3A_711 : memref<1x400x64xf32, #tpu.memory_space<vmem>> -> memref<400x64xf32, #tpu.memory_space<vmem>>
        %parallel_loop3A_713 = arith.index_cast %parallel_loop3A_708 : i32 to index
        %parallel_loop3A_714 = arith.constant 48 : index
        %parallel_loop3A_715 = tpu.vector_load %parallel_loop3A_712[%parallel_loop3A_713, %parallel_loop3A_714] {strides = array<i32>} : memref<400x64xf32, #tpu.memory_space<vmem>>, vector<1x16xf32>,
        %parallel_loop3A_716 = vector.shape_cast %parallel_loop3A_715 : vector<1x16xf32> to vector<16xf32>
        %parallel_loop3A_717 = arith.constant 8.000000e+00 : f32
        %parallel_loop3A_718 = vector.broadcast %parallel_loop3A_717 : f32 to vector<16xf32>
        %parallel_loop3A_719 = arith.mulf %parallel_loop3A_716, %parallel_loop3A_718 : vector<16xf32>
        %parallel_loop3A_720 = arith.addf %parallel_loop3A_719, %parallel_loop3A_685 : vector<16xf32>
        %parallel_loop3A_721 = arith.constant 0 : i32
        %parallel_loop3A_722 = arith.constant 0 : i32
        %parallel_loop3A_723 = tpu.memref_slice %arg7[%parallel_loop3A_215, %parallel_loop3A_721, %parallel_loop3A_722] : memref<4x400x64xf32, #tpu.memory_space<vmem>> -> memref<1x400x64xf32, #tpu.memory_space<vmem>>
        %parallel_loop3A_724 = tpu.memref_squeeze %parallel_loop3A_723 : memref<1x400x64xf32, #tpu.memory_space<vmem>> -> memref<400x64xf32, #tpu.memory_space<vmem>>
        %parallel_loop3A_725 = arith.index_cast %parallel_loop3A_708 : i32 to index
        %parallel_loop3A_726 = arith.constant 48 : index
        %parallel_loop3A_727 = tpu.vector_load %parallel_loop3A_724[%parallel_loop3A_725, %parallel_loop3A_726] {strides = array<i32>} : memref<400x64xf32, #tpu.memory_space<vmem>>, vector<1x16xf32>,
        %parallel_loop3A_728 = vector.shape_cast %parallel_loop3A_727 : vector<1x16xf32> to vector<16xf32>
        %parallel_loop3A_729 = vector.shape_cast %parallel_loop3A_720 : vector<16xf32> to vector<1x16xf32>
        tpu.vector_store %parallel_loop3A_724[%parallel_loop3A_725, %parallel_loop3A_726], %parallel_loop3A_729 {strides = array<i32>} : memref<400x64xf32, #tpu.memory_space<vmem>>, vector<1x16xf32>,
      } {sc.loop_unroll_factor = 4 : i64, sc.parallel_access}
      %mul3A_216 = arith.constant 6400 : i32
      %mul3A_217 = arith.muli %add3A, %mul3A_216 : i32
      %mul3A_218 = arith.constant 400 : i32
      %mul3A_219 = arith.muli %add3A_144, %mul3A_218 : i32
      %add3A_220 = arith.addi %mul3A_217, %mul3A_219 : i32
      %dma_start3A_221 = arith.constant 0 : i32
      %dma_start3A_222 = arith.constant 0 : i32
      %dma_start3A_223 = arith.constant 0 : i32
      %dma_start3A_224 = tpu.memref_slice %arg7[%dma_start3A_221, %dma_start3A_222, %dma_start3A_223] : memref<4x400x64xf32, #tpu.memory_space<vmem>> -> memref<1x400x64xf32, #tpu.memory_space<vmem>>
      %dma_start3A_225 = tpu.memref_squeeze %dma_start3A_224 : memref<1x400x64xf32, #tpu.memory_space<vmem>> -> memref<400x64xf32, #tpu.memory_space<vmem>>
      %dma_start3A_226 = arith.constant 0 : i32
      %dma_start3A_227 = tpu.memref_slice %arg5[%add3A_220, %dma_start3A_226] : memref<204800x64xf32, #tpu.memory_space<hbm>> -> memref<400x64xf32, #tpu.memory_space<hbm>>
      %dma_start3A_228 = arith.constant 0 : i32
      %dma_start3A_229 = tpu.memref_slice %arg5[%add3A_220, %dma_start3A_228] : memref<204800x64xf32, #tpu.memory_space<hbm>> -> memref<400x64xf32, #tpu.memory_space<hbm>>
      %dma_start3A_230 = arith.constant 0 : i32
      %dma_start3A_231 = arith.constant 0 : i32
      %dma_start3A_232 = tpu.memref_slice %arg7[%dma_start3A_221, %dma_start3A_230, %dma_start3A_231] : memref<4x400x64xf32, #tpu.memory_space<vmem>> -> memref<1x400x64xf32, #tpu.memory_space<vmem>>
      %dma_start3A_233 = tpu.memref_squeeze %dma_start3A_232 : memref<1x400x64xf32, #tpu.memory_space<vmem>> -> memref<400x64xf32, #tpu.memory_space<vmem>>
      tpu.enqueue_dma source(%dma_start3A_233 : memref<400x64xf32, #tpu.memory_space<vmem>>) target(%dma_start3A_229 : memref<400x64xf32, #tpu.memory_space<hbm>>) target_semaphore(%arg13 : memref<!tpu.dma_semaphore, #tpu.memory_space<semaphore_mem>>)
      %mul3A_234 = arith.constant 4 : i32
      %mul3A_235 = arith.muli %scan3A_140, %mul3A_234 : i32
      %add3A_236 = arith.constant 1 : i32
      %add3A_237 = arith.addi %mul3A_235, %add3A_236 : i32
      %add3A_238 = arith.constant 2 : i32
      %add3A_239 = arith.addi %add3A_237, %add3A_238 : i32
      %lt3A_240 = arith.constant 16 : i32
      %lt3A_241 = arith.cmpi slt, %add3A_239, %lt3A_240 : i32
      %convert_element_type3A_242 = arith.extui %lt3A_241 : i1 to i32
      %cond3A_243 = arith.constant 0 : i32
      %cond3A_244 = arith.cmpi ne, %convert_element_type3A_242, %cond3A_243 : i32
      scf.if %cond3A_244 {
        %ge3A = arith.constant 2 : i32
        %ge3A_525 = arith.cmpi sge, %add3A_237, %ge3A : i32
        %convert_element_type3A_526 = arith.extui %ge3A_525 : i1 to i32
        %cond3A_527 = arith.constant 0 : i32
        %cond3A_528 = arith.cmpi ne, %convert_element_type3A_526, %cond3A_527 : i32
        scf.if %cond3A_528 {
          %dma_wait3A_595 = arith.constant 3 : i32
          %dma_wait3A_596 = arith.constant 0 : i32
          %dma_wait3A_597 = arith.constant 0 : i32
          %dma_wait3A_598 = tpu.memref_slice %arg7[%dma_wait3A_595, %dma_wait3A_596, %dma_wait3A_597] : memref<4x400x64xf32, #tpu.memory_space<vmem>> -> memref<1x400x64xf32, #tpu.memory_space<vmem>>
          %dma_wait3A_599 = tpu.memref_squeeze %dma_wait3A_598 : memref<1x400x64xf32, #tpu.memory_space<vmem>> -> memref<400x64xf32, #tpu.memory_space<vmem>>
          %dma_wait3A_600 = arith.constant 0 : i32
          %dma_wait3A_601 = arith.constant 0 : i32
          %dma_wait3A_602 = tpu.memref_slice %arg5[%dma_wait3A_600, %dma_wait3A_601] : memref<204800x64xf32, #tpu.memory_space<hbm>> -> memref<400x64xf32, #tpu.memory_space<hbm>>
          %dma_wait3A_603 = arith.constant 0 : i32
          %dma_wait3A_604 = arith.constant 0 : i32
          %dma_wait3A_605 = tpu.memref_slice %arg5[%dma_wait3A_603, %dma_wait3A_604] : memref<204800x64xf32, #tpu.memory_space<hbm>> -> memref<400x64xf32, #tpu.memory_space<hbm>>
          %dma_wait3A_606 = arith.constant 0 : i32
          %dma_wait3A_607 = arith.constant 0 : i32
          %dma_wait3A_608 = tpu.memref_slice %arg7[%dma_wait3A_595, %dma_wait3A_606, %dma_wait3A_607] : memref<4x400x64xf32, #tpu.memory_space<vmem>> -> memref<1x400x64xf32, #tpu.memory_space<vmem>>
          %dma_wait3A_609 = tpu.memref_squeeze %dma_wait3A_608 : memref<1x400x64xf32, #tpu.memory_space<vmem>> -> memref<400x64xf32, #tpu.memory_space<vmem>>
          tpu.wait_dma2 semaphore(%arg16 : memref<!tpu.dma_semaphore, #tpu.memory_space<semaphore_mem>>) src(%dma_wait3A_609 : memref<400x64xf32, #tpu.memory_space<vmem>>) dst(%dma_wait3A_605 : memref<400x64xf32, #tpu.memory_space<hbm>>)
        } else {
        }
        %add3A_529 = arith.constant 2 : i32
        %add3A_530 = arith.addi %add3A_237, %add3A_529 : i32
        %mul3A_531 = arith.constant 400 : i32
        %mul3A_532 = arith.muli %add3A_530, %mul3A_531 : i32
        %add3A_533 = arith.constant 0 : i32
        %add3A_534 = arith.addi %mul3A_532, %add3A_533 : i32
        %mul3A_535 = arith.constant 400 : i32
        %mul3A_536 = arith.muli %add3A_530, %mul3A_535 : i32
        %add3A_537 = arith.constant 104 : i32
        %add3A_538 = arith.addi %mul3A_536, %add3A_537 : i32
        %mul3A_539 = arith.constant 400 : i32
        %mul3A_540 = arith.muli %add3A_530, %mul3A_539 : i32
        %add3A_541 = arith.constant 208 : i32
        %add3A_542 = arith.addi %mul3A_540, %add3A_541 : i32
        %mul3A_543 = arith.constant 400 : i32
        %mul3A_544 = arith.muli %add3A_530, %mul3A_543 : i32
        %add3A_545 = arith.constant 312 : i32
        %add3A_546 = arith.addi %mul3A_544, %add3A_545 : i32
        %dma_start3A_547 = arith.constant 3 : i32
        %dma_start3A_548 = arith.constant 0 : i32
        %dma_start3A_549 = arith.constant 0 : i32
        %dma_start3A_550 = tpu.memref_slice %arg7[%dma_start3A_547, %dma_start3A_548, %dma_start3A_549] : memref<4x400x64xf32, #tpu.memory_space<vmem>> -> memref<1x400x64xf32, #tpu.memory_space<vmem>>
        %dma_start3A_551 = tpu.memref_squeeze %dma_start3A_550 : memref<1x400x64xf32, #tpu.memory_space<vmem>> -> memref<400x64xf32, #tpu.memory_space<vmem>>
        %dma_start3A_552 = arith.constant 0 : i32
        %dma_start3A_553 = arith.constant 0 : i32
        %dma_start3A_554 = tpu.memref_slice %dma_start3A_551[%dma_start3A_552, %dma_start3A_553] : memref<400x64xf32, #tpu.memory_space<vmem>> -> memref<104x64xf32, #tpu.memory_space<vmem>>
        %dma_start3A_555 = tpu.memref_slice %arg6[%add3A_534] : memref<6400xi32, #tpu.memory_space<vmem>> -> memref<104xi32, #tpu.memory_space<vmem>>
        %dma_start3A_556 = arith.constant 0 : i32
        %dma_start3A_557 = arith.constant 0 : i32
        %dma_start3A_558 = tpu.memref_slice %arg2[%dma_start3A_556, %dma_start3A_557] : memref<1000000x64xf32, #tpu.memory_space<hbm>> -> memref<1000000x64xf32, #tpu.memory_space<hbm>>
        tpu.enqueue_indirect_dma source(%dma_start3A_558 : memref<1000000x64xf32, #tpu.memory_space<hbm>>) target(%dma_start3A_554 : memref<104x64xf32, #tpu.memory_space<vmem>>) offsets(%dma_start3A_555 : memref<104xi32, #tpu.memory_space<vmem>>) semaphore(%arg12 : memref<!tpu.dma_semaphore, #tpu.memory_space<semaphore_mem>>)
        %dma_start3A_559 = arith.constant 3 : i32
        %dma_start3A_560 = arith.constant 0 : i32
        %dma_start3A_561 = arith.constant 0 : i32
        %dma_start3A_562 = tpu.memref_slice %arg7[%dma_start3A_559, %dma_start3A_560, %dma_start3A_561] : memref<4x400x64xf32, #tpu.memory_space<vmem>> -> memref<1x400x64xf32, #tpu.memory_space<vmem>>
        %dma_start3A_563 = tpu.memref_squeeze %dma_start3A_562 : memref<1x400x64xf32, #tpu.memory_space<vmem>> -> memref<400x64xf32, #tpu.memory_space<vmem>>
        %dma_start3A_564 = arith.constant 104 : i32
        %dma_start3A_565 = arith.constant 0 : i32
        %dma_start3A_566 = tpu.memref_slice %dma_start3A_563[%dma_start3A_564, %dma_start3A_565] : memref<400x64xf32, #tpu.memory_space<vmem>> -> memref<104x64xf32, #tpu.memory_space<vmem>>
        %dma_start3A_567 = tpu.memref_slice %arg6[%add3A_538] : memref<6400xi32, #tpu.memory_space<vmem>> -> memref<104xi32, #tpu.memory_space<vmem>>
        %dma_start3A_568 = arith.constant 0 : i32
        %dma_start3A_569 = arith.constant 0 : i32
        %dma_start3A_570 = tpu.memref_slice %arg2[%dma_start3A_568, %dma_start3A_569] : memref<1000000x64xf32, #tpu.memory_space<hbm>> -> memref<1000000x64xf32, #tpu.memory_space<hbm>>
        tpu.enqueue_indirect_dma source(%dma_start3A_570 : memref<1000000x64xf32, #tpu.memory_space<hbm>>) target(%dma_start3A_566 : memref<104x64xf32, #tpu.memory_space<vmem>>) offsets(%dma_start3A_567 : memref<104xi32, #tpu.memory_space<vmem>>) semaphore(%arg12 : memref<!tpu.dma_semaphore, #tpu.memory_space<semaphore_mem>>)
        %dma_start3A_571 = arith.constant 3 : i32
        %dma_start3A_572 = arith.constant 0 : i32
        %dma_start3A_573 = arith.constant 0 : i32
        %dma_start3A_574 = tpu.memref_slice %arg7[%dma_start3A_571, %dma_start3A_572, %dma_start3A_573] : memref<4x400x64xf32, #tpu.memory_space<vmem>> -> memref<1x400x64xf32, #tpu.memory_space<vmem>>
        %dma_start3A_575 = tpu.memref_squeeze %dma_start3A_574 : memref<1x400x64xf32, #tpu.memory_space<vmem>> -> memref<400x64xf32, #tpu.memory_space<vmem>>
        %dma_start3A_576 = arith.constant 208 : i32
        %dma_start3A_577 = arith.constant 0 : i32
        %dma_start3A_578 = tpu.memref_slice %dma_start3A_575[%dma_start3A_576, %dma_start3A_577] : memref<400x64xf32, #tpu.memory_space<vmem>> -> memref<104x64xf32, #tpu.memory_space<vmem>>
        %dma_start3A_579 = tpu.memref_slice %arg6[%add3A_542] : memref<6400xi32, #tpu.memory_space<vmem>> -> memref<104xi32, #tpu.memory_space<vmem>>
        %dma_start3A_580 = arith.constant 0 : i32
        %dma_start3A_581 = arith.constant 0 : i32
        %dma_start3A_582 = tpu.memref_slice %arg2[%dma_start3A_580, %dma_start3A_581] : memref<1000000x64xf32, #tpu.memory_space<hbm>> -> memref<1000000x64xf32, #tpu.memory_space<hbm>>
        tpu.enqueue_indirect_dma source(%dma_start3A_582 : memref<1000000x64xf32, #tpu.memory_space<hbm>>) target(%dma_start3A_578 : memref<104x64xf32, #tpu.memory_space<vmem>>) offsets(%dma_start3A_579 : memref<104xi32, #tpu.memory_space<vmem>>) semaphore(%arg12 : memref<!tpu.dma_semaphore, #tpu.memory_space<semaphore_mem>>)
        %dma_start3A_583 = arith.constant 3 : i32
        %dma_start3A_584 = arith.constant 0 : i32
        %dma_start3A_585 = arith.constant 0 : i32
        %dma_start3A_586 = tpu.memref_slice %arg7[%dma_start3A_583, %dma_start3A_584, %dma_start3A_585] : memref<4x400x64xf32, #tpu.memory_space<vmem>> -> memref<1x400x64xf32, #tpu.memory_space<vmem>>
        %dma_start3A_587 = tpu.memref_squeeze %dma_start3A_586 : memref<1x400x64xf32, #tpu.memory_space<vmem>> -> memref<400x64xf32, #tpu.memory_space<vmem>>
        %dma_start3A_588 = arith.constant 312 : i32
        %dma_start3A_589 = arith.constant 0 : i32
        %dma_start3A_590 = tpu.memref_slice %dma_start3A_587[%dma_start3A_588, %dma_start3A_589] : memref<400x64xf32, #tpu.memory_space<vmem>> -> memref<88x64xf32, #tpu.memory_space<vmem>>
        %dma_start3A_591 = tpu.memref_slice %arg6[%add3A_546] : memref<6400xi32, #tpu.memory_space<vmem>> -> memref<88xi32, #tpu.memory_space<vmem>>
        %dma_start3A_592 = arith.constant 0 : i32
        %dma_start3A_593 = arith.constant 0 : i32
        %dma_start3A_594 = tpu.memref_slice %arg2[%dma_start3A_592, %dma_start3A_593] : memref<1000000x64xf32, #tpu.memory_space<hbm>> -> memref<1000000x64xf32, #tpu.memory_space<hbm>>
        tpu.enqueue_indirect_dma source(%dma_start3A_594 : memref<1000000x64xf32, #tpu.memory_space<hbm>>) target(%dma_start3A_590 : memref<88x64xf32, #tpu.memory_space<vmem>>) offsets(%dma_start3A_591 : memref<88xi32, #tpu.memory_space<vmem>>) semaphore(%arg12 : memref<!tpu.dma_semaphore, #tpu.memory_space<semaphore_mem>>)
      } else {
      }
      %mul3A_245 = arith.constant 400 : i32
      %mul3A_246 = arith.muli %add3A_237, %mul3A_245 : i32
      %add3A_247 = arith.constant 0 : i32
      %add3A_248 = arith.addi %mul3A_246, %add3A_247 : i32
      %mul3A_249 = arith.constant 400 : i32
      %mul3A_250 = arith.muli %add3A_237, %mul3A_249 : i32
      %add3A_251 = arith.constant 104 : i32
      %add3A_252 = arith.addi %mul3A_250, %add3A_251 : i32
      %mul3A_253 = arith.constant 400 : i32
      %mul3A_254 = arith.muli %add3A_237, %mul3A_253 : i32
      %add3A_255 = arith.constant 208 : i32
      %add3A_256 = arith.addi %mul3A_254, %add3A_255 : i32
      %mul3A_257 = arith.constant 400 : i32
      %mul3A_258 = arith.muli %add3A_237, %mul3A_257 : i32
      %add3A_259 = arith.constant 312 : i32
      %add3A_260 = arith.addi %mul3A_258, %add3A_259 : i32
      %dma_wait3A_261 = arith.constant 1 : i32
      %dma_wait3A_262 = arith.constant 0 : i32
      %dma_wait3A_263 = arith.constant 0 : i32
      %dma_wait3A_264 = tpu.memref_slice %arg7[%dma_wait3A_261, %dma_wait3A_262, %dma_wait3A_263] : memref<4x400x64xf32, #tpu.memory_space<vmem>> -> memref<1x400x64xf32, #tpu.memory_space<vmem>>
      %dma_wait3A_265 = tpu.memref_squeeze %dma_wait3A_264 : memref<1x400x64xf32, #tpu.memory_space<vmem>> -> memref<400x64xf32, #tpu.memory_space<vmem>>
      %dma_wait3A_266 = arith.constant 0 : i32
      %dma_wait3A_267 = arith.constant 0 : i32
      %dma_wait3A_268 = tpu.memref_slice %dma_wait3A_265[%dma_wait3A_266, %dma_wait3A_267] : memref<400x64xf32, #tpu.memory_space<vmem>> -> memref<104x64xf32, #tpu.memory_space<vmem>>
      %dma_wait3A_269 = tpu.memref_slice %arg6[%add3A_248] : memref<6400xi32, #tpu.memory_space<vmem>> -> memref<104xi32, #tpu.memory_space<vmem>>
      %dma_wait3A_270 = arith.constant 0 : i32
      %dma_wait3A_271 = arith.constant 0 : i32
      %dma_wait3A_272 = tpu.memref_slice %arg2[%dma_wait3A_270, %dma_wait3A_271] : memref<1000000x64xf32, #tpu.memory_space<hbm>> -> memref<1000000x64xf32, #tpu.memory_space<hbm>>
      tpu.wait_indirect_dma semaphore(%arg10 : memref<!tpu.dma_semaphore, #tpu.memory_space<semaphore_mem>>) src(%dma_wait3A_272 : memref<1000000x64xf32, #tpu.memory_space<hbm>>) dst(%dma_wait3A_268 : memref<104x64xf32, #tpu.memory_space<vmem>>)
      %dma_wait3A_273 = arith.constant 1 : i32
      %dma_wait3A_274 = arith.constant 0 : i32
      %dma_wait3A_275 = arith.constant 0 : i32
      %dma_wait3A_276 = tpu.memref_slice %arg7[%dma_wait3A_273, %dma_wait3A_274, %dma_wait3A_275] : memref<4x400x64xf32, #tpu.memory_space<vmem>> -> memref<1x400x64xf32, #tpu.memory_space<vmem>>
      %dma_wait3A_277 = tpu.memref_squeeze %dma_wait3A_276 : memref<1x400x64xf32, #tpu.memory_space<vmem>> -> memref<400x64xf32, #tpu.memory_space<vmem>>
      %dma_wait3A_278 = arith.constant 104 : i32
      %dma_wait3A_279 = arith.constant 0 : i32
      %dma_wait3A_280 = tpu.memref_slice %dma_wait3A_277[%dma_wait3A_278, %dma_wait3A_279] : memref<400x64xf32, #tpu.memory_space<vmem>> -> memref<104x64xf32, #tpu.memory_space<vmem>>
      %dma_wait3A_281 = tpu.memref_slice %arg6[%add3A_252] : memref<6400xi32, #tpu.memory_space<vmem>> -> memref<104xi32, #tpu.memory_space<vmem>>
      %dma_wait3A_282 = arith.constant 0 : i32
      %dma_wait3A_283 = arith.constant 0 : i32
      %dma_wait3A_284 = tpu.memref_slice %arg2[%dma_wait3A_282, %dma_wait3A_283] : memref<1000000x64xf32, #tpu.memory_space<hbm>> -> memref<1000000x64xf32, #tpu.memory_space<hbm>>
      tpu.wait_indirect_dma semaphore(%arg10 : memref<!tpu.dma_semaphore, #tpu.memory_space<semaphore_mem>>) src(%dma_wait3A_284 : memref<1000000x64xf32, #tpu.memory_space<hbm>>) dst(%dma_wait3A_280 : memref<104x64xf32, #tpu.memory_space<vmem>>)
      %dma_wait3A_285 = arith.constant 1 : i32
      %dma_wait3A_286 = arith.constant 0 : i32
      %dma_wait3A_287 = arith.constant 0 : i32
      %dma_wait3A_288 = tpu.memref_slice %arg7[%dma_wait3A_285, %dma_wait3A_286, %dma_wait3A_287] : memref<4x400x64xf32, #tpu.memory_space<vmem>> -> memref<1x400x64xf32, #tpu.memory_space<vmem>>
      %dma_wait3A_289 = tpu.memref_squeeze %dma_wait3A_288 : memref<1x400x64xf32, #tpu.memory_space<vmem>> -> memref<400x64xf32, #tpu.memory_space<vmem>>
      %dma_wait3A_290 = arith.constant 208 : i32
      %dma_wait3A_291 = arith.constant 0 : i32
      %dma_wait3A_292 = tpu.memref_slice %dma_wait3A_289[%dma_wait3A_290, %dma_wait3A_291] : memref<400x64xf32, #tpu.memory_space<vmem>> -> memref<104x64xf32, #tpu.memory_space<vmem>>
      %dma_wait3A_293 = tpu.memref_slice %arg6[%add3A_256] : memref<6400xi32, #tpu.memory_space<vmem>> -> memref<104xi32, #tpu.memory_space<vmem>>
      %dma_wait3A_294 = arith.constant 0 : i32
      %dma_wait3A_295 = arith.constant 0 : i32
      %dma_wait3A_296 = tpu.memref_slice %arg2[%dma_wait3A_294, %dma_wait3A_295] : memref<1000000x64xf32, #tpu.memory_space<hbm>> -> memref<1000000x64xf32, #tpu.memory_space<hbm>>
      tpu.wait_indirect_dma semaphore(%arg10 : memref<!tpu.dma_semaphore, #tpu.memory_space<semaphore_mem>>) src(%dma_wait3A_296 : memref<1000000x64xf32, #tpu.memory_space<hbm>>) dst(%dma_wait3A_292 : memref<104x64xf32, #tpu.memory_space<vmem>>)
      %dma_wait3A_297 = arith.constant 1 : i32
      %dma_wait3A_298 = arith.constant 0 : i32
      %dma_wait3A_299 = arith.constant 0 : i32
      %dma_wait3A_300 = tpu.memref_slice %arg7[%dma_wait3A_297, %dma_wait3A_298, %dma_wait3A_299] : memref<4x400x64xf32, #tpu.memory_space<vmem>> -> memref<1x400x64xf32, #tpu.memory_space<vmem>>
      %dma_wait3A_301 = tpu.memref_squeeze %dma_wait3A_300 : memref<1x400x64xf32, #tpu.memory_space<vmem>> -> memref<400x64xf32, #tpu.memory_space<vmem>>
      %dma_wait3A_302 = arith.constant 312 : i32
      %dma_wait3A_303 = arith.constant 0 : i32
      %dma_wait3A_304 = tpu.memref_slice %dma_wait3A_301[%dma_wait3A_302, %dma_wait3A_303] : memref<400x64xf32, #tpu.memory_space<vmem>> -> memref<88x64xf32, #tpu.memory_space<vmem>>
      %dma_wait3A_305 = tpu.memref_slice %arg6[%add3A_260] : memref<6400xi32, #tpu.memory_space<vmem>> -> memref<88xi32, #tpu.memory_space<vmem>>
      %dma_wait3A_306 = arith.constant 0 : i32
      %dma_wait3A_307 = arith.constant 0 : i32
      %dma_wait3A_308 = tpu.memref_slice %arg2[%dma_wait3A_306, %dma_wait3A_307] : memref<1000000x64xf32, #tpu.memory_space<hbm>> -> memref<1000000x64xf32, #tpu.memory_space<hbm>>
      tpu.wait_indirect_dma semaphore(%arg10 : memref<!tpu.dma_semaphore, #tpu.memory_space<semaphore_mem>>) src(%dma_wait3A_308 : memref<1000000x64xf32, #tpu.memory_space<hbm>>) dst(%dma_wait3A_304 : memref<88x64xf32, #tpu.memory_space<vmem>>)
      %parallel_loop3A_309 = arith.constant 0 : i32
      %parallel_loop3A_310 = arith.constant 200 : i32
      %parallel_loop3A_311 = arith.constant 1 : i32
      %parallel_loop3A_312 = arith.constant 1 : i32
      scf.for %parallel_loop3A_525 = %parallel_loop3A_309 to %parallel_loop3A_310 step %parallel_loop3A_311  : i32 {
        %parallel_loop3A_526 = arith.constant 64 : i32
        %parallel_loop3A_527 = arith.muli %parallel_loop3A_525, %parallel_loop3A_526 : i32
        %parallel_loop3A_528 = arith.constant 0 : i32
        %parallel_loop3A_529 = arith.addi %parallel_loop3A_527, %parallel_loop3A_528 : i32
        %parallel_loop3A_530 = arith.index_cast %parallel_loop3A_529 : i32 to index
        %parallel_loop3A_531 = tpu.vector_load %arg8[%parallel_loop3A_530] {strides = array<i32>} : memref<12800xf32, #tpu.memory_space<vmem>>, vector<16xf32>,
        %parallel_loop3A_532 = vector.shape_cast %parallel_loop3A_531 : vector<16xf32> to vector<16xf32>
        %parallel_loop3A_533 = arith.constant 0 : i32
        %parallel_loop3A_534 = arith.constant 0 : i32
        %parallel_loop3A_535 = tpu.memref_slice %arg7[%parallel_loop3A_312, %parallel_loop3A_533, %parallel_loop3A_534] : memref<4x400x64xf32, #tpu.memory_space<vmem>> -> memref<1x400x64xf32, #tpu.memory_space<vmem>>
        %parallel_loop3A_536 = tpu.memref_squeeze %parallel_loop3A_535 : memref<1x400x64xf32, #tpu.memory_space<vmem>> -> memref<400x64xf32, #tpu.memory_space<vmem>>
        %parallel_loop3A_537 = arith.index_cast %parallel_loop3A_525 : i32 to index
        %parallel_loop3A_538 = arith.constant 0 : index
        %parallel_loop3A_539 = tpu.vector_load %parallel_loop3A_536[%parallel_loop3A_537, %parallel_loop3A_538] {strides = array<i32>} : memref<400x64xf32, #tpu.memory_space<vmem>>, vector<1x16xf32>,
        %parallel_loop3A_540 = vector.shape_cast %parallel_loop3A_539 : vector<1x16xf32> to vector<16xf32>
        %parallel_loop3A_541 = arith.constant 8.000000e+00 : f32
        %parallel_loop3A_542 = vector.broadcast %parallel_loop3A_541 : f32 to vector<16xf32>
        %parallel_loop3A_543 = arith.mulf %parallel_loop3A_540, %parallel_loop3A_542 : vector<16xf32>
        %parallel_loop3A_544 = arith.addf %parallel_loop3A_543, %parallel_loop3A_532 : vector<16xf32>
        %parallel_loop3A_545 = arith.constant 0 : i32
        %parallel_loop3A_546 = arith.constant 0 : i32
        %parallel_loop3A_547 = tpu.memref_slice %arg7[%parallel_loop3A_312, %parallel_loop3A_545, %parallel_loop3A_546] : memref<4x400x64xf32, #tpu.memory_space<vmem>> -> memref<1x400x64xf32, #tpu.memory_space<vmem>>
        %parallel_loop3A_548 = tpu.memref_squeeze %parallel_loop3A_547 : memref<1x400x64xf32, #tpu.memory_space<vmem>> -> memref<400x64xf32, #tpu.memory_space<vmem>>
        %parallel_loop3A_549 = arith.index_cast %parallel_loop3A_525 : i32 to index
        %parallel_loop3A_550 = arith.constant 0 : index
        %parallel_loop3A_551 = tpu.vector_load %parallel_loop3A_548[%parallel_loop3A_549, %parallel_loop3A_550] {strides = array<i32>} : memref<400x64xf32, #tpu.memory_space<vmem>>, vector<1x16xf32>,
        %parallel_loop3A_552 = vector.shape_cast %parallel_loop3A_551 : vector<1x16xf32> to vector<16xf32>
        %parallel_loop3A_553 = vector.shape_cast %parallel_loop3A_544 : vector<16xf32> to vector<1x16xf32>
        tpu.vector_store %parallel_loop3A_548[%parallel_loop3A_549, %parallel_loop3A_550], %parallel_loop3A_553 {strides = array<i32>} : memref<400x64xf32, #tpu.memory_space<vmem>>, vector<1x16xf32>,
        %parallel_loop3A_554 = arith.constant 200 : i32
        %parallel_loop3A_555 = arith.addi %parallel_loop3A_525, %parallel_loop3A_554 : i32
        %parallel_loop3A_556 = arith.constant 0 : i32
        %parallel_loop3A_557 = arith.constant 0 : i32
        %parallel_loop3A_558 = tpu.memref_slice %arg7[%parallel_loop3A_312, %parallel_loop3A_556, %parallel_loop3A_557] : memref<4x400x64xf32, #tpu.memory_space<vmem>> -> memref<1x400x64xf32, #tpu.memory_space<vmem>>
        %parallel_loop3A_559 = tpu.memref_squeeze %parallel_loop3A_558 : memref<1x400x64xf32, #tpu.memory_space<vmem>> -> memref<400x64xf32, #tpu.memory_space<vmem>>
        %parallel_loop3A_560 = arith.index_cast %parallel_loop3A_555 : i32 to index
        %parallel_loop3A_561 = arith.constant 0 : index
        %parallel_loop3A_562 = tpu.vector_load %parallel_loop3A_559[%parallel_loop3A_560, %parallel_loop3A_561] {strides = array<i32>} : memref<400x64xf32, #tpu.memory_space<vmem>>, vector<1x16xf32>,
        %parallel_loop3A_563 = vector.shape_cast %parallel_loop3A_562 : vector<1x16xf32> to vector<16xf32>
        %parallel_loop3A_564 = arith.constant 8.000000e+00 : f32
        %parallel_loop3A_565 = vector.broadcast %parallel_loop3A_564 : f32 to vector<16xf32>
        %parallel_loop3A_566 = arith.mulf %parallel_loop3A_563, %parallel_loop3A_565 : vector<16xf32>
        %parallel_loop3A_567 = arith.addf %parallel_loop3A_566, %parallel_loop3A_532 : vector<16xf32>
        %parallel_loop3A_568 = arith.constant 0 : i32
        %parallel_loop3A_569 = arith.constant 0 : i32
        %parallel_loop3A_570 = tpu.memref_slice %arg7[%parallel_loop3A_312, %parallel_loop3A_568, %parallel_loop3A_569] : memref<4x400x64xf32, #tpu.memory_space<vmem>> -> memref<1x400x64xf32, #tpu.memory_space<vmem>>
        %parallel_loop3A_571 = tpu.memref_squeeze %parallel_loop3A_570 : memref<1x400x64xf32, #tpu.memory_space<vmem>> -> memref<400x64xf32, #tpu.memory_space<vmem>>
        %parallel_loop3A_572 = arith.index_cast %parallel_loop3A_555 : i32 to index
        %parallel_loop3A_573 = arith.constant 0 : index
        %parallel_loop3A_574 = tpu.vector_load %parallel_loop3A_571[%parallel_loop3A_572, %parallel_loop3A_573] {strides = array<i32>} : memref<400x64xf32, #tpu.memory_space<vmem>>, vector<1x16xf32>,
        %parallel_loop3A_575 = vector.shape_cast %parallel_loop3A_574 : vector<1x16xf32> to vector<16xf32>
        %parallel_loop3A_576 = vector.shape_cast %parallel_loop3A_567 : vector<16xf32> to vector<1x16xf32>
        tpu.vector_store %parallel_loop3A_571[%parallel_loop3A_572, %parallel_loop3A_573], %parallel_loop3A_576 {strides = array<i32>} : memref<400x64xf32, #tpu.memory_space<vmem>>, vector<1x16xf32>,
        %parallel_loop3A_577 = arith.constant 64 : i32
        %parallel_loop3A_578 = arith.muli %parallel_loop3A_525, %parallel_loop3A_577 : i32
        %parallel_loop3A_579 = arith.constant 16 : i32
        %parallel_loop3A_580 = arith.addi %parallel_loop3A_578, %parallel_loop3A_579 : i32
        %parallel_loop3A_581 = arith.index_cast %parallel_loop3A_580 : i32 to index
        %parallel_loop3A_582 = tpu.vector_load %arg8[%parallel_loop3A_581] {strides = array<i32>} : memref<12800xf32, #tpu.memory_space<vmem>>, vector<16xf32>,
        %parallel_loop3A_583 = vector.shape_cast %parallel_loop3A_582 : vector<16xf32> to vector<16xf32>
        %parallel_loop3A_584 = arith.constant 0 : i32
        %parallel_loop3A_585 = arith.constant 0 : i32
        %parallel_loop3A_586 = tpu.memref_slice %arg7[%parallel_loop3A_312, %parallel_loop3A_584, %parallel_loop3A_585] : memref<4x400x64xf32, #tpu.memory_space<vmem>> -> memref<1x400x64xf32, #tpu.memory_space<vmem>>
        %parallel_loop3A_587 = tpu.memref_squeeze %parallel_loop3A_586 : memref<1x400x64xf32, #tpu.memory_space<vmem>> -> memref<400x64xf32, #tpu.memory_space<vmem>>
        %parallel_loop3A_588 = arith.index_cast %parallel_loop3A_525 : i32 to index
        %parallel_loop3A_589 = arith.constant 16 : index
        %parallel_loop3A_590 = tpu.vector_load %parallel_loop3A_587[%parallel_loop3A_588, %parallel_loop3A_589] {strides = array<i32>} : memref<400x64xf32, #tpu.memory_space<vmem>>, vector<1x16xf32>,
        %parallel_loop3A_591 = vector.shape_cast %parallel_loop3A_590 : vector<1x16xf32> to vector<16xf32>
        %parallel_loop3A_592 = arith.constant 8.000000e+00 : f32
        %parallel_loop3A_593 = vector.broadcast %parallel_loop3A_592 : f32 to vector<16xf32>
        %parallel_loop3A_594 = arith.mulf %parallel_loop3A_591, %parallel_loop3A_593 : vector<16xf32>
        %parallel_loop3A_595 = arith.addf %parallel_loop3A_594, %parallel_loop3A_583 : vector<16xf32>
        %parallel_loop3A_596 = arith.constant 0 : i32
        %parallel_loop3A_597 = arith.constant 0 : i32
        %parallel_loop3A_598 = tpu.memref_slice %arg7[%parallel_loop3A_312, %parallel_loop3A_596, %parallel_loop3A_597] : memref<4x400x64xf32, #tpu.memory_space<vmem>> -> memref<1x400x64xf32, #tpu.memory_space<vmem>>
        %parallel_loop3A_599 = tpu.memref_squeeze %parallel_loop3A_598 : memref<1x400x64xf32, #tpu.memory_space<vmem>> -> memref<400x64xf32, #tpu.memory_space<vmem>>
        %parallel_loop3A_600 = arith.index_cast %parallel_loop3A_525 : i32 to index
        %parallel_loop3A_601 = arith.constant 16 : index
        %parallel_loop3A_602 = tpu.vector_load %parallel_loop3A_599[%parallel_loop3A_600, %parallel_loop3A_601] {strides = array<i32>} : memref<400x64xf32, #tpu.memory_space<vmem>>, vector<1x16xf32>,
        %parallel_loop3A_603 = vector.shape_cast %parallel_loop3A_602 : vector<1x16xf32> to vector<16xf32>
        %parallel_loop3A_604 = vector.shape_cast %parallel_loop3A_595 : vector<16xf32> to vector<1x16xf32>
        tpu.vector_store %parallel_loop3A_599[%parallel_loop3A_600, %parallel_loop3A_601], %parallel_loop3A_604 {strides = array<i32>} : memref<400x64xf32, #tpu.memory_space<vmem>>, vector<1x16xf32>,
        %parallel_loop3A_605 = arith.constant 200 : i32
        %parallel_loop3A_606 = arith.addi %parallel_loop3A_525, %parallel_loop3A_605 : i32
        %parallel_loop3A_607 = arith.constant 0 : i32
        %parallel_loop3A_608 = arith.constant 0 : i32
        %parallel_loop3A_609 = tpu.memref_slice %arg7[%parallel_loop3A_312, %parallel_loop3A_607, %parallel_loop3A_608] : memref<4x400x64xf32, #tpu.memory_space<vmem>> -> memref<1x400x64xf32, #tpu.memory_space<vmem>>
        %parallel_loop3A_610 = tpu.memref_squeeze %parallel_loop3A_609 : memref<1x400x64xf32, #tpu.memory_space<vmem>> -> memref<400x64xf32, #tpu.memory_space<vmem>>
        %parallel_loop3A_611 = arith.index_cast %parallel_loop3A_606 : i32 to index
        %parallel_loop3A_612 = arith.constant 16 : index
        %parallel_loop3A_613 = tpu.vector_load %parallel_loop3A_610[%parallel_loop3A_611, %parallel_loop3A_612] {strides = array<i32>} : memref<400x64xf32, #tpu.memory_space<vmem>>, vector<1x16xf32>,
        %parallel_loop3A_614 = vector.shape_cast %parallel_loop3A_613 : vector<1x16xf32> to vector<16xf32>
        %parallel_loop3A_615 = arith.constant 8.000000e+00 : f32
        %parallel_loop3A_616 = vector.broadcast %parallel_loop3A_615 : f32 to vector<16xf32>
        %parallel_loop3A_617 = arith.mulf %parallel_loop3A_614, %parallel_loop3A_616 : vector<16xf32>
        %parallel_loop3A_618 = arith.addf %parallel_loop3A_617, %parallel_loop3A_583 : vector<16xf32>
        %parallel_loop3A_619 = arith.constant 0 : i32
        %parallel_loop3A_620 = arith.constant 0 : i32
        %parallel_loop3A_621 = tpu.memref_slice %arg7[%parallel_loop3A_312, %parallel_loop3A_619, %parallel_loop3A_620] : memref<4x400x64xf32, #tpu.memory_space<vmem>> -> memref<1x400x64xf32, #tpu.memory_space<vmem>>
        %parallel_loop3A_622 = tpu.memref_squeeze %parallel_loop3A_621 : memref<1x400x64xf32, #tpu.memory_space<vmem>> -> memref<400x64xf32, #tpu.memory_space<vmem>>
        %parallel_loop3A_623 = arith.index_cast %parallel_loop3A_606 : i32 to index
        %parallel_loop3A_624 = arith.constant 16 : index
        %parallel_loop3A_625 = tpu.vector_load %parallel_loop3A_622[%parallel_loop3A_623, %parallel_loop3A_624] {strides = array<i32>} : memref<400x64xf32, #tpu.memory_space<vmem>>, vector<1x16xf32>,
        %parallel_loop3A_626 = vector.shape_cast %parallel_loop3A_625 : vector<1x16xf32> to vector<16xf32>
        %parallel_loop3A_627 = vector.shape_cast %parallel_loop3A_618 : vector<16xf32> to vector<1x16xf32>
        tpu.vector_store %parallel_loop3A_622[%parallel_loop3A_623, %parallel_loop3A_624], %parallel_loop3A_627 {strides = array<i32>} : memref<400x64xf32, #tpu.memory_space<vmem>>, vector<1x16xf32>,
        %parallel_loop3A_628 = arith.constant 64 : i32
        %parallel_loop3A_629 = arith.muli %parallel_loop3A_525, %parallel_loop3A_628 : i32
        %parallel_loop3A_630 = arith.constant 32 : i32
        %parallel_loop3A_631 = arith.addi %parallel_loop3A_629, %parallel_loop3A_630 : i32
        %parallel_loop3A_632 = arith.index_cast %parallel_loop3A_631 : i32 to index
        %parallel_loop3A_633 = tpu.vector_load %arg8[%parallel_loop3A_632] {strides = array<i32>} : memref<12800xf32, #tpu.memory_space<vmem>>, vector<16xf32>,
        %parallel_loop3A_634 = vector.shape_cast %parallel_loop3A_633 : vector<16xf32> to vector<16xf32>
        %parallel_loop3A_635 = arith.constant 0 : i32
        %parallel_loop3A_636 = arith.constant 0 : i32
        %parallel_loop3A_637 = tpu.memref_slice %arg7[%parallel_loop3A_312, %parallel_loop3A_635, %parallel_loop3A_636] : memref<4x400x64xf32, #tpu.memory_space<vmem>> -> memref<1x400x64xf32, #tpu.memory_space<vmem>>
        %parallel_loop3A_638 = tpu.memref_squeeze %parallel_loop3A_637 : memref<1x400x64xf32, #tpu.memory_space<vmem>> -> memref<400x64xf32, #tpu.memory_space<vmem>>
        %parallel_loop3A_639 = arith.index_cast %parallel_loop3A_525 : i32 to index
        %parallel_loop3A_640 = arith.constant 32 : index
        %parallel_loop3A_641 = tpu.vector_load %parallel_loop3A_638[%parallel_loop3A_639, %parallel_loop3A_640] {strides = array<i32>} : memref<400x64xf32, #tpu.memory_space<vmem>>, vector<1x16xf32>,
        %parallel_loop3A_642 = vector.shape_cast %parallel_loop3A_641 : vector<1x16xf32> to vector<16xf32>
        %parallel_loop3A_643 = arith.constant 8.000000e+00 : f32
        %parallel_loop3A_644 = vector.broadcast %parallel_loop3A_643 : f32 to vector<16xf32>
        %parallel_loop3A_645 = arith.mulf %parallel_loop3A_642, %parallel_loop3A_644 : vector<16xf32>
        %parallel_loop3A_646 = arith.addf %parallel_loop3A_645, %parallel_loop3A_634 : vector<16xf32>
        %parallel_loop3A_647 = arith.constant 0 : i32
        %parallel_loop3A_648 = arith.constant 0 : i32
        %parallel_loop3A_649 = tpu.memref_slice %arg7[%parallel_loop3A_312, %parallel_loop3A_647, %parallel_loop3A_648] : memref<4x400x64xf32, #tpu.memory_space<vmem>> -> memref<1x400x64xf32, #tpu.memory_space<vmem>>
        %parallel_loop3A_650 = tpu.memref_squeeze %parallel_loop3A_649 : memref<1x400x64xf32, #tpu.memory_space<vmem>> -> memref<400x64xf32, #tpu.memory_space<vmem>>
        %parallel_loop3A_651 = arith.index_cast %parallel_loop3A_525 : i32 to index
        %parallel_loop3A_652 = arith.constant 32 : index
        %parallel_loop3A_653 = tpu.vector_load %parallel_loop3A_650[%parallel_loop3A_651, %parallel_loop3A_652] {strides = array<i32>} : memref<400x64xf32, #tpu.memory_space<vmem>>, vector<1x16xf32>,
        %parallel_loop3A_654 = vector.shape_cast %parallel_loop3A_653 : vector<1x16xf32> to vector<16xf32>
        %parallel_loop3A_655 = vector.shape_cast %parallel_loop3A_646 : vector<16xf32> to vector<1x16xf32>
        tpu.vector_store %parallel_loop3A_650[%parallel_loop3A_651, %parallel_loop3A_652], %parallel_loop3A_655 {strides = array<i32>} : memref<400x64xf32, #tpu.memory_space<vmem>>, vector<1x16xf32>,
        %parallel_loop3A_656 = arith.constant 200 : i32
        %parallel_loop3A_657 = arith.addi %parallel_loop3A_525, %parallel_loop3A_656 : i32
        %parallel_loop3A_658 = arith.constant 0 : i32
        %parallel_loop3A_659 = arith.constant 0 : i32
        %parallel_loop3A_660 = tpu.memref_slice %arg7[%parallel_loop3A_312, %parallel_loop3A_658, %parallel_loop3A_659] : memref<4x400x64xf32, #tpu.memory_space<vmem>> -> memref<1x400x64xf32, #tpu.memory_space<vmem>>
        %parallel_loop3A_661 = tpu.memref_squeeze %parallel_loop3A_660 : memref<1x400x64xf32, #tpu.memory_space<vmem>> -> memref<400x64xf32, #tpu.memory_space<vmem>>
        %parallel_loop3A_662 = arith.index_cast %parallel_loop3A_657 : i32 to index
        %parallel_loop3A_663 = arith.constant 32 : index
        %parallel_loop3A_664 = tpu.vector_load %parallel_loop3A_661[%parallel_loop3A_662, %parallel_loop3A_663] {strides = array<i32>} : memref<400x64xf32, #tpu.memory_space<vmem>>, vector<1x16xf32>,
        %parallel_loop3A_665 = vector.shape_cast %parallel_loop3A_664 : vector<1x16xf32> to vector<16xf32>
        %parallel_loop3A_666 = arith.constant 8.000000e+00 : f32
        %parallel_loop3A_667 = vector.broadcast %parallel_loop3A_666 : f32 to vector<16xf32>
        %parallel_loop3A_668 = arith.mulf %parallel_loop3A_665, %parallel_loop3A_667 : vector<16xf32>
        %parallel_loop3A_669 = arith.addf %parallel_loop3A_668, %parallel_loop3A_634 : vector<16xf32>
        %parallel_loop3A_670 = arith.constant 0 : i32
        %parallel_loop3A_671 = arith.constant 0 : i32
        %parallel_loop3A_672 = tpu.memref_slice %arg7[%parallel_loop3A_312, %parallel_loop3A_670, %parallel_loop3A_671] : memref<4x400x64xf32, #tpu.memory_space<vmem>> -> memref<1x400x64xf32, #tpu.memory_space<vmem>>
        %parallel_loop3A_673 = tpu.memref_squeeze %parallel_loop3A_672 : memref<1x400x64xf32, #tpu.memory_space<vmem>> -> memref<400x64xf32, #tpu.memory_space<vmem>>
        %parallel_loop3A_674 = arith.index_cast %parallel_loop3A_657 : i32 to index
        %parallel_loop3A_675 = arith.constant 32 : index
        %parallel_loop3A_676 = tpu.vector_load %parallel_loop3A_673[%parallel_loop3A_674, %parallel_loop3A_675] {strides = array<i32>} : memref<400x64xf32, #tpu.memory_space<vmem>>, vector<1x16xf32>,
        %parallel_loop3A_677 = vector.shape_cast %parallel_loop3A_676 : vector<1x16xf32> to vector<16xf32>
        %parallel_loop3A_678 = vector.shape_cast %parallel_loop3A_669 : vector<16xf32> to vector<1x16xf32>
        tpu.vector_store %parallel_loop3A_673[%parallel_loop3A_674, %parallel_loop3A_675], %parallel_loop3A_678 {strides = array<i32>} : memref<400x64xf32, #tpu.memory_space<vmem>>, vector<1x16xf32>,
        %parallel_loop3A_679 = arith.constant 64 : i32
        %parallel_loop3A_680 = arith.muli %parallel_loop3A_525, %parallel_loop3A_679 : i32
        %parallel_loop3A_681 = arith.constant 48 : i32
        %parallel_loop3A_682 = arith.addi %parallel_loop3A_680, %parallel_loop3A_681 : i32
        %parallel_loop3A_683 = arith.index_cast %parallel_loop3A_682 : i32 to index
        %parallel_loop3A_684 = tpu.vector_load %arg8[%parallel_loop3A_683] {strides = array<i32>} : memref<12800xf32, #tpu.memory_space<vmem>>, vector<16xf32>,
        %parallel_loop3A_685 = vector.shape_cast %parallel_loop3A_684 : vector<16xf32> to vector<16xf32>
        %parallel_loop3A_686 = arith.constant 0 : i32
        %parallel_loop3A_687 = arith.constant 0 : i32
        %parallel_loop3A_688 = tpu.memref_slice %arg7[%parallel_loop3A_312, %parallel_loop3A_686, %parallel_loop3A_687] : memref<4x400x64xf32, #tpu.memory_space<vmem>> -> memref<1x400x64xf32, #tpu.memory_space<vmem>>
        %parallel_loop3A_689 = tpu.memref_squeeze %parallel_loop3A_688 : memref<1x400x64xf32, #tpu.memory_space<vmem>> -> memref<400x64xf32, #tpu.memory_space<vmem>>
        %parallel_loop3A_690 = arith.index_cast %parallel_loop3A_525 : i32 to index
        %parallel_loop3A_691 = arith.constant 48 : index
        %parallel_loop3A_692 = tpu.vector_load %parallel_loop3A_689[%parallel_loop3A_690, %parallel_loop3A_691] {strides = array<i32>} : memref<400x64xf32, #tpu.memory_space<vmem>>, vector<1x16xf32>,
        %parallel_loop3A_693 = vector.shape_cast %parallel_loop3A_692 : vector<1x16xf32> to vector<16xf32>
        %parallel_loop3A_694 = arith.constant 8.000000e+00 : f32
        %parallel_loop3A_695 = vector.broadcast %parallel_loop3A_694 : f32 to vector<16xf32>
        %parallel_loop3A_696 = arith.mulf %parallel_loop3A_693, %parallel_loop3A_695 : vector<16xf32>
        %parallel_loop3A_697 = arith.addf %parallel_loop3A_696, %parallel_loop3A_685 : vector<16xf32>
        %parallel_loop3A_698 = arith.constant 0 : i32
        %parallel_loop3A_699 = arith.constant 0 : i32
        %parallel_loop3A_700 = tpu.memref_slice %arg7[%parallel_loop3A_312, %parallel_loop3A_698, %parallel_loop3A_699] : memref<4x400x64xf32, #tpu.memory_space<vmem>> -> memref<1x400x64xf32, #tpu.memory_space<vmem>>
        %parallel_loop3A_701 = tpu.memref_squeeze %parallel_loop3A_700 : memref<1x400x64xf32, #tpu.memory_space<vmem>> -> memref<400x64xf32, #tpu.memory_space<vmem>>
        %parallel_loop3A_702 = arith.index_cast %parallel_loop3A_525 : i32 to index
        %parallel_loop3A_703 = arith.constant 48 : index
        %parallel_loop3A_704 = tpu.vector_load %parallel_loop3A_701[%parallel_loop3A_702, %parallel_loop3A_703] {strides = array<i32>} : memref<400x64xf32, #tpu.memory_space<vmem>>, vector<1x16xf32>,
        %parallel_loop3A_705 = vector.shape_cast %parallel_loop3A_704 : vector<1x16xf32> to vector<16xf32>
        %parallel_loop3A_706 = vector.shape_cast %parallel_loop3A_697 : vector<16xf32> to vector<1x16xf32>
        tpu.vector_store %parallel_loop3A_701[%parallel_loop3A_702, %parallel_loop3A_703], %parallel_loop3A_706 {strides = array<i32>} : memref<400x64xf32, #tpu.memory_space<vmem>>, vector<1x16xf32>,
        %parallel_loop3A_707 = arith.constant 200 : i32
        %parallel_loop3A_708 = arith.addi %parallel_loop3A_525, %parallel_loop3A_707 : i32
        %parallel_loop3A_709 = arith.constant 0 : i32
        %parallel_loop3A_710 = arith.constant 0 : i32
        %parallel_loop3A_711 = tpu.memref_slice %arg7[%parallel_loop3A_312, %parallel_loop3A_709, %parallel_loop3A_710] : memref<4x400x64xf32, #tpu.memory_space<vmem>> -> memref<1x400x64xf32, #tpu.memory_space<vmem>>
        %parallel_loop3A_712 = tpu.memref_squeeze %parallel_loop3A_711 : memref<1x400x64xf32, #tpu.memory_space<vmem>> -> memref<400x64xf32, #tpu.memory_space<vmem>>
        %parallel_loop3A_713 = arith.index_cast %parallel_loop3A_708 : i32 to index
        %parallel_loop3A_714 = arith.constant 48 : index
        %parallel_loop3A_715 = tpu.vector_load %parallel_loop3A_712[%parallel_loop3A_713, %parallel_loop3A_714] {strides = array<i32>} : memref<400x64xf32, #tpu.memory_space<vmem>>, vector<1x16xf32>,
        %parallel_loop3A_716 = vector.shape_cast %parallel_loop3A_715 : vector<1x16xf32> to vector<16xf32>
        %parallel_loop3A_717 = arith.constant 8.000000e+00 : f32
        %parallel_loop3A_718 = vector.broadcast %parallel_loop3A_717 : f32 to vector<16xf32>
        %parallel_loop3A_719 = arith.mulf %parallel_loop3A_716, %parallel_loop3A_718 : vector<16xf32>
        %parallel_loop3A_720 = arith.addf %parallel_loop3A_719, %parallel_loop3A_685 : vector<16xf32>
        %parallel_loop3A_721 = arith.constant 0 : i32
        %parallel_loop3A_722 = arith.constant 0 : i32
        %parallel_loop3A_723 = tpu.memref_slice %arg7[%parallel_loop3A_312, %parallel_loop3A_721, %parallel_loop3A_722] : memref<4x400x64xf32, #tpu.memory_space<vmem>> -> memref<1x400x64xf32, #tpu.memory_space<vmem>>
        %parallel_loop3A_724 = tpu.memref_squeeze %parallel_loop3A_723 : memref<1x400x64xf32, #tpu.memory_space<vmem>> -> memref<400x64xf32, #tpu.memory_space<vmem>>
        %parallel_loop3A_725 = arith.index_cast %parallel_loop3A_708 : i32 to index
        %parallel_loop3A_726 = arith.constant 48 : index
        %parallel_loop3A_727 = tpu.vector_load %parallel_loop3A_724[%parallel_loop3A_725, %parallel_loop3A_726] {strides = array<i32>} : memref<400x64xf32, #tpu.memory_space<vmem>>, vector<1x16xf32>,
        %parallel_loop3A_728 = vector.shape_cast %parallel_loop3A_727 : vector<1x16xf32> to vector<16xf32>
        %parallel_loop3A_729 = vector.shape_cast %parallel_loop3A_720 : vector<16xf32> to vector<1x16xf32>
        tpu.vector_store %parallel_loop3A_724[%parallel_loop3A_725, %parallel_loop3A_726], %parallel_loop3A_729 {strides = array<i32>} : memref<400x64xf32, #tpu.memory_space<vmem>>, vector<1x16xf32>,
      } {sc.loop_unroll_factor = 4 : i64, sc.parallel_access}
      %mul3A_313 = arith.constant 6400 : i32
      %mul3A_314 = arith.muli %add3A, %mul3A_313 : i32
      %mul3A_315 = arith.constant 400 : i32
      %mul3A_316 = arith.muli %add3A_237, %mul3A_315 : i32
      %add3A_317 = arith.addi %mul3A_314, %mul3A_316 : i32
      %dma_start3A_318 = arith.constant 1 : i32
      %dma_start3A_319 = arith.constant 0 : i32
      %dma_start3A_320 = arith.constant 0 : i32
      %dma_start3A_321 = tpu.memref_slice %arg7[%dma_start3A_318, %dma_start3A_319, %dma_start3A_320] : memref<4x400x64xf32, #tpu.memory_space<vmem>> -> memref<1x400x64xf32, #tpu.memory_space<vmem>>
      %dma_start3A_322 = tpu.memref_squeeze %dma_start3A_321 : memref<1x400x64xf32, #tpu.memory_space<vmem>> -> memref<400x64xf32, #tpu.memory_space<vmem>>
      %dma_start3A_323 = arith.constant 0 : i32
      %dma_start3A_324 = tpu.memref_slice %arg5[%add3A_317, %dma_start3A_323] : memref<204800x64xf32, #tpu.memory_space<hbm>> -> memref<400x64xf32, #tpu.memory_space<hbm>>
      %dma_start3A_325 = arith.constant 0 : i32
      %dma_start3A_326 = tpu.memref_slice %arg5[%add3A_317, %dma_start3A_325] : memref<204800x64xf32, #tpu.memory_space<hbm>> -> memref<400x64xf32, #tpu.memory_space<hbm>>
      %dma_start3A_327 = arith.constant 0 : i32
      %dma_start3A_328 = arith.constant 0 : i32
      %dma_start3A_329 = tpu.memref_slice %arg7[%dma_start3A_318, %dma_start3A_327, %dma_start3A_328] : memref<4x400x64xf32, #tpu.memory_space<vmem>> -> memref<1x400x64xf32, #tpu.memory_space<vmem>>
      %dma_start3A_330 = tpu.memref_squeeze %dma_start3A_329 : memref<1x400x64xf32, #tpu.memory_space<vmem>> -> memref<400x64xf32, #tpu.memory_space<vmem>>
      tpu.enqueue_dma source(%dma_start3A_330 : memref<400x64xf32, #tpu.memory_space<vmem>>) target(%dma_start3A_326 : memref<400x64xf32, #tpu.memory_space<hbm>>) target_semaphore(%arg14 : memref<!tpu.dma_semaphore, #tpu.memory_space<semaphore_mem>>)
      %mul3A_331 = arith.constant 4 : i32
      %mul3A_332 = arith.muli %scan3A_140, %mul3A_331 : i32
      %add3A_333 = arith.constant 2 : i32
      %add3A_334 = arith.addi %mul3A_332, %add3A_333 : i32
      %add3A_335 = arith.constant 2 : i32
      %add3A_336 = arith.addi %add3A_334, %add3A_335 : i32
      %lt3A_337 = arith.constant 16 : i32
      %lt3A_338 = arith.cmpi slt, %add3A_336, %lt3A_337 : i32
      %convert_element_type3A_339 = arith.extui %lt3A_338 : i1 to i32
      %cond3A_340 = arith.constant 0 : i32
      %cond3A_341 = arith.cmpi ne, %convert_element_type3A_339, %cond3A_340 : i32
      scf.if %cond3A_341 {
        %ge3A = arith.constant 2 : i32
        %ge3A_525 = arith.cmpi sge, %add3A_334, %ge3A : i32
        %convert_element_type3A_526 = arith.extui %ge3A_525 : i1 to i32
        %cond3A_527 = arith.constant 0 : i32
        %cond3A_528 = arith.cmpi ne, %convert_element_type3A_526, %cond3A_527 : i32
        scf.if %cond3A_528 {
          %dma_wait3A_595 = arith.constant 0 : i32
          %dma_wait3A_596 = arith.constant 0 : i32
          %dma_wait3A_597 = arith.constant 0 : i32
          %dma_wait3A_598 = tpu.memref_slice %arg7[%dma_wait3A_595, %dma_wait3A_596, %dma_wait3A_597] : memref<4x400x64xf32, #tpu.memory_space<vmem>> -> memref<1x400x64xf32, #tpu.memory_space<vmem>>
          %dma_wait3A_599 = tpu.memref_squeeze %dma_wait3A_598 : memref<1x400x64xf32, #tpu.memory_space<vmem>> -> memref<400x64xf32, #tpu.memory_space<vmem>>
          %dma_wait3A_600 = arith.constant 0 : i32
          %dma_wait3A_601 = arith.constant 0 : i32
          %dma_wait3A_602 = tpu.memref_slice %arg5[%dma_wait3A_600, %dma_wait3A_601] : memref<204800x64xf32, #tpu.memory_space<hbm>> -> memref<400x64xf32, #tpu.memory_space<hbm>>
          %dma_wait3A_603 = arith.constant 0 : i32
          %dma_wait3A_604 = arith.constant 0 : i32
          %dma_wait3A_605 = tpu.memref_slice %arg5[%dma_wait3A_603, %dma_wait3A_604] : memref<204800x64xf32, #tpu.memory_space<hbm>> -> memref<400x64xf32, #tpu.memory_space<hbm>>
          %dma_wait3A_606 = arith.constant 0 : i32
          %dma_wait3A_607 = arith.constant 0 : i32
          %dma_wait3A_608 = tpu.memref_slice %arg7[%dma_wait3A_595, %dma_wait3A_606, %dma_wait3A_607] : memref<4x400x64xf32, #tpu.memory_space<vmem>> -> memref<1x400x64xf32, #tpu.memory_space<vmem>>
          %dma_wait3A_609 = tpu.memref_squeeze %dma_wait3A_608 : memref<1x400x64xf32, #tpu.memory_space<vmem>> -> memref<400x64xf32, #tpu.memory_space<vmem>>
          tpu.wait_dma2 semaphore(%arg13 : memref<!tpu.dma_semaphore, #tpu.memory_space<semaphore_mem>>) src(%dma_wait3A_609 : memref<400x64xf32, #tpu.memory_space<vmem>>) dst(%dma_wait3A_605 : memref<400x64xf32, #tpu.memory_space<hbm>>)
        } else {
        }
        %add3A_529 = arith.constant 2 : i32
        %add3A_530 = arith.addi %add3A_334, %add3A_529 : i32
        %mul3A_531 = arith.constant 400 : i32
        %mul3A_532 = arith.muli %add3A_530, %mul3A_531 : i32
        %add3A_533 = arith.constant 0 : i32
        %add3A_534 = arith.addi %mul3A_532, %add3A_533 : i32
        %mul3A_535 = arith.constant 400 : i32
        %mul3A_536 = arith.muli %add3A_530, %mul3A_535 : i32
        %add3A_537 = arith.constant 104 : i32
        %add3A_538 = arith.addi %mul3A_536, %add3A_537 : i32
        %mul3A_539 = arith.constant 400 : i32
        %mul3A_540 = arith.muli %add3A_530, %mul3A_539 : i32
        %add3A_541 = arith.constant 208 : i32
        %add3A_542 = arith.addi %mul3A_540, %add3A_541 : i32
        %mul3A_543 = arith.constant 400 : i32
        %mul3A_544 = arith.muli %add3A_530, %mul3A_543 : i32
        %add3A_545 = arith.constant 312 : i32
        %add3A_546 = arith.addi %mul3A_544, %add3A_545 : i32
        %dma_start3A_547 = arith.constant 0 : i32
        %dma_start3A_548 = arith.constant 0 : i32
        %dma_start3A_549 = arith.constant 0 : i32
        %dma_start3A_550 = tpu.memref_slice %arg7[%dma_start3A_547, %dma_start3A_548, %dma_start3A_549] : memref<4x400x64xf32, #tpu.memory_space<vmem>> -> memref<1x400x64xf32, #tpu.memory_space<vmem>>
        %dma_start3A_551 = tpu.memref_squeeze %dma_start3A_550 : memref<1x400x64xf32, #tpu.memory_space<vmem>> -> memref<400x64xf32, #tpu.memory_space<vmem>>
        %dma_start3A_552 = arith.constant 0 : i32
        %dma_start3A_553 = arith.constant 0 : i32
        %dma_start3A_554 = tpu.memref_slice %dma_start3A_551[%dma_start3A_552, %dma_start3A_553] : memref<400x64xf32, #tpu.memory_space<vmem>> -> memref<104x64xf32, #tpu.memory_space<vmem>>
        %dma_start3A_555 = tpu.memref_slice %arg6[%add3A_534] : memref<6400xi32, #tpu.memory_space<vmem>> -> memref<104xi32, #tpu.memory_space<vmem>>
        %dma_start3A_556 = arith.constant 0 : i32
        %dma_start3A_557 = arith.constant 0 : i32
        %dma_start3A_558 = tpu.memref_slice %arg2[%dma_start3A_556, %dma_start3A_557] : memref<1000000x64xf32, #tpu.memory_space<hbm>> -> memref<1000000x64xf32, #tpu.memory_space<hbm>>
        tpu.enqueue_indirect_dma source(%dma_start3A_558 : memref<1000000x64xf32, #tpu.memory_space<hbm>>) target(%dma_start3A_554 : memref<104x64xf32, #tpu.memory_space<vmem>>) offsets(%dma_start3A_555 : memref<104xi32, #tpu.memory_space<vmem>>) semaphore(%arg9 : memref<!tpu.dma_semaphore, #tpu.memory_space<semaphore_mem>>)
        %dma_start3A_559 = arith.constant 0 : i32
        %dma_start3A_560 = arith.constant 0 : i32
        %dma_start3A_561 = arith.constant 0 : i32
        %dma_start3A_562 = tpu.memref_slice %arg7[%dma_start3A_559, %dma_start3A_560, %dma_start3A_561] : memref<4x400x64xf32, #tpu.memory_space<vmem>> -> memref<1x400x64xf32, #tpu.memory_space<vmem>>
        %dma_start3A_563 = tpu.memref_squeeze %dma_start3A_562 : memref<1x400x64xf32, #tpu.memory_space<vmem>> -> memref<400x64xf32, #tpu.memory_space<vmem>>
        %dma_start3A_564 = arith.constant 104 : i32
        %dma_start3A_565 = arith.constant 0 : i32
        %dma_start3A_566 = tpu.memref_slice %dma_start3A_563[%dma_start3A_564, %dma_start3A_565] : memref<400x64xf32, #tpu.memory_space<vmem>> -> memref<104x64xf32, #tpu.memory_space<vmem>>
        %dma_start3A_567 = tpu.memref_slice %arg6[%add3A_538] : memref<6400xi32, #tpu.memory_space<vmem>> -> memref<104xi32, #tpu.memory_space<vmem>>
        %dma_start3A_568 = arith.constant 0 : i32
        %dma_start3A_569 = arith.constant 0 : i32
        %dma_start3A_570 = tpu.memref_slice %arg2[%dma_start3A_568, %dma_start3A_569] : memref<1000000x64xf32, #tpu.memory_space<hbm>> -> memref<1000000x64xf32, #tpu.memory_space<hbm>>
        tpu.enqueue_indirect_dma source(%dma_start3A_570 : memref<1000000x64xf32, #tpu.memory_space<hbm>>) target(%dma_start3A_566 : memref<104x64xf32, #tpu.memory_space<vmem>>) offsets(%dma_start3A_567 : memref<104xi32, #tpu.memory_space<vmem>>) semaphore(%arg9 : memref<!tpu.dma_semaphore, #tpu.memory_space<semaphore_mem>>)
        %dma_start3A_571 = arith.constant 0 : i32
        %dma_start3A_572 = arith.constant 0 : i32
        %dma_start3A_573 = arith.constant 0 : i32
        %dma_start3A_574 = tpu.memref_slice %arg7[%dma_start3A_571, %dma_start3A_572, %dma_start3A_573] : memref<4x400x64xf32, #tpu.memory_space<vmem>> -> memref<1x400x64xf32, #tpu.memory_space<vmem>>
        %dma_start3A_575 = tpu.memref_squeeze %dma_start3A_574 : memref<1x400x64xf32, #tpu.memory_space<vmem>> -> memref<400x64xf32, #tpu.memory_space<vmem>>
        %dma_start3A_576 = arith.constant 208 : i32
        %dma_start3A_577 = arith.constant 0 : i32
        %dma_start3A_578 = tpu.memref_slice %dma_start3A_575[%dma_start3A_576, %dma_start3A_577] : memref<400x64xf32, #tpu.memory_space<vmem>> -> memref<104x64xf32, #tpu.memory_space<vmem>>
        %dma_start3A_579 = tpu.memref_slice %arg6[%add3A_542] : memref<6400xi32, #tpu.memory_space<vmem>> -> memref<104xi32, #tpu.memory_space<vmem>>
        %dma_start3A_580 = arith.constant 0 : i32
        %dma_start3A_581 = arith.constant 0 : i32
        %dma_start3A_582 = tpu.memref_slice %arg2[%dma_start3A_580, %dma_start3A_581] : memref<1000000x64xf32, #tpu.memory_space<hbm>> -> memref<1000000x64xf32, #tpu.memory_space<hbm>>
        tpu.enqueue_indirect_dma source(%dma_start3A_582 : memref<1000000x64xf32, #tpu.memory_space<hbm>>) target(%dma_start3A_578 : memref<104x64xf32, #tpu.memory_space<vmem>>) offsets(%dma_start3A_579 : memref<104xi32, #tpu.memory_space<vmem>>) semaphore(%arg9 : memref<!tpu.dma_semaphore, #tpu.memory_space<semaphore_mem>>)
        %dma_start3A_583 = arith.constant 0 : i32
        %dma_start3A_584 = arith.constant 0 : i32
        %dma_start3A_585 = arith.constant 0 : i32
        %dma_start3A_586 = tpu.memref_slice %arg7[%dma_start3A_583, %dma_start3A_584, %dma_start3A_585] : memref<4x400x64xf32, #tpu.memory_space<vmem>> -> memref<1x400x64xf32, #tpu.memory_space<vmem>>
        %dma_start3A_587 = tpu.memref_squeeze %dma_start3A_586 : memref<1x400x64xf32, #tpu.memory_space<vmem>> -> memref<400x64xf32, #tpu.memory_space<vmem>>
        %dma_start3A_588 = arith.constant 312 : i32
        %dma_start3A_589 = arith.constant 0 : i32
        %dma_start3A_590 = tpu.memref_slice %dma_start3A_587[%dma_start3A_588, %dma_start3A_589] : memref<400x64xf32, #tpu.memory_space<vmem>> -> memref<88x64xf32, #tpu.memory_space<vmem>>
        %dma_start3A_591 = tpu.memref_slice %arg6[%add3A_546] : memref<6400xi32, #tpu.memory_space<vmem>> -> memref<88xi32, #tpu.memory_space<vmem>>
        %dma_start3A_592 = arith.constant 0 : i32
        %dma_start3A_593 = arith.constant 0 : i32
        %dma_start3A_594 = tpu.memref_slice %arg2[%dma_start3A_592, %dma_start3A_593] : memref<1000000x64xf32, #tpu.memory_space<hbm>> -> memref<1000000x64xf32, #tpu.memory_space<hbm>>
        tpu.enqueue_indirect_dma source(%dma_start3A_594 : memref<1000000x64xf32, #tpu.memory_space<hbm>>) target(%dma_start3A_590 : memref<88x64xf32, #tpu.memory_space<vmem>>) offsets(%dma_start3A_591 : memref<88xi32, #tpu.memory_space<vmem>>) semaphore(%arg9 : memref<!tpu.dma_semaphore, #tpu.memory_space<semaphore_mem>>)
      } else {
      }
      %mul3A_342 = arith.constant 400 : i32
      %mul3A_343 = arith.muli %add3A_334, %mul3A_342 : i32
      %add3A_344 = arith.constant 0 : i32
      %add3A_345 = arith.addi %mul3A_343, %add3A_344 : i32
      %mul3A_346 = arith.constant 400 : i32
      %mul3A_347 = arith.muli %add3A_334, %mul3A_346 : i32
      %add3A_348 = arith.constant 104 : i32
      %add3A_349 = arith.addi %mul3A_347, %add3A_348 : i32
      %mul3A_350 = arith.constant 400 : i32
      %mul3A_351 = arith.muli %add3A_334, %mul3A_350 : i32
      %add3A_352 = arith.constant 208 : i32
      %add3A_353 = arith.addi %mul3A_351, %add3A_352 : i32
      %mul3A_354 = arith.constant 400 : i32
      %mul3A_355 = arith.muli %add3A_334, %mul3A_354 : i32
      %add3A_356 = arith.constant 312 : i32
      %add3A_357 = arith.addi %mul3A_355, %add3A_356 : i32
      %dma_wait3A_358 = arith.constant 2 : i32
      %dma_wait3A_359 = arith.constant 0 : i32
      %dma_wait3A_360 = arith.constant 0 : i32
      %dma_wait3A_361 = tpu.memref_slice %arg7[%dma_wait3A_358, %dma_wait3A_359, %dma_wait3A_360] : memref<4x400x64xf32, #tpu.memory_space<vmem>> -> memref<1x400x64xf32, #tpu.memory_space<vmem>>
      %dma_wait3A_362 = tpu.memref_squeeze %dma_wait3A_361 : memref<1x400x64xf32, #tpu.memory_space<vmem>> -> memref<400x64xf32, #tpu.memory_space<vmem>>
      %dma_wait3A_363 = arith.constant 0 : i32
      %dma_wait3A_364 = arith.constant 0 : i32
      %dma_wait3A_365 = tpu.memref_slice %dma_wait3A_362[%dma_wait3A_363, %dma_wait3A_364] : memref<400x64xf32, #tpu.memory_space<vmem>> -> memref<104x64xf32, #tpu.memory_space<vmem>>
      %dma_wait3A_366 = tpu.memref_slice %arg6[%add3A_345] : memref<6400xi32, #tpu.memory_space<vmem>> -> memref<104xi32, #tpu.memory_space<vmem>>
      %dma_wait3A_367 = arith.constant 0 : i32
      %dma_wait3A_368 = arith.constant 0 : i32
      %dma_wait3A_369 = tpu.memref_slice %arg2[%dma_wait3A_367, %dma_wait3A_368] : memref<1000000x64xf32, #tpu.memory_space<hbm>> -> memref<1000000x64xf32, #tpu.memory_space<hbm>>
      tpu.wait_indirect_dma semaphore(%arg11 : memref<!tpu.dma_semaphore, #tpu.memory_space<semaphore_mem>>) src(%dma_wait3A_369 : memref<1000000x64xf32, #tpu.memory_space<hbm>>) dst(%dma_wait3A_365 : memref<104x64xf32, #tpu.memory_space<vmem>>)
      %dma_wait3A_370 = arith.constant 2 : i32
      %dma_wait3A_371 = arith.constant 0 : i32
      %dma_wait3A_372 = arith.constant 0 : i32
      %dma_wait3A_373 = tpu.memref_slice %arg7[%dma_wait3A_370, %dma_wait3A_371, %dma_wait3A_372] : memref<4x400x64xf32, #tpu.memory_space<vmem>> -> memref<1x400x64xf32, #tpu.memory_space<vmem>>
      %dma_wait3A_374 = tpu.memref_squeeze %dma_wait3A_373 : memref<1x400x64xf32, #tpu.memory_space<vmem>> -> memref<400x64xf32, #tpu.memory_space<vmem>>
      %dma_wait3A_375 = arith.constant 104 : i32
      %dma_wait3A_376 = arith.constant 0 : i32
      %dma_wait3A_377 = tpu.memref_slice %dma_wait3A_374[%dma_wait3A_375, %dma_wait3A_376] : memref<400x64xf32, #tpu.memory_space<vmem>> -> memref<104x64xf32, #tpu.memory_space<vmem>>
      %dma_wait3A_378 = tpu.memref_slice %arg6[%add3A_349] : memref<6400xi32, #tpu.memory_space<vmem>> -> memref<104xi32, #tpu.memory_space<vmem>>
      %dma_wait3A_379 = arith.constant 0 : i32
      %dma_wait3A_380 = arith.constant 0 : i32
      %dma_wait3A_381 = tpu.memref_slice %arg2[%dma_wait3A_379, %dma_wait3A_380] : memref<1000000x64xf32, #tpu.memory_space<hbm>> -> memref<1000000x64xf32, #tpu.memory_space<hbm>>
      tpu.wait_indirect_dma semaphore(%arg11 : memref<!tpu.dma_semaphore, #tpu.memory_space<semaphore_mem>>) src(%dma_wait3A_381 : memref<1000000x64xf32, #tpu.memory_space<hbm>>) dst(%dma_wait3A_377 : memref<104x64xf32, #tpu.memory_space<vmem>>)
      %dma_wait3A_382 = arith.constant 2 : i32
      %dma_wait3A_383 = arith.constant 0 : i32
      %dma_wait3A_384 = arith.constant 0 : i32
      %dma_wait3A_385 = tpu.memref_slice %arg7[%dma_wait3A_382, %dma_wait3A_383, %dma_wait3A_384] : memref<4x400x64xf32, #tpu.memory_space<vmem>> -> memref<1x400x64xf32, #tpu.memory_space<vmem>>
      %dma_wait3A_386 = tpu.memref_squeeze %dma_wait3A_385 : memref<1x400x64xf32, #tpu.memory_space<vmem>> -> memref<400x64xf32, #tpu.memory_space<vmem>>
      %dma_wait3A_387 = arith.constant 208 : i32
      %dma_wait3A_388 = arith.constant 0 : i32
      %dma_wait3A_389 = tpu.memref_slice %dma_wait3A_386[%dma_wait3A_387, %dma_wait3A_388] : memref<400x64xf32, #tpu.memory_space<vmem>> -> memref<104x64xf32, #tpu.memory_space<vmem>>
      %dma_wait3A_390 = tpu.memref_slice %arg6[%add3A_353] : memref<6400xi32, #tpu.memory_space<vmem>> -> memref<104xi32, #tpu.memory_space<vmem>>
      %dma_wait3A_391 = arith.constant 0 : i32
      %dma_wait3A_392 = arith.constant 0 : i32
      %dma_wait3A_393 = tpu.memref_slice %arg2[%dma_wait3A_391, %dma_wait3A_392] : memref<1000000x64xf32, #tpu.memory_space<hbm>> -> memref<1000000x64xf32, #tpu.memory_space<hbm>>
      tpu.wait_indirect_dma semaphore(%arg11 : memref<!tpu.dma_semaphore, #tpu.memory_space<semaphore_mem>>) src(%dma_wait3A_393 : memref<1000000x64xf32, #tpu.memory_space<hbm>>) dst(%dma_wait3A_389 : memref<104x64xf32, #tpu.memory_space<vmem>>)
      %dma_wait3A_394 = arith.constant 2 : i32
      %dma_wait3A_395 = arith.constant 0 : i32
      %dma_wait3A_396 = arith.constant 0 : i32
      %dma_wait3A_397 = tpu.memref_slice %arg7[%dma_wait3A_394, %dma_wait3A_395, %dma_wait3A_396] : memref<4x400x64xf32, #tpu.memory_space<vmem>> -> memref<1x400x64xf32, #tpu.memory_space<vmem>>
      %dma_wait3A_398 = tpu.memref_squeeze %dma_wait3A_397 : memref<1x400x64xf32, #tpu.memory_space<vmem>> -> memref<400x64xf32, #tpu.memory_space<vmem>>
      %dma_wait3A_399 = arith.constant 312 : i32
      %dma_wait3A_400 = arith.constant 0 : i32
      %dma_wait3A_401 = tpu.memref_slice %dma_wait3A_398[%dma_wait3A_399, %dma_wait3A_400] : memref<400x64xf32, #tpu.memory_space<vmem>> -> memref<88x64xf32, #tpu.memory_space<vmem>>
      %dma_wait3A_402 = tpu.memref_slice %arg6[%add3A_357] : memref<6400xi32, #tpu.memory_space<vmem>> -> memref<88xi32, #tpu.memory_space<vmem>>
      %dma_wait3A_403 = arith.constant 0 : i32
      %dma_wait3A_404 = arith.constant 0 : i32
      %dma_wait3A_405 = tpu.memref_slice %arg2[%dma_wait3A_403, %dma_wait3A_404] : memref<1000000x64xf32, #tpu.memory_space<hbm>> -> memref<1000000x64xf32, #tpu.memory_space<hbm>>
      tpu.wait_indirect_dma semaphore(%arg11 : memref<!tpu.dma_semaphore, #tpu.memory_space<semaphore_mem>>) src(%dma_wait3A_405 : memref<1000000x64xf32, #tpu.memory_space<hbm>>) dst(%dma_wait3A_401 : memref<88x64xf32, #tpu.memory_space<vmem>>)
      %parallel_loop3A_406 = arith.constant 0 : i32
      %parallel_loop3A_407 = arith.constant 200 : i32
      %parallel_loop3A_408 = arith.constant 1 : i32
      %parallel_loop3A_409 = arith.constant 2 : i32
      scf.for %parallel_loop3A_525 = %parallel_loop3A_406 to %parallel_loop3A_407 step %parallel_loop3A_408  : i32 {
        %parallel_loop3A_526 = arith.constant 64 : i32
        %parallel_loop3A_527 = arith.muli %parallel_loop3A_525, %parallel_loop3A_526 : i32
        %parallel_loop3A_528 = arith.constant 0 : i32
        %parallel_loop3A_529 = arith.addi %parallel_loop3A_527, %parallel_loop3A_528 : i32
        %parallel_loop3A_530 = arith.index_cast %parallel_loop3A_529 : i32 to index
        %parallel_loop3A_531 = tpu.vector_load %arg8[%parallel_loop3A_530] {strides = array<i32>} : memref<12800xf32, #tpu.memory_space<vmem>>, vector<16xf32>,
        %parallel_loop3A_532 = vector.shape_cast %parallel_loop3A_531 : vector<16xf32> to vector<16xf32>
        %parallel_loop3A_533 = arith.constant 0 : i32
        %parallel_loop3A_534 = arith.constant 0 : i32
        %parallel_loop3A_535 = tpu.memref_slice %arg7[%parallel_loop3A_409, %parallel_loop3A_533, %parallel_loop3A_534] : memref<4x400x64xf32, #tpu.memory_space<vmem>> -> memref<1x400x64xf32, #tpu.memory_space<vmem>>
        %parallel_loop3A_536 = tpu.memref_squeeze %parallel_loop3A_535 : memref<1x400x64xf32, #tpu.memory_space<vmem>> -> memref<400x64xf32, #tpu.memory_space<vmem>>
        %parallel_loop3A_537 = arith.index_cast %parallel_loop3A_525 : i32 to index
        %parallel_loop3A_538 = arith.constant 0 : index
        %parallel_loop3A_539 = tpu.vector_load %parallel_loop3A_536[%parallel_loop3A_537, %parallel_loop3A_538] {strides = array<i32>} : memref<400x64xf32, #tpu.memory_space<vmem>>, vector<1x16xf32>,
        %parallel_loop3A_540 = vector.shape_cast %parallel_loop3A_539 : vector<1x16xf32> to vector<16xf32>
        %parallel_loop3A_541 = arith.constant 8.000000e+00 : f32
        %parallel_loop3A_542 = vector.broadcast %parallel_loop3A_541 : f32 to vector<16xf32>
        %parallel_loop3A_543 = arith.mulf %parallel_loop3A_540, %parallel_loop3A_542 : vector<16xf32>
        %parallel_loop3A_544 = arith.addf %parallel_loop3A_543, %parallel_loop3A_532 : vector<16xf32>
        %parallel_loop3A_545 = arith.constant 0 : i32
        %parallel_loop3A_546 = arith.constant 0 : i32
        %parallel_loop3A_547 = tpu.memref_slice %arg7[%parallel_loop3A_409, %parallel_loop3A_545, %parallel_loop3A_546] : memref<4x400x64xf32, #tpu.memory_space<vmem>> -> memref<1x400x64xf32, #tpu.memory_space<vmem>>
        %parallel_loop3A_548 = tpu.memref_squeeze %parallel_loop3A_547 : memref<1x400x64xf32, #tpu.memory_space<vmem>> -> memref<400x64xf32, #tpu.memory_space<vmem>>
        %parallel_loop3A_549 = arith.index_cast %parallel_loop3A_525 : i32 to index
        %parallel_loop3A_550 = arith.constant 0 : index
        %parallel_loop3A_551 = tpu.vector_load %parallel_loop3A_548[%parallel_loop3A_549, %parallel_loop3A_550] {strides = array<i32>} : memref<400x64xf32, #tpu.memory_space<vmem>>, vector<1x16xf32>,
        %parallel_loop3A_552 = vector.shape_cast %parallel_loop3A_551 : vector<1x16xf32> to vector<16xf32>
        %parallel_loop3A_553 = vector.shape_cast %parallel_loop3A_544 : vector<16xf32> to vector<1x16xf32>
        tpu.vector_store %parallel_loop3A_548[%parallel_loop3A_549, %parallel_loop3A_550], %parallel_loop3A_553 {strides = array<i32>} : memref<400x64xf32, #tpu.memory_space<vmem>>, vector<1x16xf32>,
        %parallel_loop3A_554 = arith.constant 200 : i32
        %parallel_loop3A_555 = arith.addi %parallel_loop3A_525, %parallel_loop3A_554 : i32
        %parallel_loop3A_556 = arith.constant 0 : i32
        %parallel_loop3A_557 = arith.constant 0 : i32
        %parallel_loop3A_558 = tpu.memref_slice %arg7[%parallel_loop3A_409, %parallel_loop3A_556, %parallel_loop3A_557] : memref<4x400x64xf32, #tpu.memory_space<vmem>> -> memref<1x400x64xf32, #tpu.memory_space<vmem>>
        %parallel_loop3A_559 = tpu.memref_squeeze %parallel_loop3A_558 : memref<1x400x64xf32, #tpu.memory_space<vmem>> -> memref<400x64xf32, #tpu.memory_space<vmem>>
        %parallel_loop3A_560 = arith.index_cast %parallel_loop3A_555 : i32 to index
        %parallel_loop3A_561 = arith.constant 0 : index
        %parallel_loop3A_562 = tpu.vector_load %parallel_loop3A_559[%parallel_loop3A_560, %parallel_loop3A_561] {strides = array<i32>} : memref<400x64xf32, #tpu.memory_space<vmem>>, vector<1x16xf32>,
        %parallel_loop3A_563 = vector.shape_cast %parallel_loop3A_562 : vector<1x16xf32> to vector<16xf32>
        %parallel_loop3A_564 = arith.constant 8.000000e+00 : f32
        %parallel_loop3A_565 = vector.broadcast %parallel_loop3A_564 : f32 to vector<16xf32>
        %parallel_loop3A_566 = arith.mulf %parallel_loop3A_563, %parallel_loop3A_565 : vector<16xf32>
        %parallel_loop3A_567 = arith.addf %parallel_loop3A_566, %parallel_loop3A_532 : vector<16xf32>
        %parallel_loop3A_568 = arith.constant 0 : i32
        %parallel_loop3A_569 = arith.constant 0 : i32
        %parallel_loop3A_570 = tpu.memref_slice %arg7[%parallel_loop3A_409, %parallel_loop3A_568, %parallel_loop3A_569] : memref<4x400x64xf32, #tpu.memory_space<vmem>> -> memref<1x400x64xf32, #tpu.memory_space<vmem>>
        %parallel_loop3A_571 = tpu.memref_squeeze %parallel_loop3A_570 : memref<1x400x64xf32, #tpu.memory_space<vmem>> -> memref<400x64xf32, #tpu.memory_space<vmem>>
        %parallel_loop3A_572 = arith.index_cast %parallel_loop3A_555 : i32 to index
        %parallel_loop3A_573 = arith.constant 0 : index
        %parallel_loop3A_574 = tpu.vector_load %parallel_loop3A_571[%parallel_loop3A_572, %parallel_loop3A_573] {strides = array<i32>} : memref<400x64xf32, #tpu.memory_space<vmem>>, vector<1x16xf32>,
        %parallel_loop3A_575 = vector.shape_cast %parallel_loop3A_574 : vector<1x16xf32> to vector<16xf32>
        %parallel_loop3A_576 = vector.shape_cast %parallel_loop3A_567 : vector<16xf32> to vector<1x16xf32>
        tpu.vector_store %parallel_loop3A_571[%parallel_loop3A_572, %parallel_loop3A_573], %parallel_loop3A_576 {strides = array<i32>} : memref<400x64xf32, #tpu.memory_space<vmem>>, vector<1x16xf32>,
        %parallel_loop3A_577 = arith.constant 64 : i32
        %parallel_loop3A_578 = arith.muli %parallel_loop3A_525, %parallel_loop3A_577 : i32
        %parallel_loop3A_579 = arith.constant 16 : i32
        %parallel_loop3A_580 = arith.addi %parallel_loop3A_578, %parallel_loop3A_579 : i32
        %parallel_loop3A_581 = arith.index_cast %parallel_loop3A_580 : i32 to index
        %parallel_loop3A_582 = tpu.vector_load %arg8[%parallel_loop3A_581] {strides = array<i32>} : memref<12800xf32, #tpu.memory_space<vmem>>, vector<16xf32>,
        %parallel_loop3A_583 = vector.shape_cast %parallel_loop3A_582 : vector<16xf32> to vector<16xf32>
        %parallel_loop3A_584 = arith.constant 0 : i32
        %parallel_loop3A_585 = arith.constant 0 : i32
        %parallel_loop3A_586 = tpu.memref_slice %arg7[%parallel_loop3A_409, %parallel_loop3A_584, %parallel_loop3A_585] : memref<4x400x64xf32, #tpu.memory_space<vmem>> -> memref<1x400x64xf32, #tpu.memory_space<vmem>>
        %parallel_loop3A_587 = tpu.memref_squeeze %parallel_loop3A_586 : memref<1x400x64xf32, #tpu.memory_space<vmem>> -> memref<400x64xf32, #tpu.memory_space<vmem>>
        %parallel_loop3A_588 = arith.index_cast %parallel_loop3A_525 : i32 to index
        %parallel_loop3A_589 = arith.constant 16 : index
        %parallel_loop3A_590 = tpu.vector_load %parallel_loop3A_587[%parallel_loop3A_588, %parallel_loop3A_589] {strides = array<i32>} : memref<400x64xf32, #tpu.memory_space<vmem>>, vector<1x16xf32>,
        %parallel_loop3A_591 = vector.shape_cast %parallel_loop3A_590 : vector<1x16xf32> to vector<16xf32>
        %parallel_loop3A_592 = arith.constant 8.000000e+00 : f32
        %parallel_loop3A_593 = vector.broadcast %parallel_loop3A_592 : f32 to vector<16xf32>
        %parallel_loop3A_594 = arith.mulf %parallel_loop3A_591, %parallel_loop3A_593 : vector<16xf32>
        %parallel_loop3A_595 = arith.addf %parallel_loop3A_594, %parallel_loop3A_583 : vector<16xf32>
        %parallel_loop3A_596 = arith.constant 0 : i32
        %parallel_loop3A_597 = arith.constant 0 : i32
        %parallel_loop3A_598 = tpu.memref_slice %arg7[%parallel_loop3A_409, %parallel_loop3A_596, %parallel_loop3A_597] : memref<4x400x64xf32, #tpu.memory_space<vmem>> -> memref<1x400x64xf32, #tpu.memory_space<vmem>>
        %parallel_loop3A_599 = tpu.memref_squeeze %parallel_loop3A_598 : memref<1x400x64xf32, #tpu.memory_space<vmem>> -> memref<400x64xf32, #tpu.memory_space<vmem>>
        %parallel_loop3A_600 = arith.index_cast %parallel_loop3A_525 : i32 to index
        %parallel_loop3A_601 = arith.constant 16 : index
        %parallel_loop3A_602 = tpu.vector_load %parallel_loop3A_599[%parallel_loop3A_600, %parallel_loop3A_601] {strides = array<i32>} : memref<400x64xf32, #tpu.memory_space<vmem>>, vector<1x16xf32>,
        %parallel_loop3A_603 = vector.shape_cast %parallel_loop3A_602 : vector<1x16xf32> to vector<16xf32>
        %parallel_loop3A_604 = vector.shape_cast %parallel_loop3A_595 : vector<16xf32> to vector<1x16xf32>
        tpu.vector_store %parallel_loop3A_599[%parallel_loop3A_600, %parallel_loop3A_601], %parallel_loop3A_604 {strides = array<i32>} : memref<400x64xf32, #tpu.memory_space<vmem>>, vector<1x16xf32>,
        %parallel_loop3A_605 = arith.constant 200 : i32
        %parallel_loop3A_606 = arith.addi %parallel_loop3A_525, %parallel_loop3A_605 : i32
        %parallel_loop3A_607 = arith.constant 0 : i32
        %parallel_loop3A_608 = arith.constant 0 : i32
        %parallel_loop3A_609 = tpu.memref_slice %arg7[%parallel_loop3A_409, %parallel_loop3A_607, %parallel_loop3A_608] : memref<4x400x64xf32, #tpu.memory_space<vmem>> -> memref<1x400x64xf32, #tpu.memory_space<vmem>>
        %parallel_loop3A_610 = tpu.memref_squeeze %parallel_loop3A_609 : memref<1x400x64xf32, #tpu.memory_space<vmem>> -> memref<400x64xf32, #tpu.memory_space<vmem>>
        %parallel_loop3A_611 = arith.index_cast %parallel_loop3A_606 : i32 to index
        %parallel_loop3A_612 = arith.constant 16 : index
        %parallel_loop3A_613 = tpu.vector_load %parallel_loop3A_610[%parallel_loop3A_611, %parallel_loop3A_612] {strides = array<i32>} : memref<400x64xf32, #tpu.memory_space<vmem>>, vector<1x16xf32>,
        %parallel_loop3A_614 = vector.shape_cast %parallel_loop3A_613 : vector<1x16xf32> to vector<16xf32>
        %parallel_loop3A_615 = arith.constant 8.000000e+00 : f32
        %parallel_loop3A_616 = vector.broadcast %parallel_loop3A_615 : f32 to vector<16xf32>
        %parallel_loop3A_617 = arith.mulf %parallel_loop3A_614, %parallel_loop3A_616 : vector<16xf32>
        %parallel_loop3A_618 = arith.addf %parallel_loop3A_617, %parallel_loop3A_583 : vector<16xf32>
        %parallel_loop3A_619 = arith.constant 0 : i32
        %parallel_loop3A_620 = arith.constant 0 : i32
        %parallel_loop3A_621 = tpu.memref_slice %arg7[%parallel_loop3A_409, %parallel_loop3A_619, %parallel_loop3A_620] : memref<4x400x64xf32, #tpu.memory_space<vmem>> -> memref<1x400x64xf32, #tpu.memory_space<vmem>>
        %parallel_loop3A_622 = tpu.memref_squeeze %parallel_loop3A_621 : memref<1x400x64xf32, #tpu.memory_space<vmem>> -> memref<400x64xf32, #tpu.memory_space<vmem>>
        %parallel_loop3A_623 = arith.index_cast %parallel_loop3A_606 : i32 to index
        %parallel_loop3A_624 = arith.constant 16 : index
        %parallel_loop3A_625 = tpu.vector_load %parallel_loop3A_622[%parallel_loop3A_623, %parallel_loop3A_624] {strides = array<i32>} : memref<400x64xf32, #tpu.memory_space<vmem>>, vector<1x16xf32>,
        %parallel_loop3A_626 = vector.shape_cast %parallel_loop3A_625 : vector<1x16xf32> to vector<16xf32>
        %parallel_loop3A_627 = vector.shape_cast %parallel_loop3A_618 : vector<16xf32> to vector<1x16xf32>
        tpu.vector_store %parallel_loop3A_622[%parallel_loop3A_623, %parallel_loop3A_624], %parallel_loop3A_627 {strides = array<i32>} : memref<400x64xf32, #tpu.memory_space<vmem>>, vector<1x16xf32>,
        %parallel_loop3A_628 = arith.constant 64 : i32
        %parallel_loop3A_629 = arith.muli %parallel_loop3A_525, %parallel_loop3A_628 : i32
        %parallel_loop3A_630 = arith.constant 32 : i32
        %parallel_loop3A_631 = arith.addi %parallel_loop3A_629, %parallel_loop3A_630 : i32
        %parallel_loop3A_632 = arith.index_cast %parallel_loop3A_631 : i32 to index
        %parallel_loop3A_633 = tpu.vector_load %arg8[%parallel_loop3A_632] {strides = array<i32>} : memref<12800xf32, #tpu.memory_space<vmem>>, vector<16xf32>,
        %parallel_loop3A_634 = vector.shape_cast %parallel_loop3A_633 : vector<16xf32> to vector<16xf32>
        %parallel_loop3A_635 = arith.constant 0 : i32
        %parallel_loop3A_636 = arith.constant 0 : i32
        %parallel_loop3A_637 = tpu.memref_slice %arg7[%parallel_loop3A_409, %parallel_loop3A_635, %parallel_loop3A_636] : memref<4x400x64xf32, #tpu.memory_space<vmem>> -> memref<1x400x64xf32, #tpu.memory_space<vmem>>
        %parallel_loop3A_638 = tpu.memref_squeeze %parallel_loop3A_637 : memref<1x400x64xf32, #tpu.memory_space<vmem>> -> memref<400x64xf32, #tpu.memory_space<vmem>>
        %parallel_loop3A_639 = arith.index_cast %parallel_loop3A_525 : i32 to index
        %parallel_loop3A_640 = arith.constant 32 : index
        %parallel_loop3A_641 = tpu.vector_load %parallel_loop3A_638[%parallel_loop3A_639, %parallel_loop3A_640] {strides = array<i32>} : memref<400x64xf32, #tpu.memory_space<vmem>>, vector<1x16xf32>,
        %parallel_loop3A_642 = vector.shape_cast %parallel_loop3A_641 : vector<1x16xf32> to vector<16xf32>
        %parallel_loop3A_643 = arith.constant 8.000000e+00 : f32
        %parallel_loop3A_644 = vector.broadcast %parallel_loop3A_643 : f32 to vector<16xf32>
        %parallel_loop3A_645 = arith.mulf %parallel_loop3A_642, %parallel_loop3A_644 : vector<16xf32>
        %parallel_loop3A_646 = arith.addf %parallel_loop3A_645, %parallel_loop3A_634 : vector<16xf32>
        %parallel_loop3A_647 = arith.constant 0 : i32
        %parallel_loop3A_648 = arith.constant 0 : i32
        %parallel_loop3A_649 = tpu.memref_slice %arg7[%parallel_loop3A_409, %parallel_loop3A_647, %parallel_loop3A_648] : memref<4x400x64xf32, #tpu.memory_space<vmem>> -> memref<1x400x64xf32, #tpu.memory_space<vmem>>
        %parallel_loop3A_650 = tpu.memref_squeeze %parallel_loop3A_649 : memref<1x400x64xf32, #tpu.memory_space<vmem>> -> memref<400x64xf32, #tpu.memory_space<vmem>>
        %parallel_loop3A_651 = arith.index_cast %parallel_loop3A_525 : i32 to index
        %parallel_loop3A_652 = arith.constant 32 : index
        %parallel_loop3A_653 = tpu.vector_load %parallel_loop3A_650[%parallel_loop3A_651, %parallel_loop3A_652] {strides = array<i32>} : memref<400x64xf32, #tpu.memory_space<vmem>>, vector<1x16xf32>,
        %parallel_loop3A_654 = vector.shape_cast %parallel_loop3A_653 : vector<1x16xf32> to vector<16xf32>
        %parallel_loop3A_655 = vector.shape_cast %parallel_loop3A_646 : vector<16xf32> to vector<1x16xf32>
        tpu.vector_store %parallel_loop3A_650[%parallel_loop3A_651, %parallel_loop3A_652], %parallel_loop3A_655 {strides = array<i32>} : memref<400x64xf32, #tpu.memory_space<vmem>>, vector<1x16xf32>,
        %parallel_loop3A_656 = arith.constant 200 : i32
        %parallel_loop3A_657 = arith.addi %parallel_loop3A_525, %parallel_loop3A_656 : i32
        %parallel_loop3A_658 = arith.constant 0 : i32
        %parallel_loop3A_659 = arith.constant 0 : i32
        %parallel_loop3A_660 = tpu.memref_slice %arg7[%parallel_loop3A_409, %parallel_loop3A_658, %parallel_loop3A_659] : memref<4x400x64xf32, #tpu.memory_space<vmem>> -> memref<1x400x64xf32, #tpu.memory_space<vmem>>
        %parallel_loop3A_661 = tpu.memref_squeeze %parallel_loop3A_660 : memref<1x400x64xf32, #tpu.memory_space<vmem>> -> memref<400x64xf32, #tpu.memory_space<vmem>>
        %parallel_loop3A_662 = arith.index_cast %parallel_loop3A_657 : i32 to index
        %parallel_loop3A_663 = arith.constant 32 : index
        %parallel_loop3A_664 = tpu.vector_load %parallel_loop3A_661[%parallel_loop3A_662, %parallel_loop3A_663] {strides = array<i32>} : memref<400x64xf32, #tpu.memory_space<vmem>>, vector<1x16xf32>,
        %parallel_loop3A_665 = vector.shape_cast %parallel_loop3A_664 : vector<1x16xf32> to vector<16xf32>
        %parallel_loop3A_666 = arith.constant 8.000000e+00 : f32
        %parallel_loop3A_667 = vector.broadcast %parallel_loop3A_666 : f32 to vector<16xf32>
        %parallel_loop3A_668 = arith.mulf %parallel_loop3A_665, %parallel_loop3A_667 : vector<16xf32>
        %parallel_loop3A_669 = arith.addf %parallel_loop3A_668, %parallel_loop3A_634 : vector<16xf32>
        %parallel_loop3A_670 = arith.constant 0 : i32
        %parallel_loop3A_671 = arith.constant 0 : i32
        %parallel_loop3A_672 = tpu.memref_slice %arg7[%parallel_loop3A_409, %parallel_loop3A_670, %parallel_loop3A_671] : memref<4x400x64xf32, #tpu.memory_space<vmem>> -> memref<1x400x64xf32, #tpu.memory_space<vmem>>
        %parallel_loop3A_673 = tpu.memref_squeeze %parallel_loop3A_672 : memref<1x400x64xf32, #tpu.memory_space<vmem>> -> memref<400x64xf32, #tpu.memory_space<vmem>>
        %parallel_loop3A_674 = arith.index_cast %parallel_loop3A_657 : i32 to index
        %parallel_loop3A_675 = arith.constant 32 : index
        %parallel_loop3A_676 = tpu.vector_load %parallel_loop3A_673[%parallel_loop3A_674, %parallel_loop3A_675] {strides = array<i32>} : memref<400x64xf32, #tpu.memory_space<vmem>>, vector<1x16xf32>,
        %parallel_loop3A_677 = vector.shape_cast %parallel_loop3A_676 : vector<1x16xf32> to vector<16xf32>
        %parallel_loop3A_678 = vector.shape_cast %parallel_loop3A_669 : vector<16xf32> to vector<1x16xf32>
        tpu.vector_store %parallel_loop3A_673[%parallel_loop3A_674, %parallel_loop3A_675], %parallel_loop3A_678 {strides = array<i32>} : memref<400x64xf32, #tpu.memory_space<vmem>>, vector<1x16xf32>,
        %parallel_loop3A_679 = arith.constant 64 : i32
        %parallel_loop3A_680 = arith.muli %parallel_loop3A_525, %parallel_loop3A_679 : i32
        %parallel_loop3A_681 = arith.constant 48 : i32
        %parallel_loop3A_682 = arith.addi %parallel_loop3A_680, %parallel_loop3A_681 : i32
        %parallel_loop3A_683 = arith.index_cast %parallel_loop3A_682 : i32 to index
        %parallel_loop3A_684 = tpu.vector_load %arg8[%parallel_loop3A_683] {strides = array<i32>} : memref<12800xf32, #tpu.memory_space<vmem>>, vector<16xf32>,
        %parallel_loop3A_685 = vector.shape_cast %parallel_loop3A_684 : vector<16xf32> to vector<16xf32>
        %parallel_loop3A_686 = arith.constant 0 : i32
        %parallel_loop3A_687 = arith.constant 0 : i32
        %parallel_loop3A_688 = tpu.memref_slice %arg7[%parallel_loop3A_409, %parallel_loop3A_686, %parallel_loop3A_687] : memref<4x400x64xf32, #tpu.memory_space<vmem>> -> memref<1x400x64xf32, #tpu.memory_space<vmem>>
        %parallel_loop3A_689 = tpu.memref_squeeze %parallel_loop3A_688 : memref<1x400x64xf32, #tpu.memory_space<vmem>> -> memref<400x64xf32, #tpu.memory_space<vmem>>
        %parallel_loop3A_690 = arith.index_cast %parallel_loop3A_525 : i32 to index
        %parallel_loop3A_691 = arith.constant 48 : index
        %parallel_loop3A_692 = tpu.vector_load %parallel_loop3A_689[%parallel_loop3A_690, %parallel_loop3A_691] {strides = array<i32>} : memref<400x64xf32, #tpu.memory_space<vmem>>, vector<1x16xf32>,
        %parallel_loop3A_693 = vector.shape_cast %parallel_loop3A_692 : vector<1x16xf32> to vector<16xf32>
        %parallel_loop3A_694 = arith.constant 8.000000e+00 : f32
        %parallel_loop3A_695 = vector.broadcast %parallel_loop3A_694 : f32 to vector<16xf32>
        %parallel_loop3A_696 = arith.mulf %parallel_loop3A_693, %parallel_loop3A_695 : vector<16xf32>
        %parallel_loop3A_697 = arith.addf %parallel_loop3A_696, %parallel_loop3A_685 : vector<16xf32>
        %parallel_loop3A_698 = arith.constant 0 : i32
        %parallel_loop3A_699 = arith.constant 0 : i32
        %parallel_loop3A_700 = tpu.memref_slice %arg7[%parallel_loop3A_409, %parallel_loop3A_698, %parallel_loop3A_699] : memref<4x400x64xf32, #tpu.memory_space<vmem>> -> memref<1x400x64xf32, #tpu.memory_space<vmem>>
        %parallel_loop3A_701 = tpu.memref_squeeze %parallel_loop3A_700 : memref<1x400x64xf32, #tpu.memory_space<vmem>> -> memref<400x64xf32, #tpu.memory_space<vmem>>
        %parallel_loop3A_702 = arith.index_cast %parallel_loop3A_525 : i32 to index
        %parallel_loop3A_703 = arith.constant 48 : index
        %parallel_loop3A_704 = tpu.vector_load %parallel_loop3A_701[%parallel_loop3A_702, %parallel_loop3A_703] {strides = array<i32>} : memref<400x64xf32, #tpu.memory_space<vmem>>, vector<1x16xf32>,
        %parallel_loop3A_705 = vector.shape_cast %parallel_loop3A_704 : vector<1x16xf32> to vector<16xf32>
        %parallel_loop3A_706 = vector.shape_cast %parallel_loop3A_697 : vector<16xf32> to vector<1x16xf32>
        tpu.vector_store %parallel_loop3A_701[%parallel_loop3A_702, %parallel_loop3A_703], %parallel_loop3A_706 {strides = array<i32>} : memref<400x64xf32, #tpu.memory_space<vmem>>, vector<1x16xf32>,
        %parallel_loop3A_707 = arith.constant 200 : i32
        %parallel_loop3A_708 = arith.addi %parallel_loop3A_525, %parallel_loop3A_707 : i32
        %parallel_loop3A_709 = arith.constant 0 : i32
        %parallel_loop3A_710 = arith.constant 0 : i32
        %parallel_loop3A_711 = tpu.memref_slice %arg7[%parallel_loop3A_409, %parallel_loop3A_709, %parallel_loop3A_710] : memref<4x400x64xf32, #tpu.memory_space<vmem>> -> memref<1x400x64xf32, #tpu.memory_space<vmem>>
        %parallel_loop3A_712 = tpu.memref_squeeze %parallel_loop3A_711 : memref<1x400x64xf32, #tpu.memory_space<vmem>> -> memref<400x64xf32, #tpu.memory_space<vmem>>
        %parallel_loop3A_713 = arith.index_cast %parallel_loop3A_708 : i32 to index
        %parallel_loop3A_714 = arith.constant 48 : index
        %parallel_loop3A_715 = tpu.vector_load %parallel_loop3A_712[%parallel_loop3A_713, %parallel_loop3A_714] {strides = array<i32>} : memref<400x64xf32, #tpu.memory_space<vmem>>, vector<1x16xf32>,
        %parallel_loop3A_716 = vector.shape_cast %parallel_loop3A_715 : vector<1x16xf32> to vector<16xf32>
        %parallel_loop3A_717 = arith.constant 8.000000e+00 : f32
        %parallel_loop3A_718 = vector.broadcast %parallel_loop3A_717 : f32 to vector<16xf32>
        %parallel_loop3A_719 = arith.mulf %parallel_loop3A_716, %parallel_loop3A_718 : vector<16xf32>
        %parallel_loop3A_720 = arith.addf %parallel_loop3A_719, %parallel_loop3A_685 : vector<16xf32>
        %parallel_loop3A_721 = arith.constant 0 : i32
        %parallel_loop3A_722 = arith.constant 0 : i32
        %parallel_loop3A_723 = tpu.memref_slice %arg7[%parallel_loop3A_409, %parallel_loop3A_721, %parallel_loop3A_722] : memref<4x400x64xf32, #tpu.memory_space<vmem>> -> memref<1x400x64xf32, #tpu.memory_space<vmem>>
        %parallel_loop3A_724 = tpu.memref_squeeze %parallel_loop3A_723 : memref<1x400x64xf32, #tpu.memory_space<vmem>> -> memref<400x64xf32, #tpu.memory_space<vmem>>
        %parallel_loop3A_725 = arith.index_cast %parallel_loop3A_708 : i32 to index
        %parallel_loop3A_726 = arith.constant 48 : index
        %parallel_loop3A_727 = tpu.vector_load %parallel_loop3A_724[%parallel_loop3A_725, %parallel_loop3A_726] {strides = array<i32>} : memref<400x64xf32, #tpu.memory_space<vmem>>, vector<1x16xf32>,
        %parallel_loop3A_728 = vector.shape_cast %parallel_loop3A_727 : vector<1x16xf32> to vector<16xf32>
        %parallel_loop3A_729 = vector.shape_cast %parallel_loop3A_720 : vector<16xf32> to vector<1x16xf32>
        tpu.vector_store %parallel_loop3A_724[%parallel_loop3A_725, %parallel_loop3A_726], %parallel_loop3A_729 {strides = array<i32>} : memref<400x64xf32, #tpu.memory_space<vmem>>, vector<1x16xf32>,
      } {sc.loop_unroll_factor = 4 : i64, sc.parallel_access}
      %mul3A_410 = arith.constant 6400 : i32
      %mul3A_411 = arith.muli %add3A, %mul3A_410 : i32
      %mul3A_412 = arith.constant 400 : i32
      %mul3A_413 = arith.muli %add3A_334, %mul3A_412 : i32
      %add3A_414 = arith.addi %mul3A_411, %mul3A_413 : i32
      %dma_start3A_415 = arith.constant 2 : i32
      %dma_start3A_416 = arith.constant 0 : i32
      %dma_start3A_417 = arith.constant 0 : i32
      %dma_start3A_418 = tpu.memref_slice %arg7[%dma_start3A_415, %dma_start3A_416, %dma_start3A_417] : memref<4x400x64xf32, #tpu.memory_space<vmem>> -> memref<1x400x64xf32, #tpu.memory_space<vmem>>
      %dma_start3A_419 = tpu.memref_squeeze %dma_start3A_418 : memref<1x400x64xf32, #tpu.memory_space<vmem>> -> memref<400x64xf32, #tpu.memory_space<vmem>>
      %dma_start3A_420 = arith.constant 0 : i32
      %dma_start3A_421 = tpu.memref_slice %arg5[%add3A_414, %dma_start3A_420] : memref<204800x64xf32, #tpu.memory_space<hbm>> -> memref<400x64xf32, #tpu.memory_space<hbm>>
      %dma_start3A_422 = arith.constant 0 : i32
      %dma_start3A_423 = tpu.memref_slice %arg5[%add3A_414, %dma_start3A_422] : memref<204800x64xf32, #tpu.memory_space<hbm>> -> memref<400x64xf32, #tpu.memory_space<hbm>>
      %dma_start3A_424 = arith.constant 0 : i32
      %dma_start3A_425 = arith.constant 0 : i32
      %dma_start3A_426 = tpu.memref_slice %arg7[%dma_start3A_415, %dma_start3A_424, %dma_start3A_425] : memref<4x400x64xf32, #tpu.memory_space<vmem>> -> memref<1x400x64xf32, #tpu.memory_space<vmem>>
      %dma_start3A_427 = tpu.memref_squeeze %dma_start3A_426 : memref<1x400x64xf32, #tpu.memory_space<vmem>> -> memref<400x64xf32, #tpu.memory_space<vmem>>
      tpu.enqueue_dma source(%dma_start3A_427 : memref<400x64xf32, #tpu.memory_space<vmem>>) target(%dma_start3A_423 : memref<400x64xf32, #tpu.memory_space<hbm>>) target_semaphore(%arg15 : memref<!tpu.dma_semaphore, #tpu.memory_space<semaphore_mem>>)
      %mul3A_428 = arith.constant 4 : i32
      %mul3A_429 = arith.muli %scan3A_140, %mul3A_428 : i32
      %add3A_430 = arith.constant 3 : i32
      %add3A_431 = arith.addi %mul3A_429, %add3A_430 : i32
      %add3A_432 = arith.constant 2 : i32
      %add3A_433 = arith.addi %add3A_431, %add3A_432 : i32
      %lt3A_434 = arith.constant 16 : i32
      %lt3A_435 = arith.cmpi slt, %add3A_433, %lt3A_434 : i32
      %convert_element_type3A_436 = arith.extui %lt3A_435 : i1 to i32
      %cond3A_437 = arith.constant 0 : i32
      %cond3A_438 = arith.cmpi ne, %convert_element_type3A_436, %cond3A_437 : i32
      scf.if %cond3A_438 {
        %ge3A = arith.constant 2 : i32
        %ge3A_525 = arith.cmpi sge, %add3A_431, %ge3A : i32
        %convert_element_type3A_526 = arith.extui %ge3A_525 : i1 to i32
        %cond3A_527 = arith.constant 0 : i32
        %cond3A_528 = arith.cmpi ne, %convert_element_type3A_526, %cond3A_527 : i32
        scf.if %cond3A_528 {
          %dma_wait3A_595 = arith.constant 1 : i32
          %dma_wait3A_596 = arith.constant 0 : i32
          %dma_wait3A_597 = arith.constant 0 : i32
          %dma_wait3A_598 = tpu.memref_slice %arg7[%dma_wait3A_595, %dma_wait3A_596, %dma_wait3A_597] : memref<4x400x64xf32, #tpu.memory_space<vmem>> -> memref<1x400x64xf32, #tpu.memory_space<vmem>>
          %dma_wait3A_599 = tpu.memref_squeeze %dma_wait3A_598 : memref<1x400x64xf32, #tpu.memory_space<vmem>> -> memref<400x64xf32, #tpu.memory_space<vmem>>
          %dma_wait3A_600 = arith.constant 0 : i32
          %dma_wait3A_601 = arith.constant 0 : i32
          %dma_wait3A_602 = tpu.memref_slice %arg5[%dma_wait3A_600, %dma_wait3A_601] : memref<204800x64xf32, #tpu.memory_space<hbm>> -> memref<400x64xf32, #tpu.memory_space<hbm>>
          %dma_wait3A_603 = arith.constant 0 : i32
          %dma_wait3A_604 = arith.constant 0 : i32
          %dma_wait3A_605 = tpu.memref_slice %arg5[%dma_wait3A_603, %dma_wait3A_604] : memref<204800x64xf32, #tpu.memory_space<hbm>> -> memref<400x64xf32, #tpu.memory_space<hbm>>
          %dma_wait3A_606 = arith.constant 0 : i32
          %dma_wait3A_607 = arith.constant 0 : i32
          %dma_wait3A_608 = tpu.memref_slice %arg7[%dma_wait3A_595, %dma_wait3A_606, %dma_wait3A_607] : memref<4x400x64xf32, #tpu.memory_space<vmem>> -> memref<1x400x64xf32, #tpu.memory_space<vmem>>
          %dma_wait3A_609 = tpu.memref_squeeze %dma_wait3A_608 : memref<1x400x64xf32, #tpu.memory_space<vmem>> -> memref<400x64xf32, #tpu.memory_space<vmem>>
          tpu.wait_dma2 semaphore(%arg14 : memref<!tpu.dma_semaphore, #tpu.memory_space<semaphore_mem>>) src(%dma_wait3A_609 : memref<400x64xf32, #tpu.memory_space<vmem>>) dst(%dma_wait3A_605 : memref<400x64xf32, #tpu.memory_space<hbm>>)
        } else {
        }
        %add3A_529 = arith.constant 2 : i32
        %add3A_530 = arith.addi %add3A_431, %add3A_529 : i32
        %mul3A_531 = arith.constant 400 : i32
        %mul3A_532 = arith.muli %add3A_530, %mul3A_531 : i32
        %add3A_533 = arith.constant 0 : i32
        %add3A_534 = arith.addi %mul3A_532, %add3A_533 : i32
        %mul3A_535 = arith.constant 400 : i32
        %mul3A_536 = arith.muli %add3A_530, %mul3A_535 : i32
        %add3A_537 = arith.constant 104 : i32
        %add3A_538 = arith.addi %mul3A_536, %add3A_537 : i32
        %mul3A_539 = arith.constant 400 : i32
        %mul3A_540 = arith.muli %add3A_530, %mul3A_539 : i32
        %add3A_541 = arith.constant 208 : i32
        %add3A_542 = arith.addi %mul3A_540, %add3A_541 : i32
        %mul3A_543 = arith.constant 400 : i32
        %mul3A_544 = arith.muli %add3A_530, %mul3A_543 : i32
        %add3A_545 = arith.constant 312 : i32
        %add3A_546 = arith.addi %mul3A_544, %add3A_545 : i32
        %dma_start3A_547 = arith.constant 1 : i32
        %dma_start3A_548 = arith.constant 0 : i32
        %dma_start3A_549 = arith.constant 0 : i32
        %dma_start3A_550 = tpu.memref_slice %arg7[%dma_start3A_547, %dma_start3A_548, %dma_start3A_549] : memref<4x400x64xf32, #tpu.memory_space<vmem>> -> memref<1x400x64xf32, #tpu.memory_space<vmem>>
        %dma_start3A_551 = tpu.memref_squeeze %dma_start3A_550 : memref<1x400x64xf32, #tpu.memory_space<vmem>> -> memref<400x64xf32, #tpu.memory_space<vmem>>
        %dma_start3A_552 = arith.constant 0 : i32
        %dma_start3A_553 = arith.constant 0 : i32
        %dma_start3A_554 = tpu.memref_slice %dma_start3A_551[%dma_start3A_552, %dma_start3A_553] : memref<400x64xf32, #tpu.memory_space<vmem>> -> memref<104x64xf32, #tpu.memory_space<vmem>>
        %dma_start3A_555 = tpu.memref_slice %arg6[%add3A_534] : memref<6400xi32, #tpu.memory_space<vmem>> -> memref<104xi32, #tpu.memory_space<vmem>>
        %dma_start3A_556 = arith.constant 0 : i32
        %dma_start3A_557 = arith.constant 0 : i32
        %dma_start3A_558 = tpu.memref_slice %arg2[%dma_start3A_556, %dma_start3A_557] : memref<1000000x64xf32, #tpu.memory_space<hbm>> -> memref<1000000x64xf32, #tpu.memory_space<hbm>>
        tpu.enqueue_indirect_dma source(%dma_start3A_558 : memref<1000000x64xf32, #tpu.memory_space<hbm>>) target(%dma_start3A_554 : memref<104x64xf32, #tpu.memory_space<vmem>>) offsets(%dma_start3A_555 : memref<104xi32, #tpu.memory_space<vmem>>) semaphore(%arg10 : memref<!tpu.dma_semaphore, #tpu.memory_space<semaphore_mem>>)
        %dma_start3A_559 = arith.constant 1 : i32
        %dma_start3A_560 = arith.constant 0 : i32
        %dma_start3A_561 = arith.constant 0 : i32
        %dma_start3A_562 = tpu.memref_slice %arg7[%dma_start3A_559, %dma_start3A_560, %dma_start3A_561] : memref<4x400x64xf32, #tpu.memory_space<vmem>> -> memref<1x400x64xf32, #tpu.memory_space<vmem>>
        %dma_start3A_563 = tpu.memref_squeeze %dma_start3A_562 : memref<1x400x64xf32, #tpu.memory_space<vmem>> -> memref<400x64xf32, #tpu.memory_space<vmem>>
        %dma_start3A_564 = arith.constant 104 : i32
        %dma_start3A_565 = arith.constant 0 : i32
        %dma_start3A_566 = tpu.memref_slice %dma_start3A_563[%dma_start3A_564, %dma_start3A_565] : memref<400x64xf32, #tpu.memory_space<vmem>> -> memref<104x64xf32, #tpu.memory_space<vmem>>
        %dma_start3A_567 = tpu.memref_slice %arg6[%add3A_538] : memref<6400xi32, #tpu.memory_space<vmem>> -> memref<104xi32, #tpu.memory_space<vmem>>
        %dma_start3A_568 = arith.constant 0 : i32
        %dma_start3A_569 = arith.constant 0 : i32
        %dma_start3A_570 = tpu.memref_slice %arg2[%dma_start3A_568, %dma_start3A_569] : memref<1000000x64xf32, #tpu.memory_space<hbm>> -> memref<1000000x64xf32, #tpu.memory_space<hbm>>
        tpu.enqueue_indirect_dma source(%dma_start3A_570 : memref<1000000x64xf32, #tpu.memory_space<hbm>>) target(%dma_start3A_566 : memref<104x64xf32, #tpu.memory_space<vmem>>) offsets(%dma_start3A_567 : memref<104xi32, #tpu.memory_space<vmem>>) semaphore(%arg10 : memref<!tpu.dma_semaphore, #tpu.memory_space<semaphore_mem>>)
        %dma_start3A_571 = arith.constant 1 : i32
        %dma_start3A_572 = arith.constant 0 : i32
        %dma_start3A_573 = arith.constant 0 : i32
        %dma_start3A_574 = tpu.memref_slice %arg7[%dma_start3A_571, %dma_start3A_572, %dma_start3A_573] : memref<4x400x64xf32, #tpu.memory_space<vmem>> -> memref<1x400x64xf32, #tpu.memory_space<vmem>>
        %dma_start3A_575 = tpu.memref_squeeze %dma_start3A_574 : memref<1x400x64xf32, #tpu.memory_space<vmem>> -> memref<400x64xf32, #tpu.memory_space<vmem>>
        %dma_start3A_576 = arith.constant 208 : i32
        %dma_start3A_577 = arith.constant 0 : i32
        %dma_start3A_578 = tpu.memref_slice %dma_start3A_575[%dma_start3A_576, %dma_start3A_577] : memref<400x64xf32, #tpu.memory_space<vmem>> -> memref<104x64xf32, #tpu.memory_space<vmem>>
        %dma_start3A_579 = tpu.memref_slice %arg6[%add3A_542] : memref<6400xi32, #tpu.memory_space<vmem>> -> memref<104xi32, #tpu.memory_space<vmem>>
        %dma_start3A_580 = arith.constant 0 : i32
        %dma_start3A_581 = arith.constant 0 : i32
        %dma_start3A_582 = tpu.memref_slice %arg2[%dma_start3A_580, %dma_start3A_581] : memref<1000000x64xf32, #tpu.memory_space<hbm>> -> memref<1000000x64xf32, #tpu.memory_space<hbm>>
        tpu.enqueue_indirect_dma source(%dma_start3A_582 : memref<1000000x64xf32, #tpu.memory_space<hbm>>) target(%dma_start3A_578 : memref<104x64xf32, #tpu.memory_space<vmem>>) offsets(%dma_start3A_579 : memref<104xi32, #tpu.memory_space<vmem>>) semaphore(%arg10 : memref<!tpu.dma_semaphore, #tpu.memory_space<semaphore_mem>>)
        %dma_start3A_583 = arith.constant 1 : i32
        %dma_start3A_584 = arith.constant 0 : i32
        %dma_start3A_585 = arith.constant 0 : i32
        %dma_start3A_586 = tpu.memref_slice %arg7[%dma_start3A_583, %dma_start3A_584, %dma_start3A_585] : memref<4x400x64xf32, #tpu.memory_space<vmem>> -> memref<1x400x64xf32, #tpu.memory_space<vmem>>
        %dma_start3A_587 = tpu.memref_squeeze %dma_start3A_586 : memref<1x400x64xf32, #tpu.memory_space<vmem>> -> memref<400x64xf32, #tpu.memory_space<vmem>>
        %dma_start3A_588 = arith.constant 312 : i32
        %dma_start3A_589 = arith.constant 0 : i32
        %dma_start3A_590 = tpu.memref_slice %dma_start3A_587[%dma_start3A_588, %dma_start3A_589] : memref<400x64xf32, #tpu.memory_space<vmem>> -> memref<88x64xf32, #tpu.memory_space<vmem>>
        %dma_start3A_591 = tpu.memref_slice %arg6[%add3A_546] : memref<6400xi32, #tpu.memory_space<vmem>> -> memref<88xi32, #tpu.memory_space<vmem>>
        %dma_start3A_592 = arith.constant 0 : i32
        %dma_start3A_593 = arith.constant 0 : i32
        %dma_start3A_594 = tpu.memref_slice %arg2[%dma_start3A_592, %dma_start3A_593] : memref<1000000x64xf32, #tpu.memory_space<hbm>> -> memref<1000000x64xf32, #tpu.memory_space<hbm>>
        tpu.enqueue_indirect_dma source(%dma_start3A_594 : memref<1000000x64xf32, #tpu.memory_space<hbm>>) target(%dma_start3A_590 : memref<88x64xf32, #tpu.memory_space<vmem>>) offsets(%dma_start3A_591 : memref<88xi32, #tpu.memory_space<vmem>>) semaphore(%arg10 : memref<!tpu.dma_semaphore, #tpu.memory_space<semaphore_mem>>)
      } else {
      }
      %mul3A_439 = arith.constant 400 : i32
      %mul3A_440 = arith.muli %add3A_431, %mul3A_439 : i32
      %add3A_441 = arith.constant 0 : i32
      %add3A_442 = arith.addi %mul3A_440, %add3A_441 : i32
      %mul3A_443 = arith.constant 400 : i32
      %mul3A_444 = arith.muli %add3A_431, %mul3A_443 : i32
      %add3A_445 = arith.constant 104 : i32
      %add3A_446 = arith.addi %mul3A_444, %add3A_445 : i32
      %mul3A_447 = arith.constant 400 : i32
      %mul3A_448 = arith.muli %add3A_431, %mul3A_447 : i32
      %add3A_449 = arith.constant 208 : i32
      %add3A_450 = arith.addi %mul3A_448, %add3A_449 : i32
      %mul3A_451 = arith.constant 400 : i32
      %mul3A_452 = arith.muli %add3A_431, %mul3A_451 : i32
      %add3A_453 = arith.constant 312 : i32
      %add3A_454 = arith.addi %mul3A_452, %add3A_453 : i32
      %dma_wait3A_455 = arith.constant 3 : i32
      %dma_wait3A_456 = arith.constant 0 : i32
      %dma_wait3A_457 = arith.constant 0 : i32
      %dma_wait3A_458 = tpu.memref_slice %arg7[%dma_wait3A_455, %dma_wait3A_456, %dma_wait3A_457] : memref<4x400x64xf32, #tpu.memory_space<vmem>> -> memref<1x400x64xf32, #tpu.memory_space<vmem>>
      %dma_wait3A_459 = tpu.memref_squeeze %dma_wait3A_458 : memref<1x400x64xf32, #tpu.memory_space<vmem>> -> memref<400x64xf32, #tpu.memory_space<vmem>>
      %dma_wait3A_460 = arith.constant 0 : i32
      %dma_wait3A_461 = arith.constant 0 : i32
      %dma_wait3A_462 = tpu.memref_slice %dma_wait3A_459[%dma_wait3A_460, %dma_wait3A_461] : memref<400x64xf32, #tpu.memory_space<vmem>> -> memref<104x64xf32, #tpu.memory_space<vmem>>
      %dma_wait3A_463 = tpu.memref_slice %arg6[%add3A_442] : memref<6400xi32, #tpu.memory_space<vmem>> -> memref<104xi32, #tpu.memory_space<vmem>>
      %dma_wait3A_464 = arith.constant 0 : i32
      %dma_wait3A_465 = arith.constant 0 : i32
      %dma_wait3A_466 = tpu.memref_slice %arg2[%dma_wait3A_464, %dma_wait3A_465] : memref<1000000x64xf32, #tpu.memory_space<hbm>> -> memref<1000000x64xf32, #tpu.memory_space<hbm>>
      tpu.wait_indirect_dma semaphore(%arg12 : memref<!tpu.dma_semaphore, #tpu.memory_space<semaphore_mem>>) src(%dma_wait3A_466 : memref<1000000x64xf32, #tpu.memory_space<hbm>>) dst(%dma_wait3A_462 : memref<104x64xf32, #tpu.memory_space<vmem>>)
      %dma_wait3A_467 = arith.constant 3 : i32
      %dma_wait3A_468 = arith.constant 0 : i32
      %dma_wait3A_469 = arith.constant 0 : i32
      %dma_wait3A_470 = tpu.memref_slice %arg7[%dma_wait3A_467, %dma_wait3A_468, %dma_wait3A_469] : memref<4x400x64xf32, #tpu.memory_space<vmem>> -> memref<1x400x64xf32, #tpu.memory_space<vmem>>
      %dma_wait3A_471 = tpu.memref_squeeze %dma_wait3A_470 : memref<1x400x64xf32, #tpu.memory_space<vmem>> -> memref<400x64xf32, #tpu.memory_space<vmem>>
      %dma_wait3A_472 = arith.constant 104 : i32
      %dma_wait3A_473 = arith.constant 0 : i32
      %dma_wait3A_474 = tpu.memref_slice %dma_wait3A_471[%dma_wait3A_472, %dma_wait3A_473] : memref<400x64xf32, #tpu.memory_space<vmem>> -> memref<104x64xf32, #tpu.memory_space<vmem>>
      %dma_wait3A_475 = tpu.memref_slice %arg6[%add3A_446] : memref<6400xi32, #tpu.memory_space<vmem>> -> memref<104xi32, #tpu.memory_space<vmem>>
      %dma_wait3A_476 = arith.constant 0 : i32
      %dma_wait3A_477 = arith.constant 0 : i32
      %dma_wait3A_478 = tpu.memref_slice %arg2[%dma_wait3A_476, %dma_wait3A_477] : memref<1000000x64xf32, #tpu.memory_space<hbm>> -> memref<1000000x64xf32, #tpu.memory_space<hbm>>
      tpu.wait_indirect_dma semaphore(%arg12 : memref<!tpu.dma_semaphore, #tpu.memory_space<semaphore_mem>>) src(%dma_wait3A_478 : memref<1000000x64xf32, #tpu.memory_space<hbm>>) dst(%dma_wait3A_474 : memref<104x64xf32, #tpu.memory_space<vmem>>)
      %dma_wait3A_479 = arith.constant 3 : i32
      %dma_wait3A_480 = arith.constant 0 : i32
      %dma_wait3A_481 = arith.constant 0 : i32
      %dma_wait3A_482 = tpu.memref_slice %arg7[%dma_wait3A_479, %dma_wait3A_480, %dma_wait3A_481] : memref<4x400x64xf32, #tpu.memory_space<vmem>> -> memref<1x400x64xf32, #tpu.memory_space<vmem>>
      %dma_wait3A_483 = tpu.memref_squeeze %dma_wait3A_482 : memref<1x400x64xf32, #tpu.memory_space<vmem>> -> memref<400x64xf32, #tpu.memory_space<vmem>>
      %dma_wait3A_484 = arith.constant 208 : i32
      %dma_wait3A_485 = arith.constant 0 : i32
      %dma_wait3A_486 = tpu.memref_slice %dma_wait3A_483[%dma_wait3A_484, %dma_wait3A_485] : memref<400x64xf32, #tpu.memory_space<vmem>> -> memref<104x64xf32, #tpu.memory_space<vmem>>
      %dma_wait3A_487 = tpu.memref_slice %arg6[%add3A_450] : memref<6400xi32, #tpu.memory_space<vmem>> -> memref<104xi32, #tpu.memory_space<vmem>>
      %dma_wait3A_488 = arith.constant 0 : i32
      %dma_wait3A_489 = arith.constant 0 : i32
      %dma_wait3A_490 = tpu.memref_slice %arg2[%dma_wait3A_488, %dma_wait3A_489] : memref<1000000x64xf32, #tpu.memory_space<hbm>> -> memref<1000000x64xf32, #tpu.memory_space<hbm>>
      tpu.wait_indirect_dma semaphore(%arg12 : memref<!tpu.dma_semaphore, #tpu.memory_space<semaphore_mem>>) src(%dma_wait3A_490 : memref<1000000x64xf32, #tpu.memory_space<hbm>>) dst(%dma_wait3A_486 : memref<104x64xf32, #tpu.memory_space<vmem>>)
      %dma_wait3A_491 = arith.constant 3 : i32
      %dma_wait3A_492 = arith.constant 0 : i32
      %dma_wait3A_493 = arith.constant 0 : i32
      %dma_wait3A_494 = tpu.memref_slice %arg7[%dma_wait3A_491, %dma_wait3A_492, %dma_wait3A_493] : memref<4x400x64xf32, #tpu.memory_space<vmem>> -> memref<1x400x64xf32, #tpu.memory_space<vmem>>
      %dma_wait3A_495 = tpu.memref_squeeze %dma_wait3A_494 : memref<1x400x64xf32, #tpu.memory_space<vmem>> -> memref<400x64xf32, #tpu.memory_space<vmem>>
      %dma_wait3A_496 = arith.constant 312 : i32
      %dma_wait3A_497 = arith.constant 0 : i32
      %dma_wait3A_498 = tpu.memref_slice %dma_wait3A_495[%dma_wait3A_496, %dma_wait3A_497] : memref<400x64xf32, #tpu.memory_space<vmem>> -> memref<88x64xf32, #tpu.memory_space<vmem>>
      %dma_wait3A_499 = tpu.memref_slice %arg6[%add3A_454] : memref<6400xi32, #tpu.memory_space<vmem>> -> memref<88xi32, #tpu.memory_space<vmem>>
      %dma_wait3A_500 = arith.constant 0 : i32
      %dma_wait3A_501 = arith.constant 0 : i32
      %dma_wait3A_502 = tpu.memref_slice %arg2[%dma_wait3A_500, %dma_wait3A_501] : memref<1000000x64xf32, #tpu.memory_space<hbm>> -> memref<1000000x64xf32, #tpu.memory_space<hbm>>
      tpu.wait_indirect_dma semaphore(%arg12 : memref<!tpu.dma_semaphore, #tpu.memory_space<semaphore_mem>>) src(%dma_wait3A_502 : memref<1000000x64xf32, #tpu.memory_space<hbm>>) dst(%dma_wait3A_498 : memref<88x64xf32, #tpu.memory_space<vmem>>)
      %parallel_loop3A_503 = arith.constant 0 : i32
      %parallel_loop3A_504 = arith.constant 200 : i32
      %parallel_loop3A_505 = arith.constant 1 : i32
      %parallel_loop3A_506 = arith.constant 3 : i32
      scf.for %parallel_loop3A_525 = %parallel_loop3A_503 to %parallel_loop3A_504 step %parallel_loop3A_505  : i32 {
        %parallel_loop3A_526 = arith.constant 64 : i32
        %parallel_loop3A_527 = arith.muli %parallel_loop3A_525, %parallel_loop3A_526 : i32
        %parallel_loop3A_528 = arith.constant 0 : i32
        %parallel_loop3A_529 = arith.addi %parallel_loop3A_527, %parallel_loop3A_528 : i32
        %parallel_loop3A_530 = arith.index_cast %parallel_loop3A_529 : i32 to index
        %parallel_loop3A_531 = tpu.vector_load %arg8[%parallel_loop3A_530] {strides = array<i32>} : memref<12800xf32, #tpu.memory_space<vmem>>, vector<16xf32>,
        %parallel_loop3A_532 = vector.shape_cast %parallel_loop3A_531 : vector<16xf32> to vector<16xf32>
        %parallel_loop3A_533 = arith.constant 0 : i32
        %parallel_loop3A_534 = arith.constant 0 : i32
        %parallel_loop3A_535 = tpu.memref_slice %arg7[%parallel_loop3A_506, %parallel_loop3A_533, %parallel_loop3A_534] : memref<4x400x64xf32, #tpu.memory_space<vmem>> -> memref<1x400x64xf32, #tpu.memory_space<vmem>>
        %parallel_loop3A_536 = tpu.memref_squeeze %parallel_loop3A_535 : memref<1x400x64xf32, #tpu.memory_space<vmem>> -> memref<400x64xf32, #tpu.memory_space<vmem>>
        %parallel_loop3A_537 = arith.index_cast %parallel_loop3A_525 : i32 to index
        %parallel_loop3A_538 = arith.constant 0 : index
        %parallel_loop3A_539 = tpu.vector_load %parallel_loop3A_536[%parallel_loop3A_537, %parallel_loop3A_538] {strides = array<i32>} : memref<400x64xf32, #tpu.memory_space<vmem>>, vector<1x16xf32>,
        %parallel_loop3A_540 = vector.shape_cast %parallel_loop3A_539 : vector<1x16xf32> to vector<16xf32>
        %parallel_loop3A_541 = arith.constant 8.000000e+00 : f32
        %parallel_loop3A_542 = vector.broadcast %parallel_loop3A_541 : f32 to vector<16xf32>
        %parallel_loop3A_543 = arith.mulf %parallel_loop3A_540, %parallel_loop3A_542 : vector<16xf32>
        %parallel_loop3A_544 = arith.addf %parallel_loop3A_543, %parallel_loop3A_532 : vector<16xf32>
        %parallel_loop3A_545 = arith.constant 0 : i32
        %parallel_loop3A_546 = arith.constant 0 : i32
        %parallel_loop3A_547 = tpu.memref_slice %arg7[%parallel_loop3A_506, %parallel_loop3A_545, %parallel_loop3A_546] : memref<4x400x64xf32, #tpu.memory_space<vmem>> -> memref<1x400x64xf32, #tpu.memory_space<vmem>>
        %parallel_loop3A_548 = tpu.memref_squeeze %parallel_loop3A_547 : memref<1x400x64xf32, #tpu.memory_space<vmem>> -> memref<400x64xf32, #tpu.memory_space<vmem>>
        %parallel_loop3A_549 = arith.index_cast %parallel_loop3A_525 : i32 to index
        %parallel_loop3A_550 = arith.constant 0 : index
        %parallel_loop3A_551 = tpu.vector_load %parallel_loop3A_548[%parallel_loop3A_549, %parallel_loop3A_550] {strides = array<i32>} : memref<400x64xf32, #tpu.memory_space<vmem>>, vector<1x16xf32>,
        %parallel_loop3A_552 = vector.shape_cast %parallel_loop3A_551 : vector<1x16xf32> to vector<16xf32>
        %parallel_loop3A_553 = vector.shape_cast %parallel_loop3A_544 : vector<16xf32> to vector<1x16xf32>
        tpu.vector_store %parallel_loop3A_548[%parallel_loop3A_549, %parallel_loop3A_550], %parallel_loop3A_553 {strides = array<i32>} : memref<400x64xf32, #tpu.memory_space<vmem>>, vector<1x16xf32>,
        %parallel_loop3A_554 = arith.constant 200 : i32
        %parallel_loop3A_555 = arith.addi %parallel_loop3A_525, %parallel_loop3A_554 : i32
        %parallel_loop3A_556 = arith.constant 0 : i32
        %parallel_loop3A_557 = arith.constant 0 : i32
        %parallel_loop3A_558 = tpu.memref_slice %arg7[%parallel_loop3A_506, %parallel_loop3A_556, %parallel_loop3A_557] : memref<4x400x64xf32, #tpu.memory_space<vmem>> -> memref<1x400x64xf32, #tpu.memory_space<vmem>>
        %parallel_loop3A_559 = tpu.memref_squeeze %parallel_loop3A_558 : memref<1x400x64xf32, #tpu.memory_space<vmem>> -> memref<400x64xf32, #tpu.memory_space<vmem>>
        %parallel_loop3A_560 = arith.index_cast %parallel_loop3A_555 : i32 to index
        %parallel_loop3A_561 = arith.constant 0 : index
        %parallel_loop3A_562 = tpu.vector_load %parallel_loop3A_559[%parallel_loop3A_560, %parallel_loop3A_561] {strides = array<i32>} : memref<400x64xf32, #tpu.memory_space<vmem>>, vector<1x16xf32>,
        %parallel_loop3A_563 = vector.shape_cast %parallel_loop3A_562 : vector<1x16xf32> to vector<16xf32>
        %parallel_loop3A_564 = arith.constant 8.000000e+00 : f32
        %parallel_loop3A_565 = vector.broadcast %parallel_loop3A_564 : f32 to vector<16xf32>
        %parallel_loop3A_566 = arith.mulf %parallel_loop3A_563, %parallel_loop3A_565 : vector<16xf32>
        %parallel_loop3A_567 = arith.addf %parallel_loop3A_566, %parallel_loop3A_532 : vector<16xf32>
        %parallel_loop3A_568 = arith.constant 0 : i32
        %parallel_loop3A_569 = arith.constant 0 : i32
        %parallel_loop3A_570 = tpu.memref_slice %arg7[%parallel_loop3A_506, %parallel_loop3A_568, %parallel_loop3A_569] : memref<4x400x64xf32, #tpu.memory_space<vmem>> -> memref<1x400x64xf32, #tpu.memory_space<vmem>>
        %parallel_loop3A_571 = tpu.memref_squeeze %parallel_loop3A_570 : memref<1x400x64xf32, #tpu.memory_space<vmem>> -> memref<400x64xf32, #tpu.memory_space<vmem>>
        %parallel_loop3A_572 = arith.index_cast %parallel_loop3A_555 : i32 to index
        %parallel_loop3A_573 = arith.constant 0 : index
        %parallel_loop3A_574 = tpu.vector_load %parallel_loop3A_571[%parallel_loop3A_572, %parallel_loop3A_573] {strides = array<i32>} : memref<400x64xf32, #tpu.memory_space<vmem>>, vector<1x16xf32>,
        %parallel_loop3A_575 = vector.shape_cast %parallel_loop3A_574 : vector<1x16xf32> to vector<16xf32>
        %parallel_loop3A_576 = vector.shape_cast %parallel_loop3A_567 : vector<16xf32> to vector<1x16xf32>
        tpu.vector_store %parallel_loop3A_571[%parallel_loop3A_572, %parallel_loop3A_573], %parallel_loop3A_576 {strides = array<i32>} : memref<400x64xf32, #tpu.memory_space<vmem>>, vector<1x16xf32>,
        %parallel_loop3A_577 = arith.constant 64 : i32
        %parallel_loop3A_578 = arith.muli %parallel_loop3A_525, %parallel_loop3A_577 : i32
        %parallel_loop3A_579 = arith.constant 16 : i32
        %parallel_loop3A_580 = arith.addi %parallel_loop3A_578, %parallel_loop3A_579 : i32
        %parallel_loop3A_581 = arith.index_cast %parallel_loop3A_580 : i32 to index
        %parallel_loop3A_582 = tpu.vector_load %arg8[%parallel_loop3A_581] {strides = array<i32>} : memref<12800xf32, #tpu.memory_space<vmem>>, vector<16xf32>,
        %parallel_loop3A_583 = vector.shape_cast %parallel_loop3A_582 : vector<16xf32> to vector<16xf32>
        %parallel_loop3A_584 = arith.constant 0 : i32
        %parallel_loop3A_585 = arith.constant 0 : i32
        %parallel_loop3A_586 = tpu.memref_slice %arg7[%parallel_loop3A_506, %parallel_loop3A_584, %parallel_loop3A_585] : memref<4x400x64xf32, #tpu.memory_space<vmem>> -> memref<1x400x64xf32, #tpu.memory_space<vmem>>
        %parallel_loop3A_587 = tpu.memref_squeeze %parallel_loop3A_586 : memref<1x400x64xf32, #tpu.memory_space<vmem>> -> memref<400x64xf32, #tpu.memory_space<vmem>>
        %parallel_loop3A_588 = arith.index_cast %parallel_loop3A_525 : i32 to index
        %parallel_loop3A_589 = arith.constant 16 : index
        %parallel_loop3A_590 = tpu.vector_load %parallel_loop3A_587[%parallel_loop3A_588, %parallel_loop3A_589] {strides = array<i32>} : memref<400x64xf32, #tpu.memory_space<vmem>>, vector<1x16xf32>,
        %parallel_loop3A_591 = vector.shape_cast %parallel_loop3A_590 : vector<1x16xf32> to vector<16xf32>
        %parallel_loop3A_592 = arith.constant 8.000000e+00 : f32
        %parallel_loop3A_593 = vector.broadcast %parallel_loop3A_592 : f32 to vector<16xf32>
        %parallel_loop3A_594 = arith.mulf %parallel_loop3A_591, %parallel_loop3A_593 : vector<16xf32>
        %parallel_loop3A_595 = arith.addf %parallel_loop3A_594, %parallel_loop3A_583 : vector<16xf32>
        %parallel_loop3A_596 = arith.constant 0 : i32
        %parallel_loop3A_597 = arith.constant 0 : i32
        %parallel_loop3A_598 = tpu.memref_slice %arg7[%parallel_loop3A_506, %parallel_loop3A_596, %parallel_loop3A_597] : memref<4x400x64xf32, #tpu.memory_space<vmem>> -> memref<1x400x64xf32, #tpu.memory_space<vmem>>
        %parallel_loop3A_599 = tpu.memref_squeeze %parallel_loop3A_598 : memref<1x400x64xf32, #tpu.memory_space<vmem>> -> memref<400x64xf32, #tpu.memory_space<vmem>>
        %parallel_loop3A_600 = arith.index_cast %parallel_loop3A_525 : i32 to index
        %parallel_loop3A_601 = arith.constant 16 : index
        %parallel_loop3A_602 = tpu.vector_load %parallel_loop3A_599[%parallel_loop3A_600, %parallel_loop3A_601] {strides = array<i32>} : memref<400x64xf32, #tpu.memory_space<vmem>>, vector<1x16xf32>,
        %parallel_loop3A_603 = vector.shape_cast %parallel_loop3A_602 : vector<1x16xf32> to vector<16xf32>
        %parallel_loop3A_604 = vector.shape_cast %parallel_loop3A_595 : vector<16xf32> to vector<1x16xf32>
        tpu.vector_store %parallel_loop3A_599[%parallel_loop3A_600, %parallel_loop3A_601], %parallel_loop3A_604 {strides = array<i32>} : memref<400x64xf32, #tpu.memory_space<vmem>>, vector<1x16xf32>,
        %parallel_loop3A_605 = arith.constant 200 : i32
        %parallel_loop3A_606 = arith.addi %parallel_loop3A_525, %parallel_loop3A_605 : i32
        %parallel_loop3A_607 = arith.constant 0 : i32
        %parallel_loop3A_608 = arith.constant 0 : i32
        %parallel_loop3A_609 = tpu.memref_slice %arg7[%parallel_loop3A_506, %parallel_loop3A_607, %parallel_loop3A_608] : memref<4x400x64xf32, #tpu.memory_space<vmem>> -> memref<1x400x64xf32, #tpu.memory_space<vmem>>
        %parallel_loop3A_610 = tpu.memref_squeeze %parallel_loop3A_609 : memref<1x400x64xf32, #tpu.memory_space<vmem>> -> memref<400x64xf32, #tpu.memory_space<vmem>>
        %parallel_loop3A_611 = arith.index_cast %parallel_loop3A_606 : i32 to index
        %parallel_loop3A_612 = arith.constant 16 : index
        %parallel_loop3A_613 = tpu.vector_load %parallel_loop3A_610[%parallel_loop3A_611, %parallel_loop3A_612] {strides = array<i32>} : memref<400x64xf32, #tpu.memory_space<vmem>>, vector<1x16xf32>,
        %parallel_loop3A_614 = vector.shape_cast %parallel_loop3A_613 : vector<1x16xf32> to vector<16xf32>
        %parallel_loop3A_615 = arith.constant 8.000000e+00 : f32
        %parallel_loop3A_616 = vector.broadcast %parallel_loop3A_615 : f32 to vector<16xf32>
        %parallel_loop3A_617 = arith.mulf %parallel_loop3A_614, %parallel_loop3A_616 : vector<16xf32>
        %parallel_loop3A_618 = arith.addf %parallel_loop3A_617, %parallel_loop3A_583 : vector<16xf32>
        %parallel_loop3A_619 = arith.constant 0 : i32
        %parallel_loop3A_620 = arith.constant 0 : i32
        %parallel_loop3A_621 = tpu.memref_slice %arg7[%parallel_loop3A_506, %parallel_loop3A_619, %parallel_loop3A_620] : memref<4x400x64xf32, #tpu.memory_space<vmem>> -> memref<1x400x64xf32, #tpu.memory_space<vmem>>
        %parallel_loop3A_622 = tpu.memref_squeeze %parallel_loop3A_621 : memref<1x400x64xf32, #tpu.memory_space<vmem>> -> memref<400x64xf32, #tpu.memory_space<vmem>>
        %parallel_loop3A_623 = arith.index_cast %parallel_loop3A_606 : i32 to index
        %parallel_loop3A_624 = arith.constant 16 : index
        %parallel_loop3A_625 = tpu.vector_load %parallel_loop3A_622[%parallel_loop3A_623, %parallel_loop3A_624] {strides = array<i32>} : memref<400x64xf32, #tpu.memory_space<vmem>>, vector<1x16xf32>,
        %parallel_loop3A_626 = vector.shape_cast %parallel_loop3A_625 : vector<1x16xf32> to vector<16xf32>
        %parallel_loop3A_627 = vector.shape_cast %parallel_loop3A_618 : vector<16xf32> to vector<1x16xf32>
        tpu.vector_store %parallel_loop3A_622[%parallel_loop3A_623, %parallel_loop3A_624], %parallel_loop3A_627 {strides = array<i32>} : memref<400x64xf32, #tpu.memory_space<vmem>>, vector<1x16xf32>,
        %parallel_loop3A_628 = arith.constant 64 : i32
        %parallel_loop3A_629 = arith.muli %parallel_loop3A_525, %parallel_loop3A_628 : i32
        %parallel_loop3A_630 = arith.constant 32 : i32
        %parallel_loop3A_631 = arith.addi %parallel_loop3A_629, %parallel_loop3A_630 : i32
        %parallel_loop3A_632 = arith.index_cast %parallel_loop3A_631 : i32 to index
        %parallel_loop3A_633 = tpu.vector_load %arg8[%parallel_loop3A_632] {strides = array<i32>} : memref<12800xf32, #tpu.memory_space<vmem>>, vector<16xf32>,
        %parallel_loop3A_634 = vector.shape_cast %parallel_loop3A_633 : vector<16xf32> to vector<16xf32>
        %parallel_loop3A_635 = arith.constant 0 : i32
        %parallel_loop3A_636 = arith.constant 0 : i32
        %parallel_loop3A_637 = tpu.memref_slice %arg7[%parallel_loop3A_506, %parallel_loop3A_635, %parallel_loop3A_636] : memref<4x400x64xf32, #tpu.memory_space<vmem>> -> memref<1x400x64xf32, #tpu.memory_space<vmem>>
        %parallel_loop3A_638 = tpu.memref_squeeze %parallel_loop3A_637 : memref<1x400x64xf32, #tpu.memory_space<vmem>> -> memref<400x64xf32, #tpu.memory_space<vmem>>
        %parallel_loop3A_639 = arith.index_cast %parallel_loop3A_525 : i32 to index
        %parallel_loop3A_640 = arith.constant 32 : index
        %parallel_loop3A_641 = tpu.vector_load %parallel_loop3A_638[%parallel_loop3A_639, %parallel_loop3A_640] {strides = array<i32>} : memref<400x64xf32, #tpu.memory_space<vmem>>, vector<1x16xf32>,
        %parallel_loop3A_642 = vector.shape_cast %parallel_loop3A_641 : vector<1x16xf32> to vector<16xf32>
        %parallel_loop3A_643 = arith.constant 8.000000e+00 : f32
        %parallel_loop3A_644 = vector.broadcast %parallel_loop3A_643 : f32 to vector<16xf32>
        %parallel_loop3A_645 = arith.mulf %parallel_loop3A_642, %parallel_loop3A_644 : vector<16xf32>
        %parallel_loop3A_646 = arith.addf %parallel_loop3A_645, %parallel_loop3A_634 : vector<16xf32>
        %parallel_loop3A_647 = arith.constant 0 : i32
        %parallel_loop3A_648 = arith.constant 0 : i32
        %parallel_loop3A_649 = tpu.memref_slice %arg7[%parallel_loop3A_506, %parallel_loop3A_647, %parallel_loop3A_648] : memref<4x400x64xf32, #tpu.memory_space<vmem>> -> memref<1x400x64xf32, #tpu.memory_space<vmem>>
        %parallel_loop3A_650 = tpu.memref_squeeze %parallel_loop3A_649 : memref<1x400x64xf32, #tpu.memory_space<vmem>> -> memref<400x64xf32, #tpu.memory_space<vmem>>
        %parallel_loop3A_651 = arith.index_cast %parallel_loop3A_525 : i32 to index
        %parallel_loop3A_652 = arith.constant 32 : index
        %parallel_loop3A_653 = tpu.vector_load %parallel_loop3A_650[%parallel_loop3A_651, %parallel_loop3A_652] {strides = array<i32>} : memref<400x64xf32, #tpu.memory_space<vmem>>, vector<1x16xf32>,
        %parallel_loop3A_654 = vector.shape_cast %parallel_loop3A_653 : vector<1x16xf32> to vector<16xf32>
        %parallel_loop3A_655 = vector.shape_cast %parallel_loop3A_646 : vector<16xf32> to vector<1x16xf32>
        tpu.vector_store %parallel_loop3A_650[%parallel_loop3A_651, %parallel_loop3A_652], %parallel_loop3A_655 {strides = array<i32>} : memref<400x64xf32, #tpu.memory_space<vmem>>, vector<1x16xf32>,
        %parallel_loop3A_656 = arith.constant 200 : i32
        %parallel_loop3A_657 = arith.addi %parallel_loop3A_525, %parallel_loop3A_656 : i32
        %parallel_loop3A_658 = arith.constant 0 : i32
        %parallel_loop3A_659 = arith.constant 0 : i32
        %parallel_loop3A_660 = tpu.memref_slice %arg7[%parallel_loop3A_506, %parallel_loop3A_658, %parallel_loop3A_659] : memref<4x400x64xf32, #tpu.memory_space<vmem>> -> memref<1x400x64xf32, #tpu.memory_space<vmem>>
        %parallel_loop3A_661 = tpu.memref_squeeze %parallel_loop3A_660 : memref<1x400x64xf32, #tpu.memory_space<vmem>> -> memref<400x64xf32, #tpu.memory_space<vmem>>
        %parallel_loop3A_662 = arith.index_cast %parallel_loop3A_657 : i32 to index
        %parallel_loop3A_663 = arith.constant 32 : index
        %parallel_loop3A_664 = tpu.vector_load %parallel_loop3A_661[%parallel_loop3A_662, %parallel_loop3A_663] {strides = array<i32>} : memref<400x64xf32, #tpu.memory_space<vmem>>, vector<1x16xf32>,
        %parallel_loop3A_665 = vector.shape_cast %parallel_loop3A_664 : vector<1x16xf32> to vector<16xf32>
        %parallel_loop3A_666 = arith.constant 8.000000e+00 : f32
        %parallel_loop3A_667 = vector.broadcast %parallel_loop3A_666 : f32 to vector<16xf32>
        %parallel_loop3A_668 = arith.mulf %parallel_loop3A_665, %parallel_loop3A_667 : vector<16xf32>
        %parallel_loop3A_669 = arith.addf %parallel_loop3A_668, %parallel_loop3A_634 : vector<16xf32>
        %parallel_loop3A_670 = arith.constant 0 : i32
        %parallel_loop3A_671 = arith.constant 0 : i32
        %parallel_loop3A_672 = tpu.memref_slice %arg7[%parallel_loop3A_506, %parallel_loop3A_670, %parallel_loop3A_671] : memref<4x400x64xf32, #tpu.memory_space<vmem>> -> memref<1x400x64xf32, #tpu.memory_space<vmem>>
        %parallel_loop3A_673 = tpu.memref_squeeze %parallel_loop3A_672 : memref<1x400x64xf32, #tpu.memory_space<vmem>> -> memref<400x64xf32, #tpu.memory_space<vmem>>
        %parallel_loop3A_674 = arith.index_cast %parallel_loop3A_657 : i32 to index
        %parallel_loop3A_675 = arith.constant 32 : index
        %parallel_loop3A_676 = tpu.vector_load %parallel_loop3A_673[%parallel_loop3A_674, %parallel_loop3A_675] {strides = array<i32>} : memref<400x64xf32, #tpu.memory_space<vmem>>, vector<1x16xf32>,
        %parallel_loop3A_677 = vector.shape_cast %parallel_loop3A_676 : vector<1x16xf32> to vector<16xf32>
        %parallel_loop3A_678 = vector.shape_cast %parallel_loop3A_669 : vector<16xf32> to vector<1x16xf32>
        tpu.vector_store %parallel_loop3A_673[%parallel_loop3A_674, %parallel_loop3A_675], %parallel_loop3A_678 {strides = array<i32>} : memref<400x64xf32, #tpu.memory_space<vmem>>, vector<1x16xf32>,
        %parallel_loop3A_679 = arith.constant 64 : i32
        %parallel_loop3A_680 = arith.muli %parallel_loop3A_525, %parallel_loop3A_679 : i32
        %parallel_loop3A_681 = arith.constant 48 : i32
        %parallel_loop3A_682 = arith.addi %parallel_loop3A_680, %parallel_loop3A_681 : i32
        %parallel_loop3A_683 = arith.index_cast %parallel_loop3A_682 : i32 to index
        %parallel_loop3A_684 = tpu.vector_load %arg8[%parallel_loop3A_683] {strides = array<i32>} : memref<12800xf32, #tpu.memory_space<vmem>>, vector<16xf32>,
        %parallel_loop3A_685 = vector.shape_cast %parallel_loop3A_684 : vector<16xf32> to vector<16xf32>
        %parallel_loop3A_686 = arith.constant 0 : i32
        %parallel_loop3A_687 = arith.constant 0 : i32
        %parallel_loop3A_688 = tpu.memref_slice %arg7[%parallel_loop3A_506, %parallel_loop3A_686, %parallel_loop3A_687] : memref<4x400x64xf32, #tpu.memory_space<vmem>> -> memref<1x400x64xf32, #tpu.memory_space<vmem>>
        %parallel_loop3A_689 = tpu.memref_squeeze %parallel_loop3A_688 : memref<1x400x64xf32, #tpu.memory_space<vmem>> -> memref<400x64xf32, #tpu.memory_space<vmem>>
        %parallel_loop3A_690 = arith.index_cast %parallel_loop3A_525 : i32 to index
        %parallel_loop3A_691 = arith.constant 48 : index
        %parallel_loop3A_692 = tpu.vector_load %parallel_loop3A_689[%parallel_loop3A_690, %parallel_loop3A_691] {strides = array<i32>} : memref<400x64xf32, #tpu.memory_space<vmem>>, vector<1x16xf32>,
        %parallel_loop3A_693 = vector.shape_cast %parallel_loop3A_692 : vector<1x16xf32> to vector<16xf32>
        %parallel_loop3A_694 = arith.constant 8.000000e+00 : f32
        %parallel_loop3A_695 = vector.broadcast %parallel_loop3A_694 : f32 to vector<16xf32>
        %parallel_loop3A_696 = arith.mulf %parallel_loop3A_693, %parallel_loop3A_695 : vector<16xf32>
        %parallel_loop3A_697 = arith.addf %parallel_loop3A_696, %parallel_loop3A_685 : vector<16xf32>
        %parallel_loop3A_698 = arith.constant 0 : i32
        %parallel_loop3A_699 = arith.constant 0 : i32
        %parallel_loop3A_700 = tpu.memref_slice %arg7[%parallel_loop3A_506, %parallel_loop3A_698, %parallel_loop3A_699] : memref<4x400x64xf32, #tpu.memory_space<vmem>> -> memref<1x400x64xf32, #tpu.memory_space<vmem>>
        %parallel_loop3A_701 = tpu.memref_squeeze %parallel_loop3A_700 : memref<1x400x64xf32, #tpu.memory_space<vmem>> -> memref<400x64xf32, #tpu.memory_space<vmem>>
        %parallel_loop3A_702 = arith.index_cast %parallel_loop3A_525 : i32 to index
        %parallel_loop3A_703 = arith.constant 48 : index
        %parallel_loop3A_704 = tpu.vector_load %parallel_loop3A_701[%parallel_loop3A_702, %parallel_loop3A_703] {strides = array<i32>} : memref<400x64xf32, #tpu.memory_space<vmem>>, vector<1x16xf32>,
        %parallel_loop3A_705 = vector.shape_cast %parallel_loop3A_704 : vector<1x16xf32> to vector<16xf32>
        %parallel_loop3A_706 = vector.shape_cast %parallel_loop3A_697 : vector<16xf32> to vector<1x16xf32>
        tpu.vector_store %parallel_loop3A_701[%parallel_loop3A_702, %parallel_loop3A_703], %parallel_loop3A_706 {strides = array<i32>} : memref<400x64xf32, #tpu.memory_space<vmem>>, vector<1x16xf32>,
        %parallel_loop3A_707 = arith.constant 200 : i32
        %parallel_loop3A_708 = arith.addi %parallel_loop3A_525, %parallel_loop3A_707 : i32
        %parallel_loop3A_709 = arith.constant 0 : i32
        %parallel_loop3A_710 = arith.constant 0 : i32
        %parallel_loop3A_711 = tpu.memref_slice %arg7[%parallel_loop3A_506, %parallel_loop3A_709, %parallel_loop3A_710] : memref<4x400x64xf32, #tpu.memory_space<vmem>> -> memref<1x400x64xf32, #tpu.memory_space<vmem>>
        %parallel_loop3A_712 = tpu.memref_squeeze %parallel_loop3A_711 : memref<1x400x64xf32, #tpu.memory_space<vmem>> -> memref<400x64xf32, #tpu.memory_space<vmem>>
        %parallel_loop3A_713 = arith.index_cast %parallel_loop3A_708 : i32 to index
        %parallel_loop3A_714 = arith.constant 48 : index
        %parallel_loop3A_715 = tpu.vector_load %parallel_loop3A_712[%parallel_loop3A_713, %parallel_loop3A_714] {strides = array<i32>} : memref<400x64xf32, #tpu.memory_space<vmem>>, vector<1x16xf32>,
        %parallel_loop3A_716 = vector.shape_cast %parallel_loop3A_715 : vector<1x16xf32> to vector<16xf32>
        %parallel_loop3A_717 = arith.constant 8.000000e+00 : f32
        %parallel_loop3A_718 = vector.broadcast %parallel_loop3A_717 : f32 to vector<16xf32>
        %parallel_loop3A_719 = arith.mulf %parallel_loop3A_716, %parallel_loop3A_718 : vector<16xf32>
        %parallel_loop3A_720 = arith.addf %parallel_loop3A_719, %parallel_loop3A_685 : vector<16xf32>
        %parallel_loop3A_721 = arith.constant 0 : i32
        %parallel_loop3A_722 = arith.constant 0 : i32
        %parallel_loop3A_723 = tpu.memref_slice %arg7[%parallel_loop3A_506, %parallel_loop3A_721, %parallel_loop3A_722] : memref<4x400x64xf32, #tpu.memory_space<vmem>> -> memref<1x400x64xf32, #tpu.memory_space<vmem>>
        %parallel_loop3A_724 = tpu.memref_squeeze %parallel_loop3A_723 : memref<1x400x64xf32, #tpu.memory_space<vmem>> -> memref<400x64xf32, #tpu.memory_space<vmem>>
        %parallel_loop3A_725 = arith.index_cast %parallel_loop3A_708 : i32 to index
        %parallel_loop3A_726 = arith.constant 48 : index
        %parallel_loop3A_727 = tpu.vector_load %parallel_loop3A_724[%parallel_loop3A_725, %parallel_loop3A_726] {strides = array<i32>} : memref<400x64xf32, #tpu.memory_space<vmem>>, vector<1x16xf32>,
        %parallel_loop3A_728 = vector.shape_cast %parallel_loop3A_727 : vector<1x16xf32> to vector<16xf32>
        %parallel_loop3A_729 = vector.shape_cast %parallel_loop3A_720 : vector<16xf32> to vector<1x16xf32>
        tpu.vector_store %parallel_loop3A_724[%parallel_loop3A_725, %parallel_loop3A_726], %parallel_loop3A_729 {strides = array<i32>} : memref<400x64xf32, #tpu.memory_space<vmem>>, vector<1x16xf32>,
      } {sc.loop_unroll_factor = 4 : i64, sc.parallel_access}
      %mul3A_507 = arith.constant 6400 : i32
      %mul3A_508 = arith.muli %add3A, %mul3A_507 : i32
      %mul3A_509 = arith.constant 400 : i32
      %mul3A_510 = arith.muli %add3A_431, %mul3A_509 : i32
      %add3A_511 = arith.addi %mul3A_508, %mul3A_510 : i32
      %dma_start3A_512 = arith.constant 3 : i32
      %dma_start3A_513 = arith.constant 0 : i32
      %dma_start3A_514 = arith.constant 0 : i32
      %dma_start3A_515 = tpu.memref_slice %arg7[%dma_start3A_512, %dma_start3A_513, %dma_start3A_514] : memref<4x400x64xf32, #tpu.memory_space<vmem>> -> memref<1x400x64xf32, #tpu.memory_space<vmem>>
      %dma_start3A_516 = tpu.memref_squeeze %dma_start3A_515 : memref<1x400x64xf32, #tpu.memory_space<vmem>> -> memref<400x64xf32, #tpu.memory_space<vmem>>
      %dma_start3A_517 = arith.constant 0 : i32
      %dma_start3A_518 = tpu.memref_slice %arg5[%add3A_511, %dma_start3A_517] : memref<204800x64xf32, #tpu.memory_space<hbm>> -> memref<400x64xf32, #tpu.memory_space<hbm>>
      %dma_start3A_519 = arith.constant 0 : i32
      %dma_start3A_520 = tpu.memref_slice %arg5[%add3A_511, %dma_start3A_519] : memref<204800x64xf32, #tpu.memory_space<hbm>> -> memref<400x64xf32, #tpu.memory_space<hbm>>
      %dma_start3A_521 = arith.constant 0 : i32
      %dma_start3A_522 = arith.constant 0 : i32
      %dma_start3A_523 = tpu.memref_slice %arg7[%dma_start3A_512, %dma_start3A_521, %dma_start3A_522] : memref<4x400x64xf32, #tpu.memory_space<vmem>> -> memref<1x400x64xf32, #tpu.memory_space<vmem>>
      %dma_start3A_524 = tpu.memref_squeeze %dma_start3A_523 : memref<1x400x64xf32, #tpu.memory_space<vmem>> -> memref<400x64xf32, #tpu.memory_space<vmem>>
      tpu.enqueue_dma source(%dma_start3A_524 : memref<400x64xf32, #tpu.memory_space<vmem>>) target(%dma_start3A_520 : memref<400x64xf32, #tpu.memory_space<hbm>>) target_semaphore(%arg16 : memref<!tpu.dma_semaphore, #tpu.memory_space<semaphore_mem>>)
    }
    %scan3A_110 = arith.constant 4 : i32
    %dma_wait3A = arith.constant 2 : i32
    %dma_wait3A_111 = arith.constant 0 : i32
    %dma_wait3A_112 = arith.constant 0 : i32
    %dma_wait3A_113 = tpu.memref_slice %arg7[%dma_wait3A, %dma_wait3A_111, %dma_wait3A_112] : memref<4x400x64xf32, #tpu.memory_space<vmem>> -> memref<1x400x64xf32, #tpu.memory_space<vmem>>
    %dma_wait3A_114 = tpu.memref_squeeze %dma_wait3A_113 : memref<1x400x64xf32, #tpu.memory_space<vmem>> -> memref<400x64xf32, #tpu.memory_space<vmem>>
    %dma_wait3A_115 = arith.constant 0 : i32
    %dma_wait3A_116 = arith.constant 0 : i32
    %dma_wait3A_117 = tpu.memref_slice %arg5[%dma_wait3A_115, %dma_wait3A_116] : memref<204800x64xf32, #tpu.memory_space<hbm>> -> memref<400x64xf32, #tpu.memory_space<hbm>>
    %dma_wait3A_118 = arith.constant 0 : i32
    %dma_wait3A_119 = arith.constant 0 : i32
    %dma_wait3A_120 = tpu.memref_slice %arg5[%dma_wait3A_118, %dma_wait3A_119] : memref<204800x64xf32, #tpu.memory_space<hbm>> -> memref<400x64xf32, #tpu.memory_space<hbm>>
    %dma_wait3A_121 = arith.constant 0 : i32
    %dma_wait3A_122 = arith.constant 0 : i32
    %dma_wait3A_123 = tpu.memref_slice %arg7[%dma_wait3A, %dma_wait3A_121, %dma_wait3A_122] : memref<4x400x64xf32, #tpu.memory_space<vmem>> -> memref<1x400x64xf32, #tpu.memory_space<vmem>>
    %dma_wait3A_124 = tpu.memref_squeeze %dma_wait3A_123 : memref<1x400x64xf32, #tpu.memory_space<vmem>> -> memref<400x64xf32, #tpu.memory_space<vmem>>
    tpu.wait_dma2 semaphore(%arg15 : memref<!tpu.dma_semaphore, #tpu.memory_space<semaphore_mem>>) src(%dma_wait3A_124 : memref<400x64xf32, #tpu.memory_space<vmem>>) dst(%dma_wait3A_120 : memref<400x64xf32, #tpu.memory_space<hbm>>)
    %dma_wait3A_125 = arith.constant 3 : i32
    %dma_wait3A_126 = arith.constant 0 : i32
    %dma_wait3A_127 = arith.constant 0 : i32
    %dma_wait3A_128 = tpu.memref_slice %arg7[%dma_wait3A_125, %dma_wait3A_126, %dma_wait3A_127] : memref<4x400x64xf32, #tpu.memory_space<vmem>> -> memref<1x400x64xf32, #tpu.memory_space<vmem>>
    %dma_wait3A_129 = tpu.memref_squeeze %dma_wait3A_128 : memref<1x400x64xf32, #tpu.memory_space<vmem>> -> memref<400x64xf32, #tpu.memory_space<vmem>>
    %dma_wait3A_130 = arith.constant 0 : i32
    %dma_wait3A_131 = arith.constant 0 : i32
    %dma_wait3A_132 = tpu.memref_slice %arg5[%dma_wait3A_130, %dma_wait3A_131] : memref<204800x64xf32, #tpu.memory_space<hbm>> -> memref<400x64xf32, #tpu.memory_space<hbm>>
    %dma_wait3A_133 = arith.constant 0 : i32
    %dma_wait3A_134 = arith.constant 0 : i32
    %dma_wait3A_135 = tpu.memref_slice %arg5[%dma_wait3A_133, %dma_wait3A_134] : memref<204800x64xf32, #tpu.memory_space<hbm>> -> memref<400x64xf32, #tpu.memory_space<hbm>>
    %dma_wait3A_136 = arith.constant 0 : i32
    %dma_wait3A_137 = arith.constant 0 : i32
    %dma_wait3A_138 = tpu.memref_slice %arg7[%dma_wait3A_125, %dma_wait3A_136, %dma_wait3A_137] : memref<4x400x64xf32, #tpu.memory_space<vmem>> -> memref<1x400x64xf32, #tpu.memory_space<vmem>>
    %dma_wait3A_139 = tpu.memref_squeeze %dma_wait3A_138 : memref<1x400x64xf32, #tpu.memory_space<vmem>> -> memref<400x64xf32, #tpu.memory_space<vmem>>
    tpu.wait_dma2 semaphore(%arg16 : memref<!tpu.dma_semaphore, #tpu.memory_space<semaphore_mem>>) src(%dma_wait3A_139 : memref<400x64xf32, #tpu.memory_space<vmem>>) dst(%dma_wait3A_135 : memref<400x64xf32, #tpu.memory_space<hbm>>)
    return
  }
}

</mosaic_0001>

<sc_bundles>
// kernel: _lookup.3.cloned.1.call-start
scs
__scs_entry_jumppad:
0x0: {  	(pc) =	sbr.rel $0x88, $3  }
0x1: {  	(tag) =	ssettag $0x0;
	lr =	simm.s32 $0x1  }
0x2: {  	[smem:$0x3F9E] =	sst lr;
	_ =	strace $0xD0000000  }
0x3: {  	_ = 	snop  }
0x4: {  	_ = 	snop  }
0x5: {  	_ = 	snop  }
0x6: {  	_ = 	snop  }
0x7: {  	_ = 	snop  }
__scs_overlays_trampoline_lowered:
0x8: {  	[smem:$0x3FAD] =	sst s0  }
0x9: {  	[smem:$0x3FAE] =	sst s1  }
0xa: {  	[smem:$0x3FAF] =	sst s2  }
0xb: {  	[smem:$0x3FB0] =	sst s3  }
0xc: {  	[smem:$0x3FB1] =	sst s4  }
0xd: {  	[smem:$0x3FB2] =	sst s5  }
0xe: {  	[smem:$0x3FB3] =	sst s6  }
0xf: {  	[smem:$0x3FB4] =	sst s7  }
0x10: {  	[smem:$0x3FB5] =	sst s8  }
0x11: {  	[smem:$0x3FB6] =	sst s9;
	s0 =	simm.s32 @!p0 $0x0  }
0x12: {  	s1 =	sld [smem:$0x3F9C];
	s0 =	simm.s32 @p0 $0x1  }
0x13: {  	[smem:$0x3FB7] =	sst s0;
	s0 =	simm.s32 @!p1 $0x0  }
0x14: {  	s2 =	sld [smem:$0x3F9B];
	s0 =	simm.s32 @p1 $0x1  }
0x15: {  	[smem:$0x3FB8] =	sst s0;
	s0 =	simm.s32 @!p2 $0x0  }
0x16: {  	s3 =	sld [smem:$0x3FDB];
	s0 =	simm.s32 @p2 $0x1  }
0x17: {  	s4 =	simm.s32 $0x1BF5;
	[smem:$0x3FBA] =	sst s0  }
0x18: {  	s0 =	sld [smem:$0x3F9D];
	_ =	swait.ge [sflag:s4], $0x0  }
0x19: {  	s7 =	sld [smem:$0x3F9E]  }
0x1a: {  	s8 =	sadd.s32 $0xFFFFE003, lr  }
0x1b: {  	s9 =	sadd.s32 $0xFFFFFEF7, lr;
	s5 =	simm.s32 $0xFFFFFFFF;
	p2 =	slt.u32 s8, $0xFFFFF086  }
0x1c: {  	p1 =	slt.u32 s9, $0xF7A;
	s5 =	simm.s32 @!p2 $0x0  }
0x1d: {  	s5 =	simm.s32 @p1 $0x1;
	p0 =	seq.s32 s7, s2  }
0x1e: {  	s7 =	smul.u32 @!p0 $0xF7A, s2;
	p2 =	seq.s32 @!p0 s5, $0x0  }
0x1f: {  	s9 =	smul.u32 $0xF7A, s1;
	s8 =	simm.s32 @!p0 $0x1BF5;
	p2 =	por !p2, p0  }
0x20: {  	[sflag:s8] =	ssyncset.s32 @!p0 $0xFFFFF086;
	s6 =	sadd.s32 @!p0 s3, s7;
	s7 =	simm.s32 @!p0 $0x108  }
0x21: {  	s3 =	sadd.s32 s3, s9;
	s6 =	sadd.s32 @!p0 $0x88, s6;
	s7 =	simm.s32 @p2 $0x1082  }
0x22: {  	[simem:s7], [sflag:s8] =	dma.local @!p0 [hbm:s6], $0xF7A  }
0x23: {  	s9 =	sor.u32 $0xD0000000, s2;
	s6 =	simm.s32 $0x108;
	_ =	swait.ge @!p0 [sflag:s8], $0x0  }
0x24: {  	s3 =	sadd.s32 $0x88, s3;
	s6 =	simm.s32 @!p1 $0x1082;
	[sflag:s4] =	ssyncset.s32 $0xFFFFF086  }
0x25: {  	[simem:s6], [sflag:s4] =	dma.local [hbm:s3], $0xF7A  }
0x26: {  	[smem:$0x3F9E] =	sst s1;
	(tag) =	ssettag s2;
	_ =	strace s9  }
0x27: {  	s1 =	sld [smem:$0x3FAE]  }
0x28: {  	s2 =	sld [smem:$0x3FAF]  }
0x29: {  	s4 =	sld [smem:$0x3FB1]  }
0x2a: {  	p0 =	seq.s32 s5, $0x0;
	s5 =	sld [smem:$0x3FB2]  }
0x2b: {  	s6 =	sld [smem:$0x3FB3]  }
0x2c: {  	s7 =	sld [smem:$0x3FB4]  }
0x2d: {  	s3 =	simm.s32 $0x108;
	s8 =	sld [smem:$0x3FB5]  }
0x2e: {  	s3 =	simm.s32 @!p0 $0x1082;
	s9 =	sld [smem:$0x3FB6]  }
0x2f: {  	lr =	sadd.s32 s0, s3;
	s0 =	sld [smem:$0x3FAD]  }
0x30: {  	s3 =	sld [smem:$0x3FB0]  }
0x31: {  	[smem:$0x3FB9] =	sst s10  }
0x32: {  	s10 =	sld [smem:$0x3FB7];
	_ =	sdelay $0x3  }
0x33: {  	p0 =	seq.s32 s10, $0x1;
	s10 =	sld [smem:$0x3FB9];
	_ =	sdelay $0x3  }
0x34: {  	[smem:$0x3FB9] =	sst s10  }
0x35: {  	s10 =	sld [smem:$0x3FB8];
	_ =	sdelay $0x3  }
0x36: {  	p1 =	seq.s32 s10, $0x1;
	s10 =	sld [smem:$0x3FB9];
	_ =	sdelay $0x3  }
0x37: {  	[smem:$0x3FB9] =	sst s10  }
0x38: {  	s10 =	sld [smem:$0x3FBA]  }
0x39: {  	_ = 	snop;
	(pc) =	sbr.ind lr, $3  }
0x3a: {  	_ = 	snop  }
0x3b: {  	_ = 	snop  }
0x3c: {  	p2 =	seq.s32 s10, $0x1;
	s10 =	sld [smem:$0x3FB9]  }
0x3d: {  	_ =	shalt  }
0x3e: {  	_ =	shalt  }
0x3f: {  	_ =	shalt  }
0x40: {  	_ =	shalt  }
0x41: {  	_ =	shalt  }
0x42: {  	_ =	shalt  }
0x43: {  	_ =	shalt  }
0x44: {  	_ =	shalt  }
0x45: {  	_ =	shalt  }
0x46: {  	_ =	shalt  }
0x47: {  	_ =	shalt  }
0x48: {  	_ =	shalt  }
0x49: {  	_ =	shalt  }
0x4a: {  	_ =	shalt  }
0x4b: {  	_ =	shalt  }
0x4c: {  	_ =	shalt  }
0x4d: {  	_ =	shalt  }
0x4e: {  	_ =	shalt  }
0x4f: {  	_ =	shalt  }
0x50: {  	_ =	shalt  }
0x51: {  	_ =	shalt  }
0x52: {  	_ =	shalt  }
0x53: {  	_ =	shalt  }
0x54: {  	_ =	shalt  }
0x55: {  	_ =	shalt  }
0x56: {  	_ =	shalt  }
0x57: {  	_ =	shalt  }
0x58: {  	_ =	shalt  }
0x59: {  	_ =	shalt  }
0x5a: {  	_ =	shalt  }
0x5b: {  	_ =	shalt  }
0x5c: {  	_ =	shalt  }
0x5d: {  	_ =	shalt  }
0x5e: {  	_ =	shalt  }
0x5f: {  	_ =	shalt  }
0x60: {  	_ =	shalt  }
0x61: {  	_ =	shalt  }
0x62: {  	_ =	shalt  }
0x63: {  	_ =	shalt  }
0x64: {  	_ =	shalt  }
0x65: {  	_ =	shalt  }
0x66: {  	_ =	shalt  }
0x67: {  	_ =	shalt  }
0x68: {  	_ =	shalt  }
0x69: {  	_ =	shalt  }
0x6a: {  	_ =	shalt  }
0x6b: {  	_ =	shalt  }
0x6c: {  	_ =	shalt  }
0x6d: {  	_ =	shalt  }
0x6e: {  	_ =	shalt  }
0x6f: {  	_ =	shalt  }
0x70: {  	_ =	shalt  }
0x71: {  	_ =	shalt  }
0x72: {  	_ =	shalt  }
0x73: {  	_ =	shalt  }
0x74: {  	_ =	shalt  }
0x75: {  	_ =	shalt  }
0x76: {  	_ =	shalt  }
0x77: {  	_ =	shalt  }
0x78: {  	_ =	shalt  }
0x79: {  	_ =	shalt  }
0x7a: {  	_ =	shalt  }
0x7b: {  	_ =	shalt  }
0x7c: {  	_ =	shalt  }
0x7d: {  	_ =	shalt  }
0x7e: {  	_ =	shalt  }
0x7f: {  	_ =	shalt  }
0x80: {  	_ =	shalt  }
0x81: {  	_ =	shalt  }
0x82: {  	_ =	shalt  }
0x83: {  	_ =	shalt  }
0x84: {  	_ =	shalt  }
0x85: {  	_ =	shalt  }
0x86: {  	_ =	shalt  }
0x87: {  	_ =	shalt  }
.Lfunc_end0:
.L_simem_size_0:
called_computation.1_lowered:
.L_overlay_start_0:
0x88: {  	s2 =	sld [smem:$0x3FD9]  }
0x89: {  	s3 =	sld [smem:$0x3FFE];
	_ =	sdelay $0x1  }
0x8a: {  	s1 =	srdreg.scid  }
0x8b: {  	s0 =	sand.u32 $0x1, s1  }
0x8c: {  	s18 =	sshll.u32 s0, $0xA;
	s2 =	sadd.s32 s3, s2  }
0x8d: {  	s2 =	sadd.s32 s2, s18  }
0x8e: {  	[smem:$0x3FC5] =	sst s2  }
0x8f: {  	_ = 	snop  }
0x90: {  	s2 =	sld [smem:$0x3FC9]  }
0x91: {  	s19 =	sld [smem:$0x3FC8]  }
0x92: {  	s4 =	sld [smem:$0x3FC7]  }
0x93: {  	s5 =	sld [smem:$0x3FD0];
	(tm) =	ssettm $0x1  }
0x94: {  	s6 =	sld [smem:$0x3FFB];
	_ =	sdelay $0x3  }
0x95: {  	_ =	strace s6  }
0x96: {  	s6 =	sld [smem:$0x3FFC];
	_ =	sdelay $0x3  }
0x97: {  	_ =	strace s6  }
0x98: {  	s6 =	sld [smem:$0x3FFD];
	_ =	sdelay $0x3  }
0x99: {  	_ =	strace s6  }
0x9a: {  	_ =	strace $0x8FFFFFFF  }
0x9b: {  	s20 =	sld [smem:$0x3FDB];
	_ =	sdelay $0x1  }
0x9c: {  	s7 =	simm.s32 $_scs_section_size  }
0x9d: {  	s8 =	simm.s32 $_size__tile_overlayer_lowered;
	s9 =	simm.s32 $_tile_overlayer_lowered  }
0x9e: {  	s23 =	simm.s32 $0x1BFF;
	s22 =	sshll.u32 s9, $0x1;
	s6 =	sadd.s32 s7, s20  }
0x9f: {  	s10 =	simm.s32 $0x0;
	s21 =	sshll.u32 s8, $0x1;
	s8 =	sadd.s32 s22, s6  }
0xa0: {  	[timem:s10], [sflag:s23] =	dma.local [hbm:s8], s21  }
0xa1: {  	_ =	swait.ge [sflag:s23], s21  }
0xa2: {  	s7 =	ssub.s32 $0x0, s21;
	[sflag:s23] =	ssyncset.done $0x0  }
0xa3: {  	[sflag:s23] =	ssyncadd.s32 s7;
	_ =	sdelay $0x1  }
0xa4: {  	s24 =	simm.s32 $0x1B8B  }
0xa5: {  	_ =	swait.ge [sflag:s24], $0x1  }
0xa6: {  	[sflag:s24] =	ssyncset.done $0x0  }
0xa7: {  	s25 =	simm.s32 $0x1B8E;
	[sflag:s24] =	ssyncadd.s32 $0xFFFFFFFF  }
0xa8: {  	s26 =	simm.s32 $execute0_lowered;
	[smem:$0x3FD2] =	sst s25  }
0xa9: {  	s7 =	sshll.u32 s26, $0x1;
	_ =	strace $0x80000046;
	[dreg:$0x1] =	wrdreg $0xFFFFFFFF  }
0xaa: {  	s28 =	simm.s32 $_size_execute0_lowered;
	s6 =	sadd.s32 s6, s7;
	[dreg:$0x0] =	wrdreg $0x0  }
0xab: {  	s7 =	sshll.u32 s28, $0x1;
	[dreg:$0x2] =	wrdreg s6  }
0xac: {  	[dreg:$0x3] =	wrdreg s7  }
0xad: {  	[dreg:$0x4] =	wrdreg $0xC0  }
0xae: {  	_ =	task [dreg:s10], $0x5FFFF  }
0xaf: {  	[dreg:$0x1] =	wrdreg $0xFFFFFFFF  }
0xb0: {  	[dreg:$0x0] =	wrdreg $0x60  }
0xb1: {  	[dreg:$0x2] =	wrdreg s19  }
0xb2: {  	[dreg:$0x3] =	wrdreg s2  }
0xb3: {  	[dreg:$0x4] =	wrdreg s4  }
0xb4: {  	[dreg:$0x5] =	wrdreg s5  }
0xb5: {  	[dreg:$0x6] =	wrdreg $0x9  }
0xb6: {  	_ =	task.clear_ibuf [dreg:s10], $0x7FFFF;
	_ =	strace $0x90000046  }
0xb7: {  	s29 =	simm.s32 $0x9;
	_ =	strace $0x80000048  }
0xb8: {  	_ =	swait.ge [sflag:s29], $0x1  }
0xb9: {  	[sflag:s29] =	ssyncadd.s32 $0xFFFFFFFF  }
0xba: {  	_ =	strace $0x90000048  }
0xbb: {  	_ =	sfence  }
0xbc: {  	s30 =	sld [smem:$0x0];
	_ =	sdelay $0x2  }
0xbd: {  	s31 =	sshll.u32 s1, $0xD;
	s1 =	sshrl.u32 s1, $0x2  }
0xbe: {  	s3 =	sand.u32 $0x4000, s31;
	s1 =	sadd.s32 s1, s30  }
0xbf: {  	s0 =	sor.u32 s3, s0;
	s1 =	sshll.u32 s1, $0x11  }
0xc0: {  	s0 =	sor.u32 s1, s0  }
0xc1: {  	s0 =	sadd.s32 $0x8F2B, s0  }
0xc2: {  	[sflag:s0] =	ssyncadd.remote.s32 $0x1  }
0xc3: {  	_ =	sfence.sel $0xFFFF  }
0xc4: {  	[dreg:$0x0] =	wrdreg $0xFFFFFFFF;
	(pc) =	sbr.abs _section_cstart, $3  }
0xc5: {  	[dreg:$0x1] =	wrdreg $0xFFFFFFFF  }
0xc6: {  	_ =	task.clear_ibuf [dreg:s10], $0x2FFFF;
	_ =	strace $0x9FFFFFFF  }
0xc7: {  	(tm) =	ssettm $0x7FFFFFFF  }
tec
execute0_lowered:
.L_overlay_start_1:
0x0: {  	(tag) =	ssettag $0x1  }
0x1: {  	s1 =	rddreg [dreg:$0x0]  }
0x2: {  	s0 =	rddreg [dreg:$0x1];
	s2 =	srdreg.scid  }
0x3: {  	s3 =	stileid.u32;
	s4 =	rddreg [dreg:$0x3]  }
0x4: {  	s5 =	simm.s32 $0x0;
	s12 =	simm.s32 $0x68;
	s13 =	simm.s32 $0x1900  }
0x5: {  	s17 =	simm.s32 $0x58;
	s21 =	simm.s32 $0x7D00;
	s29 =	simm.s32 $0xE100  }
0x6: {  	s30 =	simm.s32 $0xFB00;
	s31 =	simm.s32 $0x11500;
	s10 =	simm.s32 $0x15F00  }
0x7: {  	s14 =	simm.s32 $0x17900;
	s15 =	simm.s32 $0x19300;
	s16 =	simm.s32 $0x2  }
0x8: {  	s18 =	simm.s32 $0x3;
	s2 =	sand.u32 $0x1, s2;
	s3 =	sshll.u32 s3, $0x1  }
0x9: {  	s19 =	simm.s32 $0x4;
	s3 =	sor.u32 s2, s3;
	s2 =	ssub.s32 $0x2, s2  }
0xa: {  	[smem:$0x7FF] =	sst s5;
	s6 =	smul.u32 $0x1900, s3;
	s25 =	sshrl.u32 s2, $0x1  }
0xb: {  	s23 =	simm.s32 $0x0;
	_ =	strace $0x80000047;
	s2 =	ssub.s32 s2, s25  }
0xc: {  	s3 =	simm.s32 $0x14500;
	s26 =	sshrl.u32 s6, $0x3;
	s28 =	smax.u32 s2, $0x1  }
0xd: {  	s8 =	sadd.s32 $0x190, s6;
	s0 =	sadd.s32 s0, s26;
	[dreg:$0x6] =	wrdreg s28  }
0xe: {  	s2 =	simm.s32 $0x12F00;
	[dreg:$0x5] =	wrdreg s0;
	s0 =	simm.s32 $0x1  }
.LBB2_1:
0xf: {  	s7 =	rddreg [dreg:$0x2];
	s9 =	simm.s32 $0x1A900;
	s11 =	simm.s32 $0x9  }
0x10: {  	[tilespmem:s9], [sflag:$0x9] =	stream.linear.gather [hbm4b:s7+s5], $0x3200, $0x38;
	[tilespmem:$0x1DB00] =	vst v63  }
0x11: {  	_ =	swait.ge [sflag:s11], $0x3200  }
0x12: {  	[sflag:s11] =	ssyncset.done $0x0  }
0x13: {  	s20 =	rddreg [dreg:$0x5];
	[sflag:s11] =	ssyncadd.s32 $0xFFFFCE00  }
0x14: {  	[tilespmem:s5], [sflag:$0x9] =	stream.linear.gather [hbm4b:s20+s5], $0x1900, $0x38;
	[tilespmem:$0x1DB00] =	vst v63  }
0x15: {  	_ =	swait.ge [sflag:s11], $0x1900  }
0x16: {  	[sflag:s11] =	ssyncset.done $0x0  }
0x17: {  	[sflag:s11] =	ssyncadd.s32 $0xFFFFE700  }
0x18: {  	[tilespmem:s13], [sflag:$0x1] =	stream.indirect.gather [hbm4b:s1+s12], $0x40, s5, s12, $0xb8;
	[tilespmem:$0x1DB00] =	vst v63  }
0x19: {  	s22 =	simm.s32 $0x3300  }
0x1a: {  	[tilespmem:s22], [sflag:$0x1] =	stream.indirect.gather [hbm4b:s1+s12], $0x40, s12, s12, $0xb8;
	[tilespmem:$0x1DB00] =	vst v63  }
0x1b: {  	s24 =	simm.s32 $0xD0;
	s25 =	simm.s32 $0x4D00  }
0x1c: {  	[tilespmem:s25], [sflag:$0x1] =	stream.indirect.gather [hbm4b:s1+s12], $0x40, s24, s12, $0xb8;
	[tilespmem:$0x1DB00] =	vst v63  }
0x1d: {  	s26 =	simm.s32 $0x138;
	s28 =	simm.s32 $0x6700  }
0x1e: {  	[tilespmem:s28], [sflag:$0x1] =	stream.indirect.gather [hbm4b:s1+s17], $0x40, s26, s17, $0xb8;
	[tilespmem:$0x1DB00] =	vst v63  }
0x1f: {  	s11 =	simm.s32 $0x190  }
0x20: {  	[tilespmem:s21], [sflag:$0x2] =	stream.indirect.gather [hbm4b:s1+s12], $0x40, s11, s12, $0xb8;
	[tilespmem:$0x1DB00] =	vst v63  }
0x21: {  	s20 =	simm.s32 $0x1F8;
	s22 =	simm.s32 $0x9700  }
0x22: {  	[tilespmem:s22], [sflag:$0x2] =	stream.indirect.gather [hbm4b:s1+s12], $0x40, s20, s12, $0xb8;
	[tilespmem:$0x1DB00] =	vst v63  }
0x23: {  	s24 =	simm.s32 $0x260;
	s25 =	simm.s32 $0xB100  }
0x24: {  	[tilespmem:s25], [sflag:$0x2] =	stream.indirect.gather [hbm4b:s1+s12], $0x40, s24, s12, $0xb8;
	[tilespmem:$0x1DB00] =	vst v63  }
0x25: {  	s26 =	simm.s32 $0x2C8;
	s28 =	simm.s32 $0xCB00;
	s24 =	simm.s32 $0x0  }
0x26: {  	[tilespmem:s28], [sflag:$0x2] =	stream.indirect.gather [hbm4b:s1+s17], $0x40, s26, s17, $0xb8;
	[tilespmem:$0x1DB00] =	vst v63  }
.LBB2_2:
0x27: {  	p0 =	seq.s32 s24, $0x0  }
0x28: {  	s7 =	simm.s32 @!p0 $0x7  }
0x29: {  	s25 =	smul.u32 $0x640, s24;
	_ =	swait.ge @!p0 [sflag:s7], $0x6400  }
0x2a: {  	[sflag:s7] =	ssyncset.done @!p0 $0x0  }
0x2b: {  	s26 =	sadd.s32 $0x320, s25;
	[sflag:s7] =	ssyncadd.s32 @!p0 $0xFFFF9C00  }
0x2c: {  	[tilespmem:s29], [sflag:$0x3] =	stream.indirect.gather [hbm4b:s1+s12], $0x40, s26, s12, $0xb8;
	[tilespmem:$0x1DB00] =	vst v63  }
0x2d: {  	s11 =	sadd.s32 $0x388, s25  }
0x2e: {  	[tilespmem:s30], [sflag:$0x3] =	stream.indirect.gather [hbm4b:s1+s12], $0x40, s11, s12, $0xb8;
	[tilespmem:$0x1DB00] =	vst v63  }
0x2f: {  	s20 =	sadd.s32 $0x3F0, s25  }
0x30: {  	[tilespmem:s31], [sflag:$0x3] =	stream.indirect.gather [hbm4b:s1+s12], $0x40, s20, s12, $0xb8;
	[tilespmem:$0x1DB00] =	vst v63  }
0x31: {  	s22 =	sadd.s32 $0x458, s25  }
0x32: {  	[tilespmem:s2], [sflag:$0x3] =	stream.indirect.gather [hbm4b:s1+s17], $0x40, s22, s17, $0xb8;
	[tilespmem:$0x1DB00] =	vst v63  }
0x33: {  	_ =	swait.ge [sflag:s0], $0x1A00  }
0x34: {  	[sflag:s0] =	ssyncset.done $0x0  }
0x35: {  	[sflag:s0] =	ssyncadd.s32 $0xFFFFE600  }
0x36: {  	_ =	swait.ge [sflag:s0], $0x1A00  }
0x37: {  	[sflag:s0] =	ssyncset.done $0x0  }
0x38: {  	[sflag:s0] =	ssyncadd.s32 $0xFFFFE600  }
0x39: {  	_ =	swait.ge [sflag:s0], $0x1A00  }
0x3a: {  	[sflag:s0] =	ssyncset.done $0x0  }
0x3b: {  	[sflag:s0] =	ssyncadd.s32 $0xFFFFE600  }
0x3c: {  	_ =	swait.ge [sflag:s0], $0x1600  }
0x3d: {  	[sflag:s0] =	ssyncset.done $0x0  }
0x3e: {  	s28 =	simm.s32 $0x4BF0;
	[sflag:s0] =	ssyncadd.s32 $0xFFFFEA00  }
0x3f: {  	v0 =	vld [tilespmem:s28+$0xFFFFCDD0]  }
0x40: {  	s20 =	simm.s32 $0x1A980;
	v1 =	vld [tilespmem:s28+$0xFFFFFFD0]  }
0x41: {  	v2 =	vld [tilespmem:s20+$0x40]  }
0x42: {  	v3 =	vld [tilespmem:s28+$0xFFFFCD10]  }
0x43: {  	v4 =	vld [tilespmem:s28+$0xFFFFFF10]  }
0x44: {  	v6 =	vld [tilespmem:s28+$0xFFFFFF50]  }
0x45: {  	v7 =	vld [tilespmem:s28+$0xFFFFCD90]  }
0x46: {  	v8 =	vld [tilespmem:s28+$0xFFFFFF90]  }
0x47: {  	v9 =	vld [tilespmem:s20+$0xFFFFFFC0]  }
0x48: {  	v10 =	vld [tilespmem:s20+$0x0]  }
0x49: {  	v11 =	vld [tilespmem:s20+$0xFFFFFF80]  }
0x4a: {  	v12 =	vld [tilespmem:s28+$0xFFFFCD20]  }
0x4b: {  	s7 =	simm.s32 $0x4CF0;
	v14 =	vld [tilespmem:s28+$0xFFFFFF20]  }
0x4c: {  	v15 =	vld [tilespmem:s7+$0xFFFFCDD0]  }
0x4d: {  	v16 =	vld [tilespmem:s7+$0xFFFFFFD0]  }
0x4e: {  	v51 =	vld [tilespmem:s7+$0xFFFFCD10]  }
0x4f: {  	v17 =	vld [tilespmem:s7+$0xFFFFFF10];
	v0 =	vmul.f32 $8.000000000e+00, v0  }
0x50: {  	v19 =	vld [tilespmem:s7+$0xFFFFFF50];
	v1 =	vmul.f32 $8.000000000e+00, v1  }
0x51: {  	v20 =	vld [tilespmem:s7+$0xFFFFCD90];
	v0 =	vadd.f32 v0, v2  }
0x52: {  	v21 =	vld [tilespmem:s7+$0xFFFFFF90];
	v1 =	vadd.f32 v1, v2  }
0x53: {  	[tilespmem:s28+$0xFFFFCDD0] =	vst v0;
	v0 =	vld [tilespmem:s28+$0xFFFFCDE0]  }
0x54: {  	[tilespmem:s28+$0xFFFFFFD0] =	vst v1;
	v1 =	vld [tilespmem:s28+$0xFFFFFFE0]  }
0x55: {  	s9 =	simm.s32 $0x1AA80;
	v5 =	vld [tilespmem:s20+$0x50]  }
0x56: {  	v22 =	vld [tilespmem:s9+$0xFFFFFFC0]  }
0x57: {  	v2 =	vld [tilespmem:s28+$0xFFFFCD50]  }
0x58: {  	v23 =	vld [tilespmem:s9+$0x0];
	v0 =	vmul.f32 $8.000000000e+00, v0  }
0x59: {  	v24 =	vld [tilespmem:s9+$0xFFFFFF80];
	v1 =	vmul.f32 $8.000000000e+00, v1  }
0x5a: {  	v25 =	vld [tilespmem:s7+$0xFFFFCD20];
	v0 =	vadd.f32 v0, v5  }
0x5b: {  	v52 =	vld [tilespmem:s7+$0xFFFFCD60];
	v3 =	vmul.f32 $8.000000000e+00, v3;
	v1 =	vadd.f32 v1, v5  }
0x5c: {  	v53 =	vld [tilespmem:s7+$0xFFFFFFF0];
	[tilespmem:s28+$0xFFFFCDE0] =	vst v0;
	v0 =	vmul.f32 $8.000000000e+00, v2  }
0x5d: {  	v3 =	vadd.f32 v3, v11;
	v2 =	vld [tilespmem:s28+$0xFFFFCDF0];
	[tilespmem:s28+$0xFFFFFFE0] =	vst v1;
	v1 =	vmul.f32 $8.000000000e+00, v4  }
0x5e: {  	v4 =	vld [tilespmem:s28+$0xFFFFFFF0];
	v0 =	vadd.f32 v0, v9  }
0x5f: {  	v6 =	vmul.f32 $8.000000000e+00, v6;
	[tilespmem:s28+$0xFFFFCD10] =	vst v3;
	v3 =	vld [tilespmem:s28+$0xFFFFFF60];
	v1 =	vadd.f32 v1, v11  }
0x60: {  	v7 =	vmul.f32 $8.000000000e+00, v7;
	v13 =	vld [tilespmem:s20+$0x60];
	[tilespmem:s28+$0xFFFFCD50] =	vst v0  }
0x61: {  	v6 =	vadd.f32 v6, v9;
	v5 =	vld [tilespmem:s28+$0xFFFFCD60];
	v0 =	vmul.f32 $8.000000000e+00, v8;
	[tilespmem:s28+$0xFFFFFF10] =	vst v1  }
0x62: {  	v7 =	vadd.f32 v7, v10;
	v8 =	vld [tilespmem:s20+$0xFFFFFF90]  }
0x63: {  	[tilespmem:s28+$0xFFFFFF50] =	vst v6;
	v1 =	vld [tilespmem:s28+$0xFFFFCDA0];
	v2 =	vmul.f32 $8.000000000e+00, v2;
	v4 =	vmul.f32 $8.000000000e+00, v4;
	v0 =	vadd.f32 v0, v10  }
0x64: {  	[tilespmem:s28+$0xFFFFCD90] =	vst v7;
	v7 =	vld [tilespmem:s20+$0xFFFFFFD0]  }
0x65: {  	v10 =	vld [tilespmem:s28+$0xFFFFCD30];
	v2 =	vadd.f32 v2, v13;
	[tilespmem:s28+$0xFFFFFF90] =	vst v0;
	v0 =	vadd.f32 v4, v13;
	v4 =	vmul.f32 $8.000000000e+00, v12  }
0x66: {  	v11 =	vmul.f32 $8.000000000e+00, v14;
	v9 =	vld [tilespmem:s20+$0x10]  }
0x67: {  	v3 =	vmul.f32 $8.000000000e+00, v3;
	[tilespmem:s28+$0xFFFFCDF0] =	vst v2;
	v2 =	vld [tilespmem:s28+$0x0];
	v4 =	vadd.f32 v4, v8  }
0x68: {  	v5 =	vmul.f32 $8.000000000e+00, v5;
	v12 =	vld [tilespmem:s28+$0xFFFFFF30];
	[tilespmem:s28+$0xFFFFFFF0] =	vst v0;
	v8 =	vadd.f32 v11, v8  }
0x69: {  	v1 =	vmul.f32 $8.000000000e+00, v1;
	v3 =	vadd.f32 v3, v7;
	v0 =	vld [tilespmem:s20+$0x70];
	[tilespmem:s28+$0xFFFFCD20] =	vst v4  }
0x6a: {  	v5 =	vadd.f32 v5, v7;
	v4 =	vld [tilespmem:s28+$0xFFFFFF70];
	[tilespmem:s28+$0xFFFFFF20] =	vst v8  }
0x6b: {  	[tilespmem:s28+$0xFFFFFF60] =	vst v3;
	v3 =	vld [tilespmem:s20+$0xFFFFFFA0];
	v1 =	vadd.f32 v1, v9  }
0x6c: {  	v54 =	vld [tilespmem:s7+$0xFFFFFF60];
	[tilespmem:s28+$0xFFFFCD60] =	vst v5;
	v2 =	vmul.f32 $8.000000000e+00, v2  }
0x6d: {  	[tilespmem:s28+$0xFFFFCDA0] =	vst v1;
	v1 =	vld [tilespmem:s20+$0xFFFFFFE0]  }
0x6e: {  	v55 =	vld [tilespmem:s7+$0xFFFFCDA0];
	v12 =	vmul.f32 $8.000000000e+00, v12;
	v2 =	vadd.f32 v2, v0  }
0x6f: {  	v56 =	vld [tilespmem:s7+$0xFFFFFFA0];
	v10 =	vmul.f32 $8.000000000e+00, v10  }
0x70: {  	[tilespmem:s28+$0x0] =	vst v2;
	v2 =	vmul.f32 $8.000000000e+00, v4;
	v4 =	vadd.f32 v12, v3;
	v12 =	vld [tilespmem:s9+$0x40]  }
0x71: {  	v59 =	vld [tilespmem:s7+$0xFFFFCD70];
	v10 =	vadd.f32 v10, v3  }
0x72: {  	v6 =	vld [tilespmem:s28+$0xFFFFFFA0];
	v2 =	vadd.f32 v2, v1  }
0x73: {  	v14 =	vld [tilespmem:s28+$0xFFFFFF80];
	[tilespmem:s28+$0xFFFFCD30] =	vst v10;
	v10 =	vmul.f32 $8.000000000e+00, v15  }
0x74: {  	v13 =	vld [tilespmem:s28+$0xFFFFCD80];
	[tilespmem:s28+$0xFFFFFF70] =	vst v2;
	v2 =	vmul.f32 $8.000000000e+00, v16  }
0x75: {  	v11 =	vld [tilespmem:s28+$0xFFFFCD70];
	v10 =	vadd.f32 v10, v12  }
0x76: {  	v7 =	vld [tilespmem:s28+$0xFFFFCDB0];
	v2 =	vadd.f32 v2, v12  }
0x77: {  	[tilespmem:s7+$0xFFFFCDD0] =	vst v10;
	v10 =	vld [tilespmem:s7+$0xFFFFCDE0]  }
0x78: {  	v6 =	vmul.f32 $8.000000000e+00, v6;
	[tilespmem:s7+$0xFFFFFFD0] =	vst v2;
	v2 =	vld [tilespmem:s7+$0xFFFFFFE0]  }
0x79: {  	v18 =	vld [tilespmem:s9+$0x50]  }
0x7a: {  	v19 =	vmul.f32 $8.000000000e+00, v19;
	v5 =	vld [tilespmem:s28+$0xFFFFFFB0];
	v6 =	vadd.f32 v6, v9  }
0x7b: {  	v11 =	vmul.f32 $8.000000000e+00, v11;
	v12 =	vld [tilespmem:s7+$0xFFFFCD50]  }
0x7c: {  	v19 =	vadd.f32 v19, v22;
	v8 =	vld [tilespmem:s28+$0xFFFFCD40];
	[tilespmem:s28+$0xFFFFFFA0] =	vst v6;
	v10 =	vmul.f32 $8.000000000e+00, v10  }
0x7d: {  	v6 =	vld [tilespmem:s20+$0x20];
	v11 =	vadd.f32 v11, v1;
	v2 =	vmul.f32 $8.000000000e+00, v2  }
0x7e: {  	v20 =	vmul.f32 $8.000000000e+00, v20;
	[tilespmem:s7+$0xFFFFFF50] =	vst v19;
	v9 =	vld [tilespmem:s28+$0xFFFFFF40];
	v10 =	vadd.f32 v10, v18  }
0x7f: {  	v3 =	vld [tilespmem:s28+$0xFFFFCDC0];
	[tilespmem:s28+$0xFFFFCD70] =	vst v11;
	v2 =	vadd.f32 v2, v18  }
0x80: {  	v20 =	vadd.f32 v20, v23;
	v7 =	vmul.f32 $8.000000000e+00, v7;
	[tilespmem:s7+$0xFFFFCDE0] =	vst v10;
	v10 =	vmul.f32 $8.000000000e+00, v12;
	v12 =	vld [tilespmem:s7+$0xFFFFCDF0]  }
0x81: {  	v15 =	vld [tilespmem:s20+$0xFFFFFFF0];
	[tilespmem:s7+$0xFFFFFFE0] =	vst v2;
	v2 =	vmul.f32 $8.000000000e+00, v17  }
0x82: {  	[tilespmem:s7+$0xFFFFCD90] =	vst v20;
	v7 =	vadd.f32 v7, v6;
	v16 =	vmul.f32 $8.000000000e+00, v51;
	v26 =	vld [tilespmem:s9+$0x60]  }
0x83: {  	[tilespmem:s28+$0xFFFFFF30] =	vst v4;
	v4 =	vld [tilespmem:s28+$0xFFFFCE00];
	v2 =	vadd.f32 v2, v24  }
0x84: {  	v14 =	vmul.f32 $8.000000000e+00, v14;
	v13 =	vmul.f32 $8.000000000e+00, v13;
	v11 =	vld [tilespmem:s20+$0xFFFFFFB0];
	[tilespmem:s28+$0xFFFFCDB0] =	vst v7;
	v16 =	vadd.f32 v16, v24  }
0x85: {  	v1 =	vld [tilespmem:s28+$0xFFFFFFC0];
	v10 =	vadd.f32 v10, v22;
	[tilespmem:s7+$0xFFFFFF10] =	vst v2;
	v2 =	vmul.f32 $8.000000000e+00, v12  }
0x86: {  	v21 =	vmul.f32 $8.000000000e+00, v21;
	[tilespmem:s7+$0xFFFFCD10] =	vst v16;
	v13 =	vadd.f32 v13, v15;
	v14 =	vadd.f32 v14, v15;
	v15 =	vld [tilespmem:s7+$0xFFFFCDC0]  }
0x87: {  	v5 =	vmul.f32 $8.000000000e+00, v5;
	v8 =	vmul.f32 $8.000000000e+00, v8;
	[tilespmem:s7+$0xFFFFCD50] =	vst v10;
	v10 =	vld [tilespmem:s7+$0xFFFFFF20];
	v2 =	vadd.f32 v2, v26  }
0x88: {  	[tilespmem:s28+$0xFFFFCD80] =	vst v13;
	v17 =	vmul.f32 $8.000000000e+00, v53;
	v12 =	vadd.f32 v21, v23;
	v57 =	vld [tilespmem:s9+$0xFFFFFF90]  }
0x89: {  	v7 =	vadd.f32 v8, v11;
	v13 =	vld [tilespmem:s7+$0xFFFFFF40];
	[tilespmem:s7+$0xFFFFCDF0] =	vst v2;
	v2 =	vadd.f32 v5, v6;
	v5 =	vmul.f32 $8.000000000e+00, v9  }
0x8a: {  	[tilespmem:s7+$0xFFFFFF90] =	vst v12;
	v12 =	vld [tilespmem:s9+$0xFFFFFFD0];
	v17 =	vadd.f32 v17, v26  }
0x8b: {  	v8 =	vmul.f32 $8.000000000e+00, v25;
	[tilespmem:s28+$0xFFFFCD40] =	vst v7;
	v58 =	vld [tilespmem:s9+$0x10];
	v5 =	vadd.f32 v5, v11  }
0x8c: {  	v6 =	vld [tilespmem:s7+$0x0];
	[tilespmem:s7+$0xFFFFFFF0] =	vst v17;
	v10 =	vmul.f32 $8.000000000e+00, v10  }
0x8d: {  	v9 =	vld [tilespmem:s7+$0xFFFFCD30];
	v8 =	vadd.f32 v8, v57;
	[tilespmem:s28+$0xFFFFFF40] =	vst v5;
	v5 =	vmul.f32 $8.000000000e+00, v54  }
0x8e: {  	v7 =	vmul.f32 $8.000000000e+00, v52;
	[tilespmem:s28+$0xFFFFFFB0] =	vst v2;
	v2 =	vld [tilespmem:s9+$0x70];
	v10 =	vadd.f32 v10, v57  }
0x8f: {  	v60 =	vmul.f32 $8.000000000e+00, v55;
	v11 =	vld [tilespmem:s7+$0xFFFFFF30];
	[tilespmem:s7+$0xFFFFCD20] =	vst v8;
	v5 =	vadd.f32 v5, v12  }
0x90: {  	v7 =	vadd.f32 v7, v12;
	v8 =	vld [tilespmem:s7+$0xFFFFFF70];
	[tilespmem:s7+$0xFFFFFF20] =	vst v10;
	v12 =	vmul.f32 $8.000000000e+00, v56  }
0x91: {  	v4 =	vmul.f32 $8.000000000e+00, v4;
	v17 =	vadd.f32 v60, v58;
	[tilespmem:s7+$0xFFFFFF60] =	vst v5;
	v5 =	vld [tilespmem:s9+$0xFFFFFFA0]  }
0x92: {  	v10 =	vld [tilespmem:s7+$0xFFFFCDB0];
	[tilespmem:s7+$0xFFFFCD60] =	vst v7;
	v12 =	vadd.f32 v12, v58  }
0x93: {  	v0 =	vadd.f32 v4, v0;
	v6 =	vmul.f32 $8.000000000e+00, v6;
	[tilespmem:s7+$0xFFFFCDA0] =	vst v17;
	v61 =	vld [tilespmem:s9+$0xFFFFFFE0]  }
0x94: {  	v7 =	vld [tilespmem:s7+$0xFFFFFFB0];
	v4 =	vmul.f32 $8.000000000e+00, v9;
	[tilespmem:s7+$0xFFFFFFA0] =	vst v12  }
0x95: {  	[tilespmem:s28+$0xFFFFCE00] =	vst v0;
	v6 =	vadd.f32 v6, v2;
	v11 =	vmul.f32 $8.000000000e+00, v11;
	v9 =	vld [tilespmem:s9+$0x20]  }
0x96: {  	v0 =	vmul.f32 $8.000000000e+00, v59;
	[tilespmem:s28+$0xFFFFFF80] =	vst v14;
	v12 =	vld [tilespmem:s7+$0xFFFFCD40];
	v4 =	vadd.f32 v4, v5  }
0x97: {  	v14 =	vld [tilespmem:s7+$0xFFFFCD80];
	[tilespmem:s7+$0x0] =	vst v6;
	v6 =	vmul.f32 $8.000000000e+00, v8;
	v5 =	vadd.f32 v11, v5  }
0x98: {  	v8 =	vmul.f32 $8.000000000e+00, v10;
	v11 =	vld [tilespmem:s7+$0xFFFFFF80];
	v10 =	vadd.f32 v0, v61;
	[tilespmem:s7+$0xFFFFCD30] =	vst v4  }
0x99: {  	v7 =	vmul.f32 $8.000000000e+00, v7;
	v62 =	vadd.f32 v6, v61;
	[tilespmem:s7+$0xFFFFFF30] =	vst v5;
	v4 =	vld [tilespmem:s7+$0xFFFFFFC0]  }
0x9a: {  	v1 =	vmul.f32 $8.000000000e+00, v1;
	v6 =	vld [tilespmem:s7+$0xFFFFCE00];
	v5 =	vadd.f32 v8, v9;
	[tilespmem:s7+$0xFFFFCD70] =	vst v10  }
0x9b: {  	v0 =	vmul.f32 $8.000000000e+00, v3;
	v3 =	vmul.f32 $8.000000000e+00, v12;
	v63 =	vadd.f32 v7, v9;
	v9 =	vld [tilespmem:s9+$0xFFFFFFB0];
	[tilespmem:s7+$0xFFFFFF70] =	vst v62  }
0x9c: {  	v7 =	vmul.f32 $8.000000000e+00, v13;
	v10 =	vmul.f32 $8.000000000e+00, v14;
	v8 =	vld [tilespmem:s9+$0xFFFFFFF0];
	[tilespmem:s7+$0xFFFFCDB0] =	vst v5  }
0x9d: {  	s11 =	simm.s32 $0x4DF0;
	s22 =	simm.s32 $0x4;
	v12 =	vmul.f32 $8.000000000e+00, v11;
	[tilespmem:s7+$0xFFFFFFB0] =	vst v63;
	v5 =	vmul.f32 $8.000000000e+00, v15;
	v11 =	vld [tilespmem:s20+$0x30];
	s20 =	simm.s32 $0x1AA80  }
.LBB2_3:
0x9e: {  	v13 =	vld [tilespmem:s11+$0xFFFFCDD0];
	v4 =	vmul.f32 $8.000000000e+00, v4  }
0x9f: {  	s9 =	sadd.s32 $0x100, s9;
	v14 =	vld [tilespmem:s11+$0xFFFFFFD0];
	v6 =	vmul.f32 $8.000000000e+00, v6  }
0xa0: {  	v15 =	vld [tilespmem:s9+$0x40];
	v3 =	vadd.f32 v3, v9;
	v7 =	vadd.f32 v7, v9  }
0xa1: {  	s22 =	sadd.s32 $0x4, s22;
	v9 =	vld [tilespmem:s11+$0xFFFFCD10];
	v10 =	vadd.f32 v10, v8;
	v8 =	vadd.f32 v12, v8  }
0xa2: {  	p1 =	slt.u32 s22, $0xC4;
	v12 =	vld [tilespmem:s11+$0xFFFFFF10];
	[tilespmem:s7+$0xFFFFCD40] =	vst v3;
	v3 =	vadd.f32 v0, v11;
	v11 =	vadd.f32 v1, v11;
	v1 =	vmovc v4;
	v0 =	vmov v5  }
0xa3: {  	v2 =	vadd.f32 v6, v2;
	v4 =	vld [tilespmem:s11+$0xFFFFCD50];
	v5 =	vmul.f32 $8.000000000e+00, v13;
	[tilespmem:s7+$0xFFFFFF40] =	vst v7  }
0xa4: {  	v6 =	vld [tilespmem:s11+$0xFFFFFF50];
	v7 =	vmul.f32 $8.000000000e+00, v14;
	[tilespmem:s7+$0xFFFFCD80] =	vst v10  }
0xa5: {  	v10 =	vld [tilespmem:s11+$0xFFFFCD90];
	v5 =	vadd.f32 v5, v15;
	[tilespmem:s7+$0xFFFFFF80] =	vst v8  }
0xa6: {  	v8 =	vmul.f32 $8.000000000e+00, v9;
	v9 =	vld [tilespmem:s11+$0xFFFFFF90];
	v7 =	vadd.f32 v7, v15;
	[tilespmem:s28+$0xFFFFCDC0] =	vst v3  }
0xa7: {  	v3 =	vmul.f32 $8.000000000e+00, v12;
	[tilespmem:s11+$0xFFFFCDD0] =	vst v5;
	v5 =	vld [tilespmem:s11+$0xFFFFCDE0]  }
0xa8: {  	v4 =	vmul.f32 $8.000000000e+00, v4;
	[tilespmem:s11+$0xFFFFFFD0] =	vst v7;
	v7 =	vld [tilespmem:s11+$0xFFFFFFE0]  }
0xa9: {  	v6 =	vmul.f32 $8.000000000e+00, v6;
	v12 =	vld [tilespmem:s9+$0x50];
	[tilespmem:s28+$0xFFFFFFC0] =	vst v11;
	s28 =	smov.u32 s7;
	s7 =	smov.u32 s11  }
0xaa: {  	v11 =	vld [tilespmem:s9+$0xFFFFFFC0];
	v10 =	vmul.f32 $8.000000000e+00, v10;
	[tilespmem:s28+$0xFFFFCE00] =	vst v2  }
0xab: {  	v2 =	vld [tilespmem:s9+$0x0];
	v9 =	vmul.f32 $8.000000000e+00, v9  }
0xac: {  	v13 =	vld [tilespmem:s9+$0xFFFFFF80];
	v5 =	vmul.f32 $8.000000000e+00, v5  }
0xad: {  	v14 =	vld [tilespmem:s11+$0xFFFFCD20];
	v7 =	vmul.f32 $8.000000000e+00, v7  }
0xae: {  	v15 =	vld [tilespmem:s11+$0xFFFFFF20];
	v5 =	vadd.f32 v5, v12  }
0xaf: {  	v4 =	vadd.f32 v4, v11;
	v16 =	vld [tilespmem:s11+$0xFFFFCD60];
	v7 =	vadd.f32 v7, v12  }
0xb0: {  	v6 =	vadd.f32 v6, v11;
	v10 =	vadd.f32 v10, v2;
	[tilespmem:s11+$0xFFFFCDE0] =	vst v5;
	v5 =	vld [tilespmem:s11+$0xFFFFCDF0]  }
0xb1: {  	v8 =	vadd.f32 v8, v13;
	v3 =	vadd.f32 v3, v13;
	[tilespmem:s11+$0xFFFFFFE0] =	vst v7;
	v7 =	vld [tilespmem:s11+$0xFFFFFFF0]  }
0xb2: {  	v2 =	vadd.f32 v9, v2;
	v11 =	vmul.f32 $8.000000000e+00, v14;
	[tilespmem:s11+$0xFFFFCD50] =	vst v4;
	v4 =	vld [tilespmem:s9+$0x60]  }
0xb3: {  	[tilespmem:s11+$0xFFFFCD10] =	vst v8;
	v8 =	vmul.f32 $8.000000000e+00, v15;
	v9 =	vld [tilespmem:s11+$0xFFFFFF60]  }
0xb4: {  	[tilespmem:s11+$0xFFFFFF10] =	vst v3;
	v3 =	vmul.f32 $8.000000000e+00, v16;
	v12 =	vld [tilespmem:s11+$0xFFFFCDA0]  }
0xb5: {  	[tilespmem:s11+$0xFFFFFF50] =	vst v6;
	v6 =	vld [tilespmem:s11+$0xFFFFFFA0];
	v5 =	vmul.f32 $8.000000000e+00, v5  }
0xb6: {  	v13 =	vld [tilespmem:s9+$0xFFFFFF90];
	[tilespmem:s11+$0xFFFFCD90] =	vst v10;
	v7 =	vmul.f32 $8.000000000e+00, v7  }
0xb7: {  	v10 =	vld [tilespmem:s9+$0xFFFFFFD0];
	[tilespmem:s11+$0xFFFFFF90] =	vst v2;
	v2 =	vadd.f32 v5, v4  }
0xb8: {  	v5 =	vmul.f32 $8.000000000e+00, v9;
	v9 =	vld [tilespmem:s9+$0x10];
	v4 =	vadd.f32 v7, v4  }
0xb9: {  	v7 =	vmul.f32 $8.000000000e+00, v12;
	[tilespmem:s11+$0xFFFFCDF0] =	vst v2;
	v12 =	vld [tilespmem:s11+$0x0]  }
0xba: {  	v14 =	vld [tilespmem:s11+$0xFFFFCD30];
	v6 =	vmul.f32 $8.000000000e+00, v6;
	[tilespmem:s11+$0xFFFFFFF0] =	vst v4  }
0xbb: {  	v4 =	vadd.f32 v11, v13;
	v8 =	vadd.f32 v8, v13;
	v2 =	vld [tilespmem:s9+$0x70]  }
0xbc: {  	v11 =	vld [tilespmem:s11+$0xFFFFFF30];
	v3 =	vadd.f32 v3, v10;
	v5 =	vadd.f32 v5, v10  }
0xbd: {  	[tilespmem:s11+$0xFFFFCD20] =	vst v4;
	v4 =	vld [tilespmem:s11+$0xFFFFCD70];
	v7 =	vadd.f32 v7, v9;
	v6 =	vadd.f32 v6, v9  }
0xbe: {  	[tilespmem:s11+$0xFFFFFF20] =	vst v8;
	v8 =	vld [tilespmem:s11+$0xFFFFFF70];
	v9 =	vmul.f32 $8.000000000e+00, v12  }
0xbf: {  	v10 =	vmul.f32 $8.000000000e+00, v14;
	[tilespmem:s11+$0xFFFFCD60] =	vst v3;
	v3 =	vld [tilespmem:s11+$0xFFFFCDB0]  }
0xc0: {  	[tilespmem:s11+$0xFFFFFF60] =	vst v5;
	v5 =	vld [tilespmem:s11+$0xFFFFFFB0];
	v9 =	vadd.f32 v9, v2  }
0xc1: {  	v12 =	vld [tilespmem:s9+$0xFFFFFFA0];
	v11 =	vmul.f32 $8.000000000e+00, v11;
	[tilespmem:s11+$0xFFFFCDA0] =	vst v7  }
0xc2: {  	v7 =	vld [tilespmem:s9+$0xFFFFFFE0];
	v4 =	vmul.f32 $8.000000000e+00, v4;
	[tilespmem:s11+$0x0] =	vst v9  }
0xc3: {  	v9 =	vld [tilespmem:s11+$0xFFFFCD40];
	v8 =	vmul.f32 $8.000000000e+00, v8;
	[tilespmem:s11+$0xFFFFFFA0] =	vst v6  }
0xc4: {  	v6 =	vld [tilespmem:s9+$0x20];
	v13 =	vmul.f32 $8.000000000e+00, v3  }
0xc5: {  	v14 =	vld [tilespmem:s11+$0xFFFFFF40];
	v5 =	vmul.f32 $8.000000000e+00, v5  }
0xc6: {  	v3 =	vadd.f32 v10, v12;
	v10 =	vadd.f32 v11, v12;
	v11 =	vld [tilespmem:s11+$0xFFFFCD80]  }
0xc7: {  	v12 =	vadd.f32 v4, v7;
	v8 =	vadd.f32 v8, v7;
	v15 =	vld [tilespmem:s11+$0xFFFFFF80]  }
0xc8: {  	[tilespmem:s11+$0xFFFFCD30] =	vst v3;
	v3 =	vmul.f32 $8.000000000e+00, v9;
	v16 =	vld [tilespmem:s11+$0xFFFFCDC0]  }
.Ltmp0:
0xc9: {  	[tilespmem:s11+$0xFFFFFF30] =	vst v10;
	v13 =	vadd.f32 v13, v6;
	v5 =	vadd.f32 v5, v6;
	v4 =	vld [tilespmem:s11+$0xFFFFFFC0];
	(pc) =	sbr.rel @p1 .LBB2_3-.Ltmp0, $4  }
0xca: {  	v7 =	vmul.f32 $8.000000000e+00, v14;
	[tilespmem:s11+$0xFFFFCD70] =	vst v12;
	v6 =	vld [tilespmem:s11+$0xFFFFCE00]  }
0xcb: {  	v9 =	vld [tilespmem:s9+$0xFFFFFFB0];
	[tilespmem:s11+$0xFFFFFF70] =	vst v8;
	v10 =	vmul.f32 $8.000000000e+00, v11  }
0xcc: {  	v8 =	vld [tilespmem:s9+$0xFFFFFFF0];
	v12 =	vmul.f32 $8.000000000e+00, v15;
	[tilespmem:s11+$0xFFFFCDB0] =	vst v13  }
0xcd: {  	s11 =	sadd.s32 $0x100, s11;
	[tilespmem:s7+$0xFFFFFFB0] =	vst v5;
	v5 =	vmul.f32 $8.000000000e+00, v16;
	v11 =	vld [tilespmem:s20+$0x30];
	s20 =	smov.u32 s9  }
0xce: {  	_ =	sdelay $0x1  }
0xcf: {  	v3 =	vadd.f32 v3, v9  }
0xd0: {  	v7 =	vadd.f32 v7, v9  }
0xd1: {  	v6 =	vmul.f32 $8.000000000e+00, v6;
	v9 =	vadd.f32 v10, v8;
	[tilespmem:s7+$0xFFFFCD40] =	vst v3;
	v3 =	vld [tilespmem:s20+$0x30]  }
0xd2: {  	v8 =	vadd.f32 v12, v8;
	[tilespmem:s7+$0xFFFFFF40] =	vst v7  }
0xd3: {  	v2 =	vadd.f32 v6, v2;
	[tilespmem:s7+$0xFFFFCD80] =	vst v9  }
0xd4: {  	v0 =	vadd.f32 v0, v11;
	[tilespmem:s7+$0xFFFFFF80] =	vst v8  }
0xd5: {  	v4 =	vmul.f32 $8.000000000e+00, v4;
	v1 =	vadd.f32 v1, v11;
	[tilespmem:s7+$0xFFFFCE00] =	vst v2  }
0xd6: {  	[tilespmem:s28+$0xFFFFCDC0] =	vst v0;
	v0 =	vadd.f32 v5, v3  }
0xd7: {  	s9 =	sadd.s32 s6, s25;
	[tilespmem:s28+$0xFFFFFFC0] =	vst v1;
	v1 =	vadd.f32 v4, v3  }
0xd8: {  	s9 =	sshll.u32 s9, $0x3;
	[tilespmem:s7+$0xFFFFCDC0] =	vst v0  }
0xd9: {  	s9 =	sadd.s32 s4, s9;
	[tilespmem:s7+$0xFFFFFFC0] =	vst v1;
	s7 =	simm.s32 @!p0 $0x8  }
0xda: {  	[hbm4b:s9+s5] =	stream.linear.scatter [tilespmem:s13], [sflag:$0x5], $0x6400, $0x38;
	[tilespmem:$0x1DB00] =	vst v63  }
0xdb: {  	_ =	swait.ge @!p0 [sflag:s7], $0x6400  }
0xdc: {  	[sflag:s7] =	ssyncset.done @!p0 $0x0  }
0xdd: {  	s28 =	sadd.s32 $0x4B0, s25;
	[sflag:s7] =	ssyncadd.s32 @!p0 $0xFFFF9C00  }
0xde: {  	[tilespmem:s3], [sflag:$0x4] =	stream.indirect.gather [hbm4b:s1+s12], $0x40, s28, s12, $0xb8;
	[tilespmem:$0x1DB00] =	vst v63  }
0xdf: {  	s11 =	sadd.s32 $0x518, s25  }
0xe0: {  	[tilespmem:s10], [sflag:$0x4] =	stream.indirect.gather [hbm4b:s1+s12], $0x40, s11, s12, $0xb8;
	[tilespmem:$0x1DB00] =	vst v63  }
0xe1: {  	s20 =	sadd.s32 $0x580, s25  }
0xe2: {  	[tilespmem:s14], [sflag:$0x4] =	stream.indirect.gather [hbm4b:s1+s12], $0x40, s20, s12, $0xb8;
	[tilespmem:$0x1DB00] =	vst v63  }
0xe3: {  	s22 =	sadd.s32 $0x5E8, s25  }
0xe4: {  	[tilespmem:s15], [sflag:$0x4] =	stream.indirect.gather [hbm4b:s1+s17], $0x40, s22, s17, $0xb8;
	[tilespmem:$0x1DB00] =	vst v63  }
0xe5: {  	_ =	swait.ge [sflag:s16], $0x1A00  }
0xe6: {  	[sflag:s16] =	ssyncset.done $0x0  }
0xe7: {  	[sflag:s16] =	ssyncadd.s32 $0xFFFFE600  }
0xe8: {  	_ =	swait.ge [sflag:s16], $0x1A00  }
0xe9: {  	[sflag:s16] =	ssyncset.done $0x0  }
0xea: {  	[sflag:s16] =	ssyncadd.s32 $0xFFFFE600  }
0xeb: {  	_ =	swait.ge [sflag:s16], $0x1A00  }
0xec: {  	[sflag:s16] =	ssyncset.done $0x0  }
0xed: {  	[sflag:s16] =	ssyncadd.s32 $0xFFFFE600  }
0xee: {  	_ =	swait.ge [sflag:s16], $0x1600  }
0xef: {  	[sflag:s16] =	ssyncset.done $0x0  }
0xf0: {  	s7 =	simm.s32 $0x0;
	[sflag:s16] =	ssyncadd.s32 $0xFFFFEA00  }
0xf1: {  	v1 =	vld [tilespmem:s7+$0xAFF0]  }
0xf2: {  	v2 =	vld [tilespmem:s7+$0x7D00]  }
0xf3: {  	v0 =	vld [tilespmem:s7+$0x1A9F0]  }
0xf4: {  	v3 =	vld [tilespmem:s7+$0xAF00]  }
0xf5: {  	v4 =	vld [tilespmem:s7+$0x7D10]  }
0xf6: {  	v5 =	vld [tilespmem:s7+$0xAF10]  }
0xf7: {  	v6 =	vld [tilespmem:s7+$0x7D20]  }
0xf8: {  	v7 =	vld [tilespmem:s7+$0xAF20]  }
0xf9: {  	v8 =	vld [tilespmem:s7+$0x7D30]  }
0xfa: {  	v9 =	vld [tilespmem:s7+$0xAF30]  }
0xfb: {  	v10 =	vld [tilespmem:s7+$0x7D40]  }
0xfc: {  	v11 =	vld [tilespmem:s7+$0xAF40]  }
0xfd: {  	v12 =	vld [tilespmem:s7+$0x7D50]  }
0xfe: {  	v13 =	vld [tilespmem:s7+$0xAF50]  }
0xff: {  	v14 =	vld [tilespmem:s7+$0x7D60]  }
0x100: {  	v15 =	vld [tilespmem:s7+$0xAF60]  }
0x101: {  	v16 =	vld [tilespmem:s7+$0x7D70]  }
0x102: {  	v17 =	vld [tilespmem:s7+$0xAF70]  }
0x103: {  	v18 =	vld [tilespmem:s7+$0x7D80]  }
0x104: {  	v19 =	vld [tilespmem:s7+$0xAF80]  }
0x105: {  	v20 =	vld [tilespmem:s7+$0x7D90]  }
0x106: {  	v21 =	vld [tilespmem:s7+$0xAF90]  }
0x107: {  	v22 =	vld [tilespmem:s7+$0x7DA0]  }
0x108: {  	v23 =	vld [tilespmem:s7+$0xAFA0]  }
0x109: {  	v24 =	vld [tilespmem:s7+$0x7DB0]  }
0x10a: {  	v25 =	vld [tilespmem:s7+$0xAFB0]  }
0x10b: {  	v26 =	vld [tilespmem:s7+$0x7DC0];
	v1 =	vmul.f32 $8.000000000e+00, v1  }
0x10c: {  	v29 =	vld [tilespmem:s7+$0xAFC0];
	v27 =	vmul.f32 $8.000000000e+00, v2;
	v28 =	vmul.f32 $8.000000000e+00, v3  }
0x10d: {  	v32 =	vld [tilespmem:s7+$0x7DD0];
	v30 =	vmul.f32 $8.000000000e+00, v4;
	v31 =	vmul.f32 $8.000000000e+00, v5  }
0x10e: {  	v35 =	vld [tilespmem:s7+$0xAFD0];
	v33 =	vmul.f32 $8.000000000e+00, v6;
	v34 =	vmul.f32 $8.000000000e+00, v7  }
0x10f: {  	v37 =	vld [tilespmem:s7+$0x7DE0];
	v36 =	vmul.f32 $8.000000000e+00, v8;
	v9 =	vmul.f32 $8.000000000e+00, v9  }
0x110: {  	v38 =	vld [tilespmem:s7+$0xAFE0];
	v10 =	vmul.f32 $8.000000000e+00, v10;
	v11 =	vmul.f32 $8.000000000e+00, v11  }
0x111: {  	v12 =	vmul.f32 $8.000000000e+00, v12;
	v13 =	vmul.f32 $8.000000000e+00, v13;
	v6 =	vld [tilespmem:s7+$0x1A900]  }
0x112: {  	v14 =	vmul.f32 $8.000000000e+00, v14;
	v15 =	vmul.f32 $8.000000000e+00, v15;
	v7 =	vld [tilespmem:s7+$0x1A910]  }
0x113: {  	v40 =	vmul.f32 $8.000000000e+00, v16;
	v17 =	vmul.f32 $8.000000000e+00, v17;
	v8 =	vld [tilespmem:s7+$0x1A920]  }
0x114: {  	v41 =	vmul.f32 $8.000000000e+00, v18;
	v42 =	vmul.f32 $8.000000000e+00, v19;
	v16 =	vld [tilespmem:s7+$0x1A930]  }
0x115: {  	v4 =	vmul.f32 $8.000000000e+00, v20;
	v5 =	vmul.f32 $8.000000000e+00, v21;
	v18 =	vld [tilespmem:s7+$0x1A940];
	v1 =	vadd.f32 v1, v0  }
0x116: {  	v3 =	vmul.f32 $8.000000000e+00, v23;
	v2 =	vmul.f32 $8.000000000e+00, v24;
	v21 =	vld [tilespmem:s7+$0x1A950]  }
0x117: {  	v62 =	vld [tilespmem:s7+$0x1A970];
	[tilespmem:s7+$0xAFF0] =	vst v1;
	v1 =	vmul.f32 $8.000000000e+00, v22;
	v19 =	vadd.f32 v27, v6;
	v20 =	vadd.f32 v28, v6  }
0x118: {  	v6 =	vmul.f32 $8.000000000e+00, v25;
	v22 =	vadd.f32 v30, v7;
	v23 =	vadd.f32 v31, v7;
	v30 =	vld [tilespmem:s7+$0x1A960]  }
0x119: {  	v39 =	vld [tilespmem:s7+$0x7DF0];
	v7 =	vmul.f32 $8.000000000e+00, v26;
	v26 =	vadd.f32 v33, v8;
	v31 =	vadd.f32 v34, v8;
	[tilespmem:s7+$0x7D00] =	vst v19  }
0x11a: {  	v63 =	vld [tilespmem:s7+$0x1A980];
	v8 =	vmul.f32 $8.000000000e+00, v29;
	v29 =	vadd.f32 v36, v16;
	v27 =	vadd.f32 v9, v16;
	[tilespmem:s7+$0xAF00] =	vst v20  }
0x11b: {  	v9 =	vmul.f32 $8.000000000e+00, v32;
	v28 =	vadd.f32 v10, v18;
	v25 =	vld [tilespmem:s7+$0x1A990];
	v24 =	vadd.f32 v12, v21;
	[tilespmem:s7+$0x7D10] =	vst v22  }
0x11c: {  	v10 =	vmul.f32 $8.000000000e+00, v35;
	v20 =	vadd.f32 v11, v18;
	[tilespmem:s7+$0xAF10] =	vst v23;
	v19 =	vadd.f32 v13, v21;
	v22 =	vld [tilespmem:s7+$0x1A9A0]  }
0x11d: {  	v12 =	vmul.f32 $8.000000000e+00, v38;
	[tilespmem:s7+$0x7D20] =	vst v26;
	v23 =	vld [tilespmem:s7+$0x1A9B0];
	v18 =	vadd.f32 v40, v62;
	v21 =	vadd.f32 v14, v30  }
0x11e: {  	v11 =	vmul.f32 $8.000000000e+00, v37;
	[tilespmem:s7+$0xAF20] =	vst v31;
	v26 =	vld [tilespmem:s7+$0x1A9C0];
	v16 =	vadd.f32 v15, v30;
	v15 =	vadd.f32 v17, v62  }
0x11f: {  	s9 =	simm.s32 $0x0;
	s11 =	simm.s32 $0x400;
	v13 =	vmul.f32 $8.000000000e+00, v39;
	[tilespmem:s7+$0x7D30] =	vst v29;
	v29 =	vld [tilespmem:s7+$0x1A9D0];
	v17 =	vadd.f32 v41, v63;
	v14 =	vadd.f32 v42, v63  }
.LBB2_5:
0x120: {  	s20 =	sshra.s32 s11, $0x2;
	s9 =	sadd.s32 $0x4, s9;
	[tilespmem:s7+$0xAF30] =	vst v27;
	v4 =	vadd.f32 v4, v25;
	v5 =	vadd.f32 v5, v25;
	v25 =	vld [tilespmem:s7+$0x1A9E0]  }
0x121: {  	v27 =	vld [tilespmem:s20+$0xAFF0];
	p0 =	slt.u32 s9, $0xC4;
	[tilespmem:s7+$0x7D40] =	vst v28;
	v1 =	vadd.f32 v1, v22;
	v3 =	vadd.f32 v3, v22  }
0x122: {  	v22 =	vld [tilespmem:s20+$0x7D00];
	[tilespmem:s7+$0xAF40] =	vst v20;
	v2 =	vadd.f32 v2, v23;
	v6 =	vadd.f32 v6, v23  }
0x123: {  	v20 =	vld [tilespmem:s20+$0x1A9F0];
	[tilespmem:s7+$0x7D50] =	vst v24;
	v7 =	vadd.f32 v7, v26;
	v8 =	vadd.f32 v8, v26  }
0x124: {  	v23 =	vld [tilespmem:s20+$0xAF00];
	[tilespmem:s7+$0xAF50] =	vst v19;
	v9 =	vadd.f32 v9, v29;
	v10 =	vadd.f32 v10, v29  }
0x125: {  	v19 =	vld [tilespmem:s20+$0x7D10];
	[tilespmem:s7+$0x7D60] =	vst v21;
	v11 =	vadd.f32 v11, v25;
	v12 =	vadd.f32 v12, v25  }
0x126: {  	v13 =	vadd.f32 v13, v0;
	v21 =	vld [tilespmem:s20+$0xAF10];
	v24 =	vmul.f32 $8.000000000e+00, v27;
	[tilespmem:s7+$0xAF60] =	vst v16  }
0x127: {  	v16 =	vmul.f32 $8.000000000e+00, v22;
	v22 =	vld [tilespmem:s20+$0x7D20];
	[tilespmem:s7+$0x7D70] =	vst v18  }
0x128: {  	v18 =	vld [tilespmem:s20+$0xAF20];
	v24 =	vadd.f32 v24, v20;
	[tilespmem:s7+$0xAF70] =	vst v15;
	v0 =	vmov v20  }
0x129: {  	v15 =	vmul.f32 $8.000000000e+00, v23;
	v20 =	vld [tilespmem:s20+$0x7D30];
	[tilespmem:s7+$0x7D80] =	vst v17  }
0x12a: {  	v17 =	vmul.f32 $8.000000000e+00, v19;
	v19 =	vld [tilespmem:s20+$0xAF30];
	[tilespmem:s20+$0xAFF0] =	vst v24  }
0x12b: {  	v21 =	vmul.f32 $8.000000000e+00, v21;
	v23 =	vld [tilespmem:s20+$0x7D40];
	[tilespmem:s7+$0xAF80] =	vst v14  }
0x12c: {  	v14 =	vmul.f32 $8.000000000e+00, v22;
	v22 =	vld [tilespmem:s20+$0xAF40];
	[tilespmem:s7+$0x7D90] =	vst v4  }
0x12d: {  	v18 =	vmul.f32 $8.000000000e+00, v18;
	v4 =	vld [tilespmem:s20+$0x7D50];
	[tilespmem:s7+$0xAF90] =	vst v5  }
0x12e: {  	v20 =	vmul.f32 $8.000000000e+00, v20;
	v5 =	vld [tilespmem:s20+$0xAF50];
	[tilespmem:s7+$0x7DA0] =	vst v1  }
0x12f: {  	v19 =	vmul.f32 $8.000000000e+00, v19;
	v1 =	vld [tilespmem:s20+$0x7D60];
	[tilespmem:s7+$0xAFA0] =	vst v3  }
0x130: {  	v23 =	vmul.f32 $8.000000000e+00, v23;
	v3 =	vld [tilespmem:s20+$0xAF60];
	[tilespmem:s7+$0x7DB0] =	vst v2  }
0x131: {  	v22 =	vmul.f32 $8.000000000e+00, v22;
	v2 =	vld [tilespmem:s20+$0x7D70];
	[tilespmem:s7+$0xAFB0] =	vst v6  }
0x132: {  	v24 =	vmul.f32 $8.000000000e+00, v4;
	v4 =	vld [tilespmem:s20+$0xAF70];
	[tilespmem:s7+$0x7DC0] =	vst v7  }
0x133: {  	v26 =	vmul.f32 $8.000000000e+00, v5;
	v5 =	vld [tilespmem:s20+$0x7D80];
	[tilespmem:s7+$0xAFC0] =	vst v8  }
0x134: {  	v29 =	vmul.f32 $8.000000000e+00, v1;
	v1 =	vld [tilespmem:s20+$0xAF80];
	[tilespmem:s7+$0x7DD0] =	vst v9  }
0x135: {  	v30 =	vmul.f32 $8.000000000e+00, v3;
	v3 =	vld [tilespmem:s20+$0x7D90];
	[tilespmem:s7+$0xAFD0] =	vst v10  }
0x136: {  	v31 =	vmul.f32 $8.000000000e+00, v2;
	v2 =	vld [tilespmem:s20+$0xAF90];
	[tilespmem:s7+$0x7DE0] =	vst v11  }
0x137: {  	v32 =	vmul.f32 $8.000000000e+00, v4;
	v6 =	vld [tilespmem:s20+$0x7DA0];
	[tilespmem:s7+$0xAFE0] =	vst v12  }
0x138: {  	v33 =	vmul.f32 $8.000000000e+00, v5;
	v7 =	vld [tilespmem:s20+$0xAFA0];
	[tilespmem:s7+$0x7DF0] =	vst v13;
	s7 =	smov.u32 s20  }
0x139: {  	v34 =	vmul.f32 $8.000000000e+00, v1;
	v8 =	vld [tilespmem:s7+$0x7DB0]  }
0x13a: {  	v4 =	vmul.f32 $8.000000000e+00, v3;
	v9 =	vld [tilespmem:s7+$0xAFB0]  }
0x13b: {  	v5 =	vmul.f32 $8.000000000e+00, v2;
	v10 =	vld [tilespmem:s7+$0x7DC0]  }
0x13c: {  	v1 =	vmul.f32 $8.000000000e+00, v6;
	v11 =	vld [tilespmem:s7+$0xAFC0]  }
0x13d: {  	v3 =	vmul.f32 $8.000000000e+00, v7;
	v12 =	vld [tilespmem:s7+$0x7DD0]  }
0x13e: {  	v2 =	vmul.f32 $8.000000000e+00, v8;
	v13 =	vld [tilespmem:s7+$0xAFD0]  }
0x13f: {  	v6 =	vmul.f32 $8.000000000e+00, v9;
	v25 =	vld [tilespmem:s7+$0x7DE0]  }
0x140: {  	v7 =	vmul.f32 $8.000000000e+00, v10;
	v27 =	vld [tilespmem:s7+$0xAFE0]  }
0x141: {  	v8 =	vmul.f32 $8.000000000e+00, v11;
	v28 =	vld [tilespmem:s7+$0x7DF0]  }
0x142: {  	v35 =	vld [tilespmem:s7+$0x1A900];
	v9 =	vmul.f32 $8.000000000e+00, v12  }
0x143: {  	v36 =	vld [tilespmem:s7+$0x1A910];
	v10 =	vmul.f32 $8.000000000e+00, v13  }
0x144: {  	v37 =	vld [tilespmem:s7+$0x1A920];
	v11 =	vmul.f32 $8.000000000e+00, v25  }
0x145: {  	v25 =	vld [tilespmem:s7+$0x1A930];
	v12 =	vmul.f32 $8.000000000e+00, v27  }
0x146: {  	v38 =	vld [tilespmem:s7+$0x1A940];
	v13 =	vmul.f32 $8.000000000e+00, v28  }
0x147: {  	v16 =	vadd.f32 v16, v35;
	v15 =	vadd.f32 v15, v35;
	v35 =	vld [tilespmem:s7+$0x1A950]  }
0x148: {  	v17 =	vadd.f32 v17, v36;
	v21 =	vadd.f32 v21, v36;
	v36 =	vld [tilespmem:s7+$0x1A960]  }
0x149: {  	[tilespmem:s7+$0x7D00] =	vst v16;
	v14 =	vadd.f32 v14, v37;
	v18 =	vadd.f32 v18, v37;
	v37 =	vld [tilespmem:s7+$0x1A970]  }
0x14a: {  	[tilespmem:s7+$0xAF00] =	vst v15;
	v39 =	vadd.f32 v20, v25;
	v27 =	vadd.f32 v19, v25;
	v40 =	vld [tilespmem:s7+$0x1A980]  }
.Ltmp1:
0x14b: {  	[tilespmem:s7+$0x7D10] =	vst v17;
	v28 =	vadd.f32 v23, v38;
	v20 =	vadd.f32 v22, v38;
	v25 =	vld [tilespmem:s7+$0x1A990];
	(pc) =	sbr.rel @p0 .LBB2_5-.Ltmp1, $4  }
0x14c: {  	[tilespmem:s7+$0xAF10] =	vst v21;
	v24 =	vadd.f32 v24, v35;
	v19 =	vadd.f32 v26, v35;
	v22 =	vld [tilespmem:s7+$0x1A9A0]  }
0x14d: {  	[tilespmem:s7+$0x7D20] =	vst v14;
	v21 =	vadd.f32 v29, v36;
	v16 =	vadd.f32 v30, v36;
	v23 =	vld [tilespmem:s7+$0x1A9B0]  }
0x14e: {  	[tilespmem:s7+$0xAF20] =	vst v18;
	v18 =	vadd.f32 v31, v37;
	v15 =	vadd.f32 v32, v37;
	v26 =	vld [tilespmem:s7+$0x1A9C0]  }
0x14f: {  	s11 =	sadd.s32 $0x400, s11;
	[tilespmem:s7+$0x7D30] =	vst v39;
	v17 =	vadd.f32 v33, v40;
	v14 =	vadd.f32 v34, v40;
	v29 =	vld [tilespmem:s7+$0x1A9D0]  }
0x150: {  	[tilespmem:s7+$0xAF30] =	vst v27  }
0x151: {  	[tilespmem:s7+$0x7D40] =	vst v28  }
0x152: {  	[tilespmem:s7+$0xAF40] =	vst v20  }
0x153: {  	[tilespmem:s7+$0x7D50] =	vst v24  }
0x154: {  	[tilespmem:s7+$0xAF50] =	vst v19  }
0x155: {  	[tilespmem:s7+$0x7D60] =	vst v21  }
0x156: {  	[tilespmem:s7+$0xAF60] =	vst v16  }
0x157: {  	[tilespmem:s7+$0x7D70] =	vst v18  }
0x158: {  	[tilespmem:s7+$0xAF70] =	vst v15  }
0x159: {  	v4 =	vadd.f32 v4, v25;
	[tilespmem:s7+$0x7D80] =	vst v17  }
0x15a: {  	v5 =	vadd.f32 v5, v25;
	[tilespmem:s7+$0xAF80] =	vst v14  }
0x15b: {  	v0 =	vadd.f32 v13, v0;
	[tilespmem:s7+$0x7D90] =	vst v4  }
0x15c: {  	v1 =	vadd.f32 v1, v22;
	[tilespmem:s7+$0xAF90] =	vst v5  }
0x15d: {  	v3 =	vadd.f32 v3, v22;
	[tilespmem:s7+$0x7DF0] =	vst v0  }
0x15e: {  	v2 =	vadd.f32 v2, v23;
	[tilespmem:s7+$0x7DA0] =	vst v1  }
0x15f: {  	v4 =	vadd.f32 v6, v23;
	v1 =	vld [tilespmem:s7+$0x1A9E0];
	[tilespmem:s7+$0xAFA0] =	vst v3  }
0x160: {  	v3 =	vadd.f32 v7, v26;
	[tilespmem:s7+$0x7DB0] =	vst v2  }
0x161: {  	v2 =	vadd.f32 v8, v26;
	[tilespmem:s7+$0xAFB0] =	vst v4  }
0x162: {  	v4 =	vadd.f32 v9, v29;
	[tilespmem:s7+$0x7DC0] =	vst v3  }
0x163: {  	v3 =	vadd.f32 v10, v29;
	[tilespmem:s7+$0xAFC0] =	vst v2  }
0x164: {  	s9 =	sadd.s32 s25, s8;
	[tilespmem:s7+$0x7DD0] =	vst v4;
	v2 =	vadd.f32 v11, v1  }
0x165: {  	s9 =	sshll.u32 s9, $0x3;
	[tilespmem:s7+$0xAFD0] =	vst v3;
	v1 =	vadd.f32 v12, v1  }
0x166: {  	p0 =	seq.s32 s24, $0x3;
	s9 =	sand.u32 $0x1FFFFE80, s9;
	[tilespmem:s7+$0x7DE0] =	vst v2  }
0x167: {  	s22 =	sadd.s32 s4, s9;
	[tilespmem:s7+$0xAFE0] =	vst v1;
	s7 =	simm.s32 @!p0 $0x5  }
0x168: {  	[hbm4b:s22+s5] =	stream.linear.scatter [tilespmem:s21], [sflag:$0x6], $0x6400, $0x38;
	[tilespmem:$0x1DB00] =	vst v63  }
0x169: {  	_ =	swait.ge @!p0 [sflag:s7], $0x6400  }
0x16a: {  	s11 =	simm.s32 @!p0 $0x1900;
	[sflag:s7] =	ssyncset.done @!p0 $0x0  }
0x16b: {  	s9 =	simm.s32 @!p0 $0x68;
	[sflag:s7] =	ssyncadd.s32 @!p0 $0xFFFF9C00;
	s7 =	sadd.s32 @!p0 $0x640, s25  }
0x16c: {  	[tilespmem:s11], [sflag:$0x1] =	stream.indirect.gather @!p0 [hbm4b:s1+s9], $0x40, s7, s9, $0xb8;
	[tilespmem:$0x1DB00] =	vst v63  }
0x16d: {  	s7 =	sadd.s32 @!p0 $0x6A8, s25;
	s11 =	simm.s32 @!p0 $0x3300  }
0x16e: {  	[tilespmem:s11], [sflag:$0x1] =	stream.indirect.gather @!p0 [hbm4b:s1+s9], $0x40, s7, s9, $0xb8;
	[tilespmem:$0x1DB00] =	vst v63  }
0x16f: {  	s7 =	sadd.s32 @!p0 $0x710, s25;
	s11 =	simm.s32 @!p0 $0x4D00  }
0x170: {  	[tilespmem:s11], [sflag:$0x1] =	stream.indirect.gather @!p0 [hbm4b:s1+s9], $0x40, s7, s9, $0xb8;
	[tilespmem:$0x1DB00] =	vst v63  }
0x171: {  	s7 =	sadd.s32 @!p0 $0x778, s25;
	s9 =	simm.s32 @!p0 $0x58;
	s11 =	simm.s32 @!p0 $0x6700  }
0x172: {  	[tilespmem:s11], [sflag:$0x1] =	stream.indirect.gather @!p0 [hbm4b:s1+s9], $0x40, s7, s9, $0xb8;
	[tilespmem:$0x1DB00] =	vst v63  }
0x173: {  	_ =	swait.ge [sflag:s18], $0x1A00  }
0x174: {  	[sflag:s18] =	ssyncset.done $0x0  }
0x175: {  	[sflag:s18] =	ssyncadd.s32 $0xFFFFE600  }
0x176: {  	_ =	swait.ge [sflag:s18], $0x1A00  }
0x177: {  	[sflag:s18] =	ssyncset.done $0x0  }
0x178: {  	[sflag:s18] =	ssyncadd.s32 $0xFFFFE600  }
0x179: {  	_ =	swait.ge [sflag:s18], $0x1A00  }
0x17a: {  	[sflag:s18] =	ssyncset.done $0x0  }
0x17b: {  	[sflag:s18] =	ssyncadd.s32 $0xFFFFE600  }
0x17c: {  	_ =	swait.ge [sflag:s18], $0x1600  }
0x17d: {  	[sflag:s18] =	ssyncset.done $0x0  }
0x17e: {  	s7 =	simm.s32 $0x0;
	[sflag:s18] =	ssyncadd.s32 $0xFFFFEA00  }
0x17f: {  	v1 =	vld [tilespmem:s7+$0x113F0]  }
0x180: {  	v2 =	vld [tilespmem:s7+$0xE100]  }
0x181: {  	v0 =	vld [tilespmem:s7+$0x1A9F0]  }
0x182: {  	v3 =	vld [tilespmem:s7+$0x11300]  }
0x183: {  	v4 =	vld [tilespmem:s7+$0xE110]  }
0x184: {  	v5 =	vld [tilespmem:s7+$0x11310]  }
0x185: {  	v6 =	vld [tilespmem:s7+$0xE120]  }
0x186: {  	v7 =	vld [tilespmem:s7+$0x11320]  }
0x187: {  	v8 =	vld [tilespmem:s7+$0xE130]  }
0x188: {  	v9 =	vld [tilespmem:s7+$0x11330]  }
0x189: {  	v10 =	vld [tilespmem:s7+$0xE140]  }
0x18a: {  	v11 =	vld [tilespmem:s7+$0x11340]  }
0x18b: {  	v12 =	vld [tilespmem:s7+$0xE150]  }
0x18c: {  	v13 =	vld [tilespmem:s7+$0x11350]  }
0x18d: {  	v14 =	vld [tilespmem:s7+$0xE160]  }
0x18e: {  	v15 =	vld [tilespmem:s7+$0x11360]  }
0x18f: {  	v16 =	vld [tilespmem:s7+$0xE170]  }
0x190: {  	v17 =	vld [tilespmem:s7+$0x11370]  }
0x191: {  	v18 =	vld [tilespmem:s7+$0xE180]  }
0x192: {  	v19 =	vld [tilespmem:s7+$0x11380]  }
0x193: {  	v20 =	vld [tilespmem:s7+$0xE190]  }
0x194: {  	v21 =	vld [tilespmem:s7+$0x11390]  }
0x195: {  	v22 =	vld [tilespmem:s7+$0xE1A0]  }
0x196: {  	v23 =	vld [tilespmem:s7+$0x113A0]  }
0x197: {  	v24 =	vld [tilespmem:s7+$0xE1B0]  }
0x198: {  	v25 =	vld [tilespmem:s7+$0x113B0]  }
0x199: {  	v26 =	vld [tilespmem:s7+$0xE1C0];
	v1 =	vmul.f32 $8.000000000e+00, v1  }
0x19a: {  	v29 =	vld [tilespmem:s7+$0x113C0];
	v27 =	vmul.f32 $8.000000000e+00, v2;
	v28 =	vmul.f32 $8.000000000e+00, v3  }
0x19b: {  	v32 =	vld [tilespmem:s7+$0xE1D0];
	v30 =	vmul.f32 $8.000000000e+00, v4;
	v31 =	vmul.f32 $8.000000000e+00, v5  }
0x19c: {  	v35 =	vld [tilespmem:s7+$0x113D0];
	v33 =	vmul.f32 $8.000000000e+00, v6;
	v34 =	vmul.f32 $8.000000000e+00, v7  }
0x19d: {  	v37 =	vld [tilespmem:s7+$0xE1E0];
	v36 =	vmul.f32 $8.000000000e+00, v8;
	v9 =	vmul.f32 $8.000000000e+00, v9  }
0x19e: {  	v38 =	vld [tilespmem:s7+$0x113E0];
	v10 =	vmul.f32 $8.000000000e+00, v10;
	v11 =	vmul.f32 $8.000000000e+00, v11  }
0x19f: {  	v12 =	vmul.f32 $8.000000000e+00, v12;
	v13 =	vmul.f32 $8.000000000e+00, v13;
	v6 =	vld [tilespmem:s7+$0x1A900]  }
0x1a0: {  	v14 =	vmul.f32 $8.000000000e+00, v14;
	v15 =	vmul.f32 $8.000000000e+00, v15;
	v7 =	vld [tilespmem:s7+$0x1A910]  }
0x1a1: {  	v40 =	vmul.f32 $8.000000000e+00, v16;
	v17 =	vmul.f32 $8.000000000e+00, v17;
	v8 =	vld [tilespmem:s7+$0x1A920]  }
0x1a2: {  	v41 =	vmul.f32 $8.000000000e+00, v18;
	v42 =	vmul.f32 $8.000000000e+00, v19;
	v16 =	vld [tilespmem:s7+$0x1A930]  }
0x1a3: {  	v4 =	vmul.f32 $8.000000000e+00, v20;
	v5 =	vmul.f32 $8.000000000e+00, v21;
	v18 =	vld [tilespmem:s7+$0x1A940];
	v1 =	vadd.f32 v1, v0  }
0x1a4: {  	v3 =	vmul.f32 $8.000000000e+00, v23;
	v2 =	vmul.f32 $8.000000000e+00, v24;
	v21 =	vld [tilespmem:s7+$0x1A950]  }
0x1a5: {  	v62 =	vld [tilespmem:s7+$0x1A970];
	[tilespmem:s7+$0x113F0] =	vst v1;
	v1 =	vmul.f32 $8.000000000e+00, v22;
	v19 =	vadd.f32 v27, v6;
	v20 =	vadd.f32 v28, v6  }
0x1a6: {  	v6 =	vmul.f32 $8.000000000e+00, v25;
	v22 =	vadd.f32 v30, v7;
	v23 =	vadd.f32 v31, v7;
	v30 =	vld [tilespmem:s7+$0x1A960]  }
0x1a7: {  	v39 =	vld [tilespmem:s7+$0xE1F0];
	v7 =	vmul.f32 $8.000000000e+00, v26;
	v26 =	vadd.f32 v33, v8;
	v31 =	vadd.f32 v34, v8;
	[tilespmem:s7+$0xE100] =	vst v19  }
0x1a8: {  	v63 =	vld [tilespmem:s7+$0x1A980];
	v8 =	vmul.f32 $8.000000000e+00, v29;
	v29 =	vadd.f32 v36, v16;
	v27 =	vadd.f32 v9, v16;
	[tilespmem:s7+$0x11300] =	vst v20  }
0x1a9: {  	v9 =	vmul.f32 $8.000000000e+00, v32;
	v28 =	vadd.f32 v10, v18;
	v25 =	vld [tilespmem:s7+$0x1A990];
	v24 =	vadd.f32 v12, v21;
	[tilespmem:s7+$0xE110] =	vst v22  }
0x1aa: {  	v10 =	vmul.f32 $8.000000000e+00, v35;
	v20 =	vadd.f32 v11, v18;
	[tilespmem:s7+$0x11310] =	vst v23;
	v19 =	vadd.f32 v13, v21;
	v22 =	vld [tilespmem:s7+$0x1A9A0]  }
0x1ab: {  	v12 =	vmul.f32 $8.000000000e+00, v38;
	[tilespmem:s7+$0xE120] =	vst v26;
	v23 =	vld [tilespmem:s7+$0x1A9B0];
	v18 =	vadd.f32 v40, v62;
	v21 =	vadd.f32 v14, v30  }
0x1ac: {  	v11 =	vmul.f32 $8.000000000e+00, v37;
	[tilespmem:s7+$0x11320] =	vst v31;
	v26 =	vld [tilespmem:s7+$0x1A9C0];
	v16 =	vadd.f32 v15, v30;
	v15 =	vadd.f32 v17, v62  }
0x1ad: {  	s9 =	simm.s32 $0x0;
	s11 =	simm.s32 $0x400;
	v13 =	vmul.f32 $8.000000000e+00, v39;
	[tilespmem:s7+$0xE130] =	vst v29;
	v29 =	vld [tilespmem:s7+$0x1A9D0];
	v17 =	vadd.f32 v41, v63;
	v14 =	vadd.f32 v42, v63  }
.LBB2_7:
0x1ae: {  	s20 =	sshra.s32 s11, $0x2;
	s9 =	sadd.s32 $0x4, s9;
	[tilespmem:s7+$0x11330] =	vst v27;
	v4 =	vadd.f32 v4, v25;
	v5 =	vadd.f32 v5, v25;
	v25 =	vld [tilespmem:s7+$0x1A9E0]  }
0x1af: {  	v27 =	vld [tilespmem:s20+$0x113F0];
	p1 =	slt.u32 s9, $0xC4;
	[tilespmem:s7+$0xE140] =	vst v28;
	v1 =	vadd.f32 v1, v22;
	v3 =	vadd.f32 v3, v22  }
0x1b0: {  	v22 =	vld [tilespmem:s20+$0xE100];
	[tilespmem:s7+$0x11340] =	vst v20;
	v2 =	vadd.f32 v2, v23;
	v6 =	vadd.f32 v6, v23  }
0x1b1: {  	v20 =	vld [tilespmem:s20+$0x1A9F0];
	[tilespmem:s7+$0xE150] =	vst v24;
	v7 =	vadd.f32 v7, v26;
	v8 =	vadd.f32 v8, v26  }
0x1b2: {  	v23 =	vld [tilespmem:s20+$0x11300];
	[tilespmem:s7+$0x11350] =	vst v19;
	v9 =	vadd.f32 v9, v29;
	v10 =	vadd.f32 v10, v29  }
0x1b3: {  	v19 =	vld [tilespmem:s20+$0xE110];
	[tilespmem:s7+$0xE160] =	vst v21;
	v11 =	vadd.f32 v11, v25;
	v12 =	vadd.f32 v12, v25  }
0x1b4: {  	v13 =	vadd.f32 v13, v0;
	v21 =	vld [tilespmem:s20+$0x11310];
	v24 =	vmul.f32 $8.000000000e+00, v27;
	[tilespmem:s7+$0x11360] =	vst v16  }
0x1b5: {  	v16 =	vmul.f32 $8.000000000e+00, v22;
	v22 =	vld [tilespmem:s20+$0xE120];
	[tilespmem:s7+$0xE170] =	vst v18  }
0x1b6: {  	v18 =	vld [tilespmem:s20+$0x11320];
	v24 =	vadd.f32 v24, v20;
	[tilespmem:s7+$0x11370] =	vst v15;
	v0 =	vmov v20  }
0x1b7: {  	v15 =	vmul.f32 $8.000000000e+00, v23;
	v20 =	vld [tilespmem:s20+$0xE130];
	[tilespmem:s7+$0xE180] =	vst v17  }
0x1b8: {  	v17 =	vmul.f32 $8.000000000e+00, v19;
	v19 =	vld [tilespmem:s20+$0x11330];
	[tilespmem:s20+$0x113F0] =	vst v24  }
0x1b9: {  	v21 =	vmul.f32 $8.000000000e+00, v21;
	v23 =	vld [tilespmem:s20+$0xE140];
	[tilespmem:s7+$0x11380] =	vst v14  }
0x1ba: {  	v14 =	vmul.f32 $8.000000000e+00, v22;
	v22 =	vld [tilespmem:s20+$0x11340];
	[tilespmem:s7+$0xE190] =	vst v4  }
0x1bb: {  	v18 =	vmul.f32 $8.000000000e+00, v18;
	v4 =	vld [tilespmem:s20+$0xE150];
	[tilespmem:s7+$0x11390] =	vst v5  }
0x1bc: {  	v20 =	vmul.f32 $8.000000000e+00, v20;
	v5 =	vld [tilespmem:s20+$0x11350];
	[tilespmem:s7+$0xE1A0] =	vst v1  }
0x1bd: {  	v19 =	vmul.f32 $8.000000000e+00, v19;
	v1 =	vld [tilespmem:s20+$0xE160];
	[tilespmem:s7+$0x113A0] =	vst v3  }
0x1be: {  	v23 =	vmul.f32 $8.000000000e+00, v23;
	v3 =	vld [tilespmem:s20+$0x11360];
	[tilespmem:s7+$0xE1B0] =	vst v2  }
0x1bf: {  	v22 =	vmul.f32 $8.000000000e+00, v22;
	v2 =	vld [tilespmem:s20+$0xE170];
	[tilespmem:s7+$0x113B0] =	vst v6  }
0x1c0: {  	v24 =	vmul.f32 $8.000000000e+00, v4;
	v4 =	vld [tilespmem:s20+$0x11370];
	[tilespmem:s7+$0xE1C0] =	vst v7  }
0x1c1: {  	v26 =	vmul.f32 $8.000000000e+00, v5;
	v5 =	vld [tilespmem:s20+$0xE180];
	[tilespmem:s7+$0x113C0] =	vst v8  }
0x1c2: {  	v29 =	vmul.f32 $8.000000000e+00, v1;
	v1 =	vld [tilespmem:s20+$0x11380];
	[tilespmem:s7+$0xE1D0] =	vst v9  }
0x1c3: {  	v30 =	vmul.f32 $8.000000000e+00, v3;
	v3 =	vld [tilespmem:s20+$0xE190];
	[tilespmem:s7+$0x113D0] =	vst v10  }
0x1c4: {  	v31 =	vmul.f32 $8.000000000e+00, v2;
	v2 =	vld [tilespmem:s20+$0x11390];
	[tilespmem:s7+$0xE1E0] =	vst v11  }
0x1c5: {  	v32 =	vmul.f32 $8.000000000e+00, v4;
	v6 =	vld [tilespmem:s20+$0xE1A0];
	[tilespmem:s7+$0x113E0] =	vst v12  }
0x1c6: {  	v33 =	vmul.f32 $8.000000000e+00, v5;
	v7 =	vld [tilespmem:s20+$0x113A0];
	[tilespmem:s7+$0xE1F0] =	vst v13;
	s7 =	smov.u32 s20  }
0x1c7: {  	v34 =	vmul.f32 $8.000000000e+00, v1;
	v8 =	vld [tilespmem:s7+$0xE1B0]  }
0x1c8: {  	v4 =	vmul.f32 $8.000000000e+00, v3;
	v9 =	vld [tilespmem:s7+$0x113B0]  }
0x1c9: {  	v5 =	vmul.f32 $8.000000000e+00, v2;
	v10 =	vld [tilespmem:s7+$0xE1C0]  }
0x1ca: {  	v1 =	vmul.f32 $8.000000000e+00, v6;
	v11 =	vld [tilespmem:s7+$0x113C0]  }
0x1cb: {  	v3 =	vmul.f32 $8.000000000e+00, v7;
	v12 =	vld [tilespmem:s7+$0xE1D0]  }
0x1cc: {  	v2 =	vmul.f32 $8.000000000e+00, v8;
	v13 =	vld [tilespmem:s7+$0x113D0]  }
0x1cd: {  	v6 =	vmul.f32 $8.000000000e+00, v9;
	v25 =	vld [tilespmem:s7+$0xE1E0]  }
0x1ce: {  	v7 =	vmul.f32 $8.000000000e+00, v10;
	v27 =	vld [tilespmem:s7+$0x113E0]  }
0x1cf: {  	v8 =	vmul.f32 $8.000000000e+00, v11;
	v28 =	vld [tilespmem:s7+$0xE1F0]  }
0x1d0: {  	v35 =	vld [tilespmem:s7+$0x1A900];
	v9 =	vmul.f32 $8.000000000e+00, v12  }
0x1d1: {  	v36 =	vld [tilespmem:s7+$0x1A910];
	v10 =	vmul.f32 $8.000000000e+00, v13  }
0x1d2: {  	v37 =	vld [tilespmem:s7+$0x1A920];
	v11 =	vmul.f32 $8.000000000e+00, v25  }
0x1d3: {  	v25 =	vld [tilespmem:s7+$0x1A930];
	v12 =	vmul.f32 $8.000000000e+00, v27  }
0x1d4: {  	v38 =	vld [tilespmem:s7+$0x1A940];
	v13 =	vmul.f32 $8.000000000e+00, v28  }
0x1d5: {  	v16 =	vadd.f32 v16, v35;
	v15 =	vadd.f32 v15, v35;
	v35 =	vld [tilespmem:s7+$0x1A950]  }
0x1d6: {  	v17 =	vadd.f32 v17, v36;
	v21 =	vadd.f32 v21, v36;
	v36 =	vld [tilespmem:s7+$0x1A960]  }
0x1d7: {  	[tilespmem:s7+$0xE100] =	vst v16;
	v14 =	vadd.f32 v14, v37;
	v18 =	vadd.f32 v18, v37;
	v37 =	vld [tilespmem:s7+$0x1A970]  }
0x1d8: {  	[tilespmem:s7+$0x11300] =	vst v15;
	v39 =	vadd.f32 v20, v25;
	v27 =	vadd.f32 v19, v25;
	v40 =	vld [tilespmem:s7+$0x1A980]  }
.Ltmp2:
0x1d9: {  	[tilespmem:s7+$0xE110] =	vst v17;
	v28 =	vadd.f32 v23, v38;
	v20 =	vadd.f32 v22, v38;
	v25 =	vld [tilespmem:s7+$0x1A990];
	(pc) =	sbr.rel @p1 .LBB2_7-.Ltmp2, $4  }
0x1da: {  	[tilespmem:s7+$0x11310] =	vst v21;
	v24 =	vadd.f32 v24, v35;
	v19 =	vadd.f32 v26, v35;
	v22 =	vld [tilespmem:s7+$0x1A9A0]  }
0x1db: {  	[tilespmem:s7+$0xE120] =	vst v14;
	v21 =	vadd.f32 v29, v36;
	v16 =	vadd.f32 v30, v36;
	v23 =	vld [tilespmem:s7+$0x1A9B0]  }
0x1dc: {  	[tilespmem:s7+$0x11320] =	vst v18;
	v18 =	vadd.f32 v31, v37;
	v15 =	vadd.f32 v32, v37;
	v26 =	vld [tilespmem:s7+$0x1A9C0]  }
0x1dd: {  	s11 =	sadd.s32 $0x400, s11;
	[tilespmem:s7+$0xE130] =	vst v39;
	v17 =	vadd.f32 v33, v40;
	v14 =	vadd.f32 v34, v40;
	v29 =	vld [tilespmem:s7+$0x1A9D0]  }
0x1de: {  	[tilespmem:s7+$0x11330] =	vst v27  }
0x1df: {  	[tilespmem:s7+$0xE140] =	vst v28  }
0x1e0: {  	[tilespmem:s7+$0x11340] =	vst v20  }
0x1e1: {  	[tilespmem:s7+$0xE150] =	vst v24  }
0x1e2: {  	[tilespmem:s7+$0x11350] =	vst v19  }
0x1e3: {  	[tilespmem:s7+$0xE160] =	vst v21  }
0x1e4: {  	[tilespmem:s7+$0x11360] =	vst v16  }
0x1e5: {  	[tilespmem:s7+$0xE170] =	vst v18  }
0x1e6: {  	[tilespmem:s7+$0x11370] =	vst v15  }
0x1e7: {  	v4 =	vadd.f32 v4, v25;
	[tilespmem:s7+$0xE180] =	vst v17  }
0x1e8: {  	v5 =	vadd.f32 v5, v25;
	[tilespmem:s7+$0x11380] =	vst v14  }
0x1e9: {  	v0 =	vadd.f32 v13, v0;
	[tilespmem:s7+$0xE190] =	vst v4  }
0x1ea: {  	v1 =	vadd.f32 v1, v22;
	[tilespmem:s7+$0x11390] =	vst v5  }
0x1eb: {  	v3 =	vadd.f32 v3, v22;
	[tilespmem:s7+$0xE1F0] =	vst v0  }
0x1ec: {  	v2 =	vadd.f32 v2, v23;
	[tilespmem:s7+$0xE1A0] =	vst v1  }
0x1ed: {  	v4 =	vadd.f32 v6, v23;
	v1 =	vld [tilespmem:s7+$0x1A9E0];
	[tilespmem:s7+$0x113A0] =	vst v3  }
0x1ee: {  	v3 =	vadd.f32 v7, v26;
	[tilespmem:s7+$0xE1B0] =	vst v2  }
0x1ef: {  	v2 =	vadd.f32 v8, v26;
	[tilespmem:s7+$0x113B0] =	vst v4  }
0x1f0: {  	v4 =	vadd.f32 v9, v29;
	[tilespmem:s7+$0xE1C0] =	vst v3  }
0x1f1: {  	v3 =	vadd.f32 v10, v29;
	[tilespmem:s7+$0x113C0] =	vst v2  }
0x1f2: {  	s9 =	sadd.s32 s6, s26;
	[tilespmem:s7+$0xE1D0] =	vst v4;
	v2 =	vadd.f32 v11, v1  }
0x1f3: {  	s9 =	sshll.u32 s9, $0x3;
	[tilespmem:s7+$0x113D0] =	vst v3;
	v1 =	vadd.f32 v12, v1  }
0x1f4: {  	s9 =	sand.u32 $0x1FFFFF00, s9;
	[tilespmem:s7+$0xE1E0] =	vst v2  }
0x1f5: {  	s26 =	sadd.s32 s4, s9;
	[tilespmem:s7+$0x113E0] =	vst v1;
	s7 =	simm.s32 @!p0 $0x6  }
0x1f6: {  	[hbm4b:s26+s5] =	stream.linear.scatter [tilespmem:s29], [sflag:$0x7], $0x6400, $0x38;
	[tilespmem:$0x1DB00] =	vst v63  }
0x1f7: {  	_ =	swait.ge @!p0 [sflag:s7], $0x6400  }
0x1f8: {  	s11 =	simm.s32 @!p0 $0x7D00;
	[sflag:s7] =	ssyncset.done @!p0 $0x0  }
0x1f9: {  	s9 =	simm.s32 @!p0 $0x68;
	[sflag:s7] =	ssyncadd.s32 @!p0 $0xFFFF9C00;
	s7 =	sadd.s32 @!p0 $0x7D0, s25  }
0x1fa: {  	[tilespmem:s11], [sflag:$0x2] =	stream.indirect.gather @!p0 [hbm4b:s1+s9], $0x40, s7, s9, $0xb8;
	[tilespmem:$0x1DB00] =	vst v63  }
0x1fb: {  	s7 =	sadd.s32 @!p0 $0x838, s25;
	s11 =	simm.s32 @!p0 $0x9700  }
0x1fc: {  	[tilespmem:s11], [sflag:$0x2] =	stream.indirect.gather @!p0 [hbm4b:s1+s9], $0x40, s7, s9, $0xb8;
	[tilespmem:$0x1DB00] =	vst v63  }
0x1fd: {  	s7 =	sadd.s32 @!p0 $0x8A0, s25;
	s11 =	simm.s32 @!p0 $0xB100  }
0x1fe: {  	[tilespmem:s11], [sflag:$0x2] =	stream.indirect.gather @!p0 [hbm4b:s1+s9], $0x40, s7, s9, $0xb8;
	[tilespmem:$0x1DB00] =	vst v63  }
0x1ff: {  	s7 =	sadd.s32 @!p0 $0x908, s25;
	s9 =	simm.s32 @!p0 $0x58;
	s11 =	simm.s32 @!p0 $0xCB00  }
0x200: {  	[tilespmem:s11], [sflag:$0x2] =	stream.indirect.gather @!p0 [hbm4b:s1+s9], $0x40, s7, s9, $0xb8;
	[tilespmem:$0x1DB00] =	vst v63  }
0x201: {  	_ =	swait.ge [sflag:s19], $0x1A00  }
0x202: {  	[sflag:s19] =	ssyncset.done $0x0  }
0x203: {  	[sflag:s19] =	ssyncadd.s32 $0xFFFFE600  }
0x204: {  	_ =	swait.ge [sflag:s19], $0x1A00  }
0x205: {  	[sflag:s19] =	ssyncset.done $0x0  }
0x206: {  	[sflag:s19] =	ssyncadd.s32 $0xFFFFE600  }
0x207: {  	_ =	swait.ge [sflag:s19], $0x1A00  }
0x208: {  	[sflag:s19] =	ssyncset.done $0x0  }
0x209: {  	[sflag:s19] =	ssyncadd.s32 $0xFFFFE600  }
0x20a: {  	_ =	swait.ge [sflag:s19], $0x1600  }
0x20b: {  	[sflag:s19] =	ssyncset.done $0x0  }
0x20c: {  	s7 =	simm.s32 $0x0;
	[sflag:s19] =	ssyncadd.s32 $0xFFFFEA00  }
0x20d: {  	v1 =	vld [tilespmem:s7+$0x177F0]  }
0x20e: {  	v2 =	vld [tilespmem:s7+$0x14500]  }
0x20f: {  	v0 =	vld [tilespmem:s7+$0x1A9F0]  }
0x210: {  	v3 =	vld [tilespmem:s7+$0x17700]  }
0x211: {  	v4 =	vld [tilespmem:s7+$0x14510]  }
0x212: {  	v5 =	vld [tilespmem:s7+$0x17710]  }
0x213: {  	v6 =	vld [tilespmem:s7+$0x14520]  }
0x214: {  	v7 =	vld [tilespmem:s7+$0x17720]  }
0x215: {  	v8 =	vld [tilespmem:s7+$0x14530]  }
0x216: {  	v9 =	vld [tilespmem:s7+$0x17730]  }
0x217: {  	v10 =	vld [tilespmem:s7+$0x14540]  }
0x218: {  	v11 =	vld [tilespmem:s7+$0x17740]  }
0x219: {  	v12 =	vld [tilespmem:s7+$0x14550]  }
0x21a: {  	v13 =	vld [tilespmem:s7+$0x17750]  }
0x21b: {  	v14 =	vld [tilespmem:s7+$0x14560]  }
0x21c: {  	v15 =	vld [tilespmem:s7+$0x17760]  }
0x21d: {  	v16 =	vld [tilespmem:s7+$0x14570]  }
0x21e: {  	v17 =	vld [tilespmem:s7+$0x17770]  }
0x21f: {  	v18 =	vld [tilespmem:s7+$0x14580]  }
0x220: {  	v19 =	vld [tilespmem:s7+$0x17780]  }
0x221: {  	v20 =	vld [tilespmem:s7+$0x14590]  }
0x222: {  	v21 =	vld [tilespmem:s7+$0x17790]  }
0x223: {  	v22 =	vld [tilespmem:s7+$0x145A0]  }
0x224: {  	v23 =	vld [tilespmem:s7+$0x177A0]  }
0x225: {  	v24 =	vld [tilespmem:s7+$0x145B0]  }
0x226: {  	v25 =	vld [tilespmem:s7+$0x177B0]  }
0x227: {  	v26 =	vld [tilespmem:s7+$0x145C0];
	v1 =	vmul.f32 $8.000000000e+00, v1  }
0x228: {  	v29 =	vld [tilespmem:s7+$0x177C0];
	v27 =	vmul.f32 $8.000000000e+00, v2;
	v28 =	vmul.f32 $8.000000000e+00, v3  }
0x229: {  	v32 =	vld [tilespmem:s7+$0x145D0];
	v30 =	vmul.f32 $8.000000000e+00, v4;
	v31 =	vmul.f32 $8.000000000e+00, v5  }
0x22a: {  	v35 =	vld [tilespmem:s7+$0x177D0];
	v33 =	vmul.f32 $8.000000000e+00, v6;
	v34 =	vmul.f32 $8.000000000e+00, v7  }
0x22b: {  	v37 =	vld [tilespmem:s7+$0x145E0];
	v36 =	vmul.f32 $8.000000000e+00, v8;
	v9 =	vmul.f32 $8.000000000e+00, v9  }
0x22c: {  	v38 =	vld [tilespmem:s7+$0x177E0];
	v10 =	vmul.f32 $8.000000000e+00, v10;
	v11 =	vmul.f32 $8.000000000e+00, v11  }
0x22d: {  	v12 =	vmul.f32 $8.000000000e+00, v12;
	v13 =	vmul.f32 $8.000000000e+00, v13;
	v6 =	vld [tilespmem:s7+$0x1A900]  }
0x22e: {  	v14 =	vmul.f32 $8.000000000e+00, v14;
	v15 =	vmul.f32 $8.000000000e+00, v15;
	v7 =	vld [tilespmem:s7+$0x1A910]  }
0x22f: {  	v40 =	vmul.f32 $8.000000000e+00, v16;
	v17 =	vmul.f32 $8.000000000e+00, v17;
	v8 =	vld [tilespmem:s7+$0x1A920]  }
0x230: {  	v41 =	vmul.f32 $8.000000000e+00, v18;
	v42 =	vmul.f32 $8.000000000e+00, v19;
	v16 =	vld [tilespmem:s7+$0x1A930]  }
0x231: {  	v4 =	vmul.f32 $8.000000000e+00, v20;
	v5 =	vmul.f32 $8.000000000e+00, v21;
	v18 =	vld [tilespmem:s7+$0x1A940];
	v1 =	vadd.f32 v1, v0  }
0x232: {  	v3 =	vmul.f32 $8.000000000e+00, v23;
	v2 =	vmul.f32 $8.000000000e+00, v24;
	v21 =	vld [tilespmem:s7+$0x1A950]  }
0x233: {  	v62 =	vld [tilespmem:s7+$0x1A970];
	[tilespmem:s7+$0x177F0] =	vst v1;
	v1 =	vmul.f32 $8.000000000e+00, v22;
	v19 =	vadd.f32 v27, v6;
	v20 =	vadd.f32 v28, v6  }
0x234: {  	v6 =	vmul.f32 $8.000000000e+00, v25;
	v22 =	vadd.f32 v30, v7;
	v23 =	vadd.f32 v31, v7;
	v30 =	vld [tilespmem:s7+$0x1A960]  }
0x235: {  	v39 =	vld [tilespmem:s7+$0x145F0];
	v7 =	vmul.f32 $8.000000000e+00, v26;
	v26 =	vadd.f32 v33, v8;
	v31 =	vadd.f32 v34, v8;
	[tilespmem:s7+$0x14500] =	vst v19  }
0x236: {  	v63 =	vld [tilespmem:s7+$0x1A980];
	v8 =	vmul.f32 $8.000000000e+00, v29;
	v29 =	vadd.f32 v36, v16;
	v27 =	vadd.f32 v9, v16;
	[tilespmem:s7+$0x17700] =	vst v20  }
0x237: {  	v9 =	vmul.f32 $8.000000000e+00, v32;
	v28 =	vadd.f32 v10, v18;
	v25 =	vld [tilespmem:s7+$0x1A990];
	v24 =	vadd.f32 v12, v21;
	[tilespmem:s7+$0x14510] =	vst v22  }
0x238: {  	v10 =	vmul.f32 $8.000000000e+00, v35;
	v20 =	vadd.f32 v11, v18;
	[tilespmem:s7+$0x17710] =	vst v23;
	v19 =	vadd.f32 v13, v21;
	v22 =	vld [tilespmem:s7+$0x1A9A0]  }
0x239: {  	v12 =	vmul.f32 $8.000000000e+00, v38;
	[tilespmem:s7+$0x14520] =	vst v26;
	v23 =	vld [tilespmem:s7+$0x1A9B0];
	v18 =	vadd.f32 v40, v62;
	v21 =	vadd.f32 v14, v30  }
0x23a: {  	v11 =	vmul.f32 $8.000000000e+00, v37;
	[tilespmem:s7+$0x17720] =	vst v31;
	v26 =	vld [tilespmem:s7+$0x1A9C0];
	v16 =	vadd.f32 v15, v30;
	v15 =	vadd.f32 v17, v62  }
0x23b: {  	s9 =	simm.s32 $0x0;
	s11 =	simm.s32 $0x400;
	v13 =	vmul.f32 $8.000000000e+00, v39;
	[tilespmem:s7+$0x14530] =	vst v29;
	v29 =	vld [tilespmem:s7+$0x1A9D0];
	v17 =	vadd.f32 v41, v63;
	v14 =	vadd.f32 v42, v63  }
.LBB2_9:
0x23c: {  	s20 =	sshra.s32 s11, $0x2;
	s9 =	sadd.s32 $0x4, s9;
	[tilespmem:s7+$0x17730] =	vst v27;
	v4 =	vadd.f32 v4, v25;
	v5 =	vadd.f32 v5, v25;
	v25 =	vld [tilespmem:s7+$0x1A9E0]  }
0x23d: {  	v27 =	vld [tilespmem:s20+$0x177F0];
	p0 =	slt.u32 s9, $0xC4;
	[tilespmem:s7+$0x14540] =	vst v28;
	v1 =	vadd.f32 v1, v22;
	v3 =	vadd.f32 v3, v22  }
0x23e: {  	v22 =	vld [tilespmem:s20+$0x14500];
	[tilespmem:s7+$0x17740] =	vst v20;
	v2 =	vadd.f32 v2, v23;
	v6 =	vadd.f32 v6, v23  }
0x23f: {  	v20 =	vld [tilespmem:s20+$0x1A9F0];
	[tilespmem:s7+$0x14550] =	vst v24;
	v7 =	vadd.f32 v7, v26;
	v8 =	vadd.f32 v8, v26  }
0x240: {  	v23 =	vld [tilespmem:s20+$0x17700];
	[tilespmem:s7+$0x17750] =	vst v19;
	v9 =	vadd.f32 v9, v29;
	v10 =	vadd.f32 v10, v29  }
0x241: {  	v19 =	vld [tilespmem:s20+$0x14510];
	[tilespmem:s7+$0x14560] =	vst v21;
	v11 =	vadd.f32 v11, v25;
	v12 =	vadd.f32 v12, v25  }
0x242: {  	v13 =	vadd.f32 v13, v0;
	v21 =	vld [tilespmem:s20+$0x17710];
	v24 =	vmul.f32 $8.000000000e+00, v27;
	[tilespmem:s7+$0x17760] =	vst v16  }
0x243: {  	v16 =	vmul.f32 $8.000000000e+00, v22;
	v22 =	vld [tilespmem:s20+$0x14520];
	[tilespmem:s7+$0x14570] =	vst v18  }
0x244: {  	v18 =	vld [tilespmem:s20+$0x17720];
	v24 =	vadd.f32 v24, v20;
	[tilespmem:s7+$0x17770] =	vst v15;
	v0 =	vmov v20  }
0x245: {  	v15 =	vmul.f32 $8.000000000e+00, v23;
	v20 =	vld [tilespmem:s20+$0x14530];
	[tilespmem:s7+$0x14580] =	vst v17  }
0x246: {  	v17 =	vmul.f32 $8.000000000e+00, v19;
	v19 =	vld [tilespmem:s20+$0x17730];
	[tilespmem:s20+$0x177F0] =	vst v24  }
0x247: {  	v21 =	vmul.f32 $8.000000000e+00, v21;
	v23 =	vld [tilespmem:s20+$0x14540];
	[tilespmem:s7+$0x17780] =	vst v14  }
0x248: {  	v14 =	vmul.f32 $8.000000000e+00, v22;
	v22 =	vld [tilespmem:s20+$0x17740];
	[tilespmem:s7+$0x14590] =	vst v4  }
0x249: {  	v18 =	vmul.f32 $8.000000000e+00, v18;
	v4 =	vld [tilespmem:s20+$0x14550];
	[tilespmem:s7+$0x17790] =	vst v5  }
0x24a: {  	v20 =	vmul.f32 $8.000000000e+00, v20;
	v5 =	vld [tilespmem:s20+$0x17750];
	[tilespmem:s7+$0x145A0] =	vst v1  }
0x24b: {  	v19 =	vmul.f32 $8.000000000e+00, v19;
	v1 =	vld [tilespmem:s20+$0x14560];
	[tilespmem:s7+$0x177A0] =	vst v3  }
0x24c: {  	v23 =	vmul.f32 $8.000000000e+00, v23;
	v3 =	vld [tilespmem:s20+$0x17760];
	[tilespmem:s7+$0x145B0] =	vst v2  }
0x24d: {  	v22 =	vmul.f32 $8.000000000e+00, v22;
	v2 =	vld [tilespmem:s20+$0x14570];
	[tilespmem:s7+$0x177B0] =	vst v6  }
0x24e: {  	v24 =	vmul.f32 $8.000000000e+00, v4;
	v4 =	vld [tilespmem:s20+$0x17770];
	[tilespmem:s7+$0x145C0] =	vst v7  }
0x24f: {  	v26 =	vmul.f32 $8.000000000e+00, v5;
	v5 =	vld [tilespmem:s20+$0x14580];
	[tilespmem:s7+$0x177C0] =	vst v8  }
0x250: {  	v29 =	vmul.f32 $8.000000000e+00, v1;
	v1 =	vld [tilespmem:s20+$0x17780];
	[tilespmem:s7+$0x145D0] =	vst v9  }
0x251: {  	v30 =	vmul.f32 $8.000000000e+00, v3;
	v3 =	vld [tilespmem:s20+$0x14590];
	[tilespmem:s7+$0x177D0] =	vst v10  }
0x252: {  	v31 =	vmul.f32 $8.000000000e+00, v2;
	v2 =	vld [tilespmem:s20+$0x17790];
	[tilespmem:s7+$0x145E0] =	vst v11  }
0x253: {  	v32 =	vmul.f32 $8.000000000e+00, v4;
	v6 =	vld [tilespmem:s20+$0x145A0];
	[tilespmem:s7+$0x177E0] =	vst v12  }
0x254: {  	v33 =	vmul.f32 $8.000000000e+00, v5;
	v7 =	vld [tilespmem:s20+$0x177A0];
	[tilespmem:s7+$0x145F0] =	vst v13;
	s7 =	smov.u32 s20  }
0x255: {  	v34 =	vmul.f32 $8.000000000e+00, v1;
	v8 =	vld [tilespmem:s7+$0x145B0]  }
0x256: {  	v4 =	vmul.f32 $8.000000000e+00, v3;
	v9 =	vld [tilespmem:s7+$0x177B0]  }
0x257: {  	v5 =	vmul.f32 $8.000000000e+00, v2;
	v10 =	vld [tilespmem:s7+$0x145C0]  }
0x258: {  	v1 =	vmul.f32 $8.000000000e+00, v6;
	v11 =	vld [tilespmem:s7+$0x177C0]  }
0x259: {  	v3 =	vmul.f32 $8.000000000e+00, v7;
	v12 =	vld [tilespmem:s7+$0x145D0]  }
0x25a: {  	v2 =	vmul.f32 $8.000000000e+00, v8;
	v13 =	vld [tilespmem:s7+$0x177D0]  }
0x25b: {  	v6 =	vmul.f32 $8.000000000e+00, v9;
	v25 =	vld [tilespmem:s7+$0x145E0]  }
0x25c: {  	v7 =	vmul.f32 $8.000000000e+00, v10;
	v27 =	vld [tilespmem:s7+$0x177E0]  }
0x25d: {  	v8 =	vmul.f32 $8.000000000e+00, v11;
	v28 =	vld [tilespmem:s7+$0x145F0]  }
0x25e: {  	v35 =	vld [tilespmem:s7+$0x1A900];
	v9 =	vmul.f32 $8.000000000e+00, v12  }
0x25f: {  	v36 =	vld [tilespmem:s7+$0x1A910];
	v10 =	vmul.f32 $8.000000000e+00, v13  }
0x260: {  	v37 =	vld [tilespmem:s7+$0x1A920];
	v11 =	vmul.f32 $8.000000000e+00, v25  }
0x261: {  	v25 =	vld [tilespmem:s7+$0x1A930];
	v12 =	vmul.f32 $8.000000000e+00, v27  }
0x262: {  	v38 =	vld [tilespmem:s7+$0x1A940];
	v13 =	vmul.f32 $8.000000000e+00, v28  }
0x263: {  	v16 =	vadd.f32 v16, v35;
	v15 =	vadd.f32 v15, v35;
	v35 =	vld [tilespmem:s7+$0x1A950]  }
0x264: {  	v17 =	vadd.f32 v17, v36;
	v21 =	vadd.f32 v21, v36;
	v36 =	vld [tilespmem:s7+$0x1A960]  }
0x265: {  	[tilespmem:s7+$0x14500] =	vst v16;
	v14 =	vadd.f32 v14, v37;
	v18 =	vadd.f32 v18, v37;
	v37 =	vld [tilespmem:s7+$0x1A970]  }
0x266: {  	[tilespmem:s7+$0x17700] =	vst v15;
	v39 =	vadd.f32 v20, v25;
	v27 =	vadd.f32 v19, v25;
	v40 =	vld [tilespmem:s7+$0x1A980]  }
.Ltmp3:
0x267: {  	[tilespmem:s7+$0x14510] =	vst v17;
	v28 =	vadd.f32 v23, v38;
	v20 =	vadd.f32 v22, v38;
	v25 =	vld [tilespmem:s7+$0x1A990];
	(pc) =	sbr.rel @p0 .LBB2_9-.Ltmp3, $4  }
0x268: {  	[tilespmem:s7+$0x17710] =	vst v21;
	v24 =	vadd.f32 v24, v35;
	v19 =	vadd.f32 v26, v35;
	v22 =	vld [tilespmem:s7+$0x1A9A0]  }
0x269: {  	[tilespmem:s7+$0x14520] =	vst v14;
	v21 =	vadd.f32 v29, v36;
	v16 =	vadd.f32 v30, v36;
	v23 =	vld [tilespmem:s7+$0x1A9B0]  }
0x26a: {  	[tilespmem:s7+$0x17720] =	vst v18;
	v18 =	vadd.f32 v31, v37;
	v15 =	vadd.f32 v32, v37;
	v26 =	vld [tilespmem:s7+$0x1A9C0]  }
0x26b: {  	s11 =	sadd.s32 $0x400, s11;
	[tilespmem:s7+$0x14530] =	vst v39;
	v17 =	vadd.f32 v33, v40;
	v14 =	vadd.f32 v34, v40;
	v29 =	vld [tilespmem:s7+$0x1A9D0]  }
0x26c: {  	[tilespmem:s7+$0x17730] =	vst v27  }
0x26d: {  	[tilespmem:s7+$0x14540] =	vst v28  }
0x26e: {  	[tilespmem:s7+$0x17740] =	vst v20  }
0x26f: {  	[tilespmem:s7+$0x14550] =	vst v24  }
0x270: {  	[tilespmem:s7+$0x17750] =	vst v19  }
0x271: {  	[tilespmem:s7+$0x14560] =	vst v21  }
0x272: {  	[tilespmem:s7+$0x17760] =	vst v16  }
0x273: {  	[tilespmem:s7+$0x14570] =	vst v18  }
0x274: {  	[tilespmem:s7+$0x17770] =	vst v15  }
0x275: {  	v4 =	vadd.f32 v4, v25;
	[tilespmem:s7+$0x14580] =	vst v17  }
0x276: {  	v5 =	vadd.f32 v5, v25;
	[tilespmem:s7+$0x17780] =	vst v14  }
0x277: {  	v0 =	vadd.f32 v13, v0;
	[tilespmem:s7+$0x14590] =	vst v4  }
0x278: {  	v1 =	vadd.f32 v1, v22;
	[tilespmem:s7+$0x17790] =	vst v5  }
0x279: {  	v3 =	vadd.f32 v3, v22;
	[tilespmem:s7+$0x145F0] =	vst v0  }
0x27a: {  	v2 =	vadd.f32 v2, v23;
	[tilespmem:s7+$0x145A0] =	vst v1  }
0x27b: {  	v57 =	vld [tilespmem:s7+$0x1A9E0];
	v58 =	vadd.f32 v6, v23;
	[tilespmem:s7+$0x177A0] =	vst v3  }
0x27c: {  	v59 =	vadd.f32 v7, v26;
	[tilespmem:s7+$0x145B0] =	vst v2  }
0x27d: {  	v60 =	vadd.f32 v8, v26;
	[tilespmem:s7+$0x177B0] =	vst v58  }
0x27e: {  	s24 =	sadd.s32 $0x1, s24;
	v61 =	vadd.f32 v9, v29;
	[tilespmem:s7+$0x145C0] =	vst v59  }
0x27f: {  	p0 =	sne.s32 s24, $0x4;
	v62 =	vadd.f32 v10, v29;
	[tilespmem:s7+$0x177C0] =	vst v60  }
.Ltmp4:
0x280: {  	s9 =	sadd.s32 s6, s28;
	v63 =	vadd.f32 v11, v57;
	[tilespmem:s7+$0x145D0] =	vst v61;
	(pc) =	sbr.rel @p0 .LBB2_2-.Ltmp4, $4  }
0x281: {  	s9 =	sshll.u32 s9, $0x3;
	v1 =	vadd.f32 v12, v57;
	[tilespmem:s7+$0x177D0] =	vst v62  }
0x282: {  	s9 =	sand.u32 $0x1FFFFF80, s9;
	[tilespmem:s7+$0x145E0] =	vst v63  }
0x283: {  	s28 =	sadd.s32 s4, s9;
	[tilespmem:s7+$0x177E0] =	vst v1  }
0x284: {  	[hbm4b:s28+s5] =	stream.linear.scatter [tilespmem:s3], [sflag:$0x8], $0x6400, $0x38;
	[tilespmem:$0x1DB00] =	vst v63  }
0x285: {  	s7 =	simm.s32 $0x7  }
0x286: {  	_ =	swait.ge [sflag:s7], $0x6400  }
0x287: {  	[sflag:s7] =	ssyncset.done $0x0  }
0x288: {  	s9 =	simm.s32 $0x8;
	[sflag:s7] =	ssyncadd.s32 $0xFFFF9C00  }
0x289: {  	_ =	swait.ge [sflag:s9], $0x6400  }
0x28a: {  	s23 =	sadd.s32 $0x1, s23;
	s28 =	rddreg [dreg:$0x6]  }
0x28b: {  	p0 =	sne.s32 s23, s28  }
.Ltmp5:
0x28c: {  	_ = 	snop;
	(pc) =	sbr.rel @p0 .LBB2_1-.Ltmp5, $3  }
0x28d: {  	_ =	sdelay $0x1  }
0x28e: {  	[sflag:s9] =	ssyncset.done $0x0  }
0x28f: {  	[sflag:s9] =	ssyncadd.s32 $0xFFFF9C00  }
0x290: {  	_ =	sfence.sel $0x180000  }
0x291: {  	[bflag:$0x0] =	sbarrier.arrive $0xFFFF  }
0x292: {  	_ =	strace $0x90000047  }
0x293: {  	s0 =	stileid.u32;
	[bflag:$0x2] =	sbarrier.arrive $0xFFFF  }
0x294: {  	p0 =	sne.s32 s0, $0x0;
	s0 =	rddreg [dreg:$0x4]  }
0x295: {  	s0 =	sadd.s32 @!p0 $0x100000, s0  }
0x296: {  	[sflag:s0] =	ssyncadd.tile.s32 @!p0 $0x1;
	_ =	shalt  }
.Lfunc_end2:
_tile_overlayer_lowered:
.L_overlay_start_2:
0x297: {  	(tag) =	ssettag $0x2  }
0x298: {  	s0 =	rddreg [dreg:$0x0];
	s2 =	stileid.u32  }
0x299: {  	s1 =	rddreg [dreg:$0x1];
	p0 =	sne.s32 s2, $0x0  }
0x29a: {  	s3 =	rddreg [dreg:$0x2];
	[bflag:$0x3] =	sbarrier.arrive $0xFFFF;
	s2 =	simm.s32 @!p0 $0x1C09  }
0x29b: {  	[timem:s3], [sflag:s2] =	dma.local @!p0 [hbm:s0], s1  }
0x29c: {  	s0 =	simm.s32 @!p0 $0x9  }
0x29d: {  	_ =	swait.ge @!p0 [sflag:s0], s1  }
0x29e: {  	s1 =	ssub.s32 @!p0 $0x0, s1;
	[sflag:s0] =	ssyncset.done @!p0 $0x0  }
0x29f: {  	[sflag:s0] =	ssyncadd.s32 @!p0 s1  }
0x2a0: {  	[bflag:$0x3] =	sbarrier.arrive $0xFFFF  }
0x2a1: {  	_ =	shalt  }

// kernel: sparse-core-data-format-call.cloned.1.call-start
scs
called_computation_lowered:
.L_overlay_start_0:
0x0: {  	s2 =	sld [smem:$0x3FD9]  }
0x1: {  	s3 =	sld [smem:$0x3FFE];
	_ =	sdelay $0x1  }
0x2: {  	s1 =	srdreg.scid  }
0x3: {  	s0 =	sand.u32 $0x1, s1  }
0x4: {  	s18 =	sshll.u32 s0, $0xA;
	s2 =	sadd.s32 s3, s2  }
0x5: {  	s2 =	sadd.s32 s2, s18  }
0x6: {  	[smem:$0x3FC5] =	sst s2  }
0x7: {  	_ = 	snop  }
0x8: {  	s2 =	sld [smem:$0x3FD0];
	(tm) =	ssettm $0x1  }
0x9: {  	s19 =	sld [smem:$0x3FFB];
	_ =	sdelay $0x3  }
0xa: {  	_ =	strace s19  }
0xb: {  	s3 =	sld [smem:$0x3FFC];
	_ =	sdelay $0x3  }
0xc: {  	_ =	strace s3  }
0xd: {  	s3 =	sld [smem:$0x3FFD];
	_ =	sdelay $0x3  }
0xe: {  	_ =	strace s3  }
0xf: {  	_ =	strace $0x8FFFFFFF  }
0x10: {  	s20 =	sld [smem:$0x3FDB];
	_ =	sdelay $0x1  }
0x11: {  	s4 =	simm.s32 $_scs_section_size  }
0x12: {  	s5 =	simm.s32 $_size__tile_overlayer_lowered;
	s6 =	simm.s32 $_tile_overlayer_lowered  }
0x13: {  	s23 =	simm.s32 $0x1BFF;
	s22 =	sshll.u32 s6, $0x1;
	s3 =	sadd.s32 s4, s20  }
0x14: {  	s7 =	simm.s32 $0x0;
	s21 =	sshll.u32 s5, $0x1;
	s5 =	sadd.s32 s22, s3  }
0x15: {  	[timem:s7], [sflag:s23] =	dma.local [hbm:s5], s21  }
0x16: {  	_ =	swait.ge [sflag:s23], s21  }
0x17: {  	s4 =	ssub.s32 $0x0, s21;
	[sflag:s23] =	ssyncset.done $0x0  }
0x18: {  	[sflag:s23] =	ssyncadd.s32 s4;
	_ =	sdelay $0x1  }
0x19: {  	s24 =	simm.s32 $0x1B8B  }
0x1a: {  	_ =	swait.ge [sflag:s24], $0x1  }
0x1b: {  	[sflag:s24] =	ssyncset.done $0x0  }
0x1c: {  	s26 =	simm.s32 $0x1B8E;
	s25 =	sld [smem:$0x3FFE];
	[sflag:s24] =	ssyncadd.s32 $0xFFFFFFFF  }
0x1d: {  	s27 =	simm.s32 $execute0_lowered;
	[smem:$0x3FD2] =	sst s26  }
0x1e: {  	s5 =	sshll.u32 s27, $0x1;
	_ =	strace $0x80000049;
	[dreg:$0x1] =	wrdreg $0xFFFFFFFF  }
0x1f: {  	s28 =	simm.s32 $_size_execute0_lowered;
	s3 =	sadd.s32 s3, s5;
	[dreg:$0x0] =	wrdreg $0x0  }
0x20: {  	s5 =	sshll.u32 s28, $0x1;
	[dreg:$0x2] =	wrdreg s3  }
0x21: {  	[dreg:$0x3] =	wrdreg s5  }
0x22: {  	[dreg:$0x4] =	wrdreg $0xC0  }
0x23: {  	_ =	task [dreg:s7], $0x5FFFF  }
0x24: {  	[dreg:$0x1] =	wrdreg $0xFFFFFFFF  }
0x25: {  	[dreg:$0x0] =	wrdreg $0x60  }
0x26: {  	[dreg:$0x2] =	wrdreg s25  }
0x27: {  	[dreg:$0x3] =	wrdreg s2  }
0x28: {  	[dreg:$0x4] =	wrdreg $0x9  }
0x29: {  	_ =	task.clear_ibuf [dreg:s7], $0x5FFFF;
	_ =	strace $0x90000049  }
0x2a: {  	s29 =	simm.s32 $0x9;
	_ =	strace $0x8000004B  }
0x2b: {  	_ =	swait.ge [sflag:s29], $0x1  }
0x2c: {  	[sflag:s29] =	ssyncadd.s32 $0xFFFFFFFF  }
0x2d: {  	_ =	strace $0x9000004B  }
0x2e: {  	_ =	sfence  }
0x2f: {  	s30 =	sld [smem:$0x0];
	_ =	sdelay $0x2  }
0x30: {  	s31 =	sshll.u32 s1, $0xD;
	s1 =	sshrl.u32 s1, $0x2  }
0x31: {  	s3 =	sand.u32 $0x4000, s31;
	s1 =	sadd.s32 s1, s30  }
0x32: {  	s0 =	sor.u32 s3, s0;
	s1 =	sshll.u32 s1, $0x11  }
0x33: {  	s0 =	sor.u32 s1, s0  }
0x34: {  	s0 =	sadd.s32 $0x8F2B, s0  }
0x35: {  	[sflag:s0] =	ssyncadd.remote.s32 $0x1  }
0x36: {  	_ =	sfence.sel $0xFFFF  }
0x37: {  	[dreg:$0x0] =	wrdreg $0xFFFFFFFF;
	(pc) =	sbr.abs _section_cstart, $3  }
0x38: {  	[dreg:$0x1] =	wrdreg $0xFFFFFFFF  }
0x39: {  	_ =	task.clear_ibuf [dreg:s7], $0x2FFFF;
	_ =	strace $0x9FFFFFFF  }
0x3a: {  	(tm) =	ssettm $0x7FFFFFFF  }
0x3b: {  	_ =	shalt  }
tec
execute0_lowered:
.L_overlay_start_1:
0x0: {  	(tag) =	ssettag $0x1  }
0x1: {  	s0 =	srdreg.scid  }
0x2: {  	s1 =	sshll.u32 s0, $0x4  }
0x3: {  	s4 =	rddreg [dreg:$0x0];
	s0 =	stileid.u32;
	s1 =	sand.u32 $0x10, s1  }
0x4: {  	s2 =	rddreg [dreg:$0x1];
	s7 =	simm.s32 $0x1;
	s1 =	sor.u32 s0, s1  }
0x5: {  	s8 =	simm.s32 $0x2;
	s11 =	simm.s32 $0x0;
	s3 =	sshll.u32 s1, $0x7  }
0x6: {  	s10 =	simm.s32 $0x0;
	s4 =	sadd.s32 $0x800, s4;
	s6 =	ssub.s32 $0x32000, s3  }
.Ltmp0:
0x7: {  	s1 =	rddreg [dreg:$0x2];
	s5 =	sand.u32 $0xF80, s6;
	(pc) =	sbr.rel .LBB1_1-.Ltmp0, $4  }
0x8: {  	_ =	strace $0x8000004A;
	s9 =	smov.u32 s3;
	p0 =	sne.s32 s5, $0x0  }
0x9: {  	s6 =	sshrl.u32 s6, $0xC;
	s5 =	simm.s32 $0x1;
	s7 =	simm.s32 @!p0 $0x0  }
0xa: {  	[sflag:s5] =	ssyncpa.u1 $0x0;
	p0 =	por $0x0, $0x0;
	s6 =	sadd.s32 s7, s6  }
0xb: {  	[sflag:s8] =	ssyncpa.u1 $0x0;
	s8 =	simm.s32 $0x190000;
	s7 =	sadd.s32 $0x1, s6  }
.LBB1_4:
0xc: {  	s14 =	sshll.u32 s11, $0x3  }
0xd: {  	s30 =	sand.u32 $0x7F, s11;
	s15 =	sand.u32 $0xFFFFFC00, s14  }
0xe: {  	s11 =	sor.u32 s30, s15  }
0xf: {  	s15 =	smulhi.u32 $0x51EB851F, s11  }
0x10: {  	s14 =	smulhi.u32 $0x51EB851F, s14  }
0x11: {  	s15 =	sshrl.u32 s15, $0x10  }
0x12: {  	s14 =	sshrl.u32 s14, $0x10;
	s15 =	smul.u32 $0x32000, s15  }
0x13: {  	s14 =	sand.u32 $0x3F, s14  }
0x14: {  	s14 =	smul.u32 $0x6400, s14;
	s11 =	ssub.s32 s11, s15  }
0x15: {  	[tilespmem:s13+$0x810 ss:$0x81] =	vst.msk $0xffff, v2;
	s15 =	sand.u32 $0x7, s11  }
0x16: {  	[tilespmem:s13+$0x1020 ss:$0x81] =	vst.msk $0xffff, v0;
	s14 =	sadd.s32 s2, s14;
	s11 =	sshrl.u32 s11, $0x3;
	s15 =	sshll.u32 s15, $0x12  }
0x17: {  	[tilespmem:s13+$0x0 ss:$0x81] =	vst.msk $0xffff, v1;
	s11 =	sadd.s32 s11, s14;
	s31 =	sor.u32 $0x400, s15  }
0x18: {  	[hbm4b:s11+s31] =	stream.strided.scatter [tilespmem:s12], [sflag:$0x2], $0x2000, s8, s31, $0x20;
	[tilespmem:$0x8080] =	vst v63  }
.LBB1_5:
0x19: {  	s13 =	sadd.s32 $0x1000, s9  }
0x1a: {  	p2 =	sgt.s32 s13, $0x31FFF  }
0x1b: {  	s13 =	smov.u32 @p2 s3;
	p2 =	sne.s32 s10, s7  }
.Ltmp1:
0x1c: {  	p1 =	slt.u32 s10, $0x2;
	(pc) =	sbr.rel @!p2 .LBB1_6-.Ltmp1, $4  }
0x1d: {  	s12 =	simm.s32 @!p1 $0x2  }
0x1e: {  	s14 =	sadd.s32 $0x1, s10;
	_ =	swait.ge @!p1 [sflag:s12], $0x2000  }
0x1f: {  	s11 =	smov.u32 s9;
	p0 =	por !p0, !p0;
	[sflag:s12] =	ssyncset.done @!p1 $0x0  }
0x20: {  	s10 =	smov.u32 s14;
	s9 =	smov.u32 s13;
	[sflag:s12] =	ssyncadd.s32 @!p1 $0xFFFFE000  }
.LBB1_1:
0x21: {  	p1 =	sge.u32 s10, s6  }
0x22: {  	s12 =	sand.u32 @!p1 $0x1FFFFFF, s9  }
0x23: {  	s13 =	smulhi.u32 @!p1 $0x147AE15, s12;
	_ =	sdelay $0x1  }
0x24: {  	s13 =	sshrl.u32 @!p1 s13, $0xA  }
0x25: {  	s13 =	smul.u32 @!p1 $0x32000, s13;
	_ =	sdelay $0x1  }
0x26: {  	s31 =	sadd.s32 $0xFFFFFFFF, s10;
	s14 =	sxor.u32 @!p1 $0xFFFFFFFF, s10;
	s12 =	ssub.s32 @!p1 s12, s13  }
0x27: {  	s15 =	simm.s32 @!p1 $0x80;
	s14 =	sshll.u32 @!p1 s14, $0xD;
	s12 =	sshll.u32 @!p1 s12, $0x4  }
0x28: {  	s13 =	sand.u32 @!p1 $0x2000, s14;
	s14 =	simm.s32 @!p1 $0x40;
	s12 =	sadd.s32 @!p1 s4, s12  }
0x29: {  	[tilespmem:s13], [sflag:$0x1] =	stream.strided.gather @!p1 [hbm4b:s12+s14], $0x2000, s15, s14, $0x38;
	[tilespmem:$0x8080] =	vst v63  }
0x2a: {  	p1 =	sge.u32 s31, s6  }
.Ltmp2:
0x2b: {  	_ = 	snop;
	(pc) =	sbr.rel @p1 .LBB1_5-.Ltmp2, $1  }
0x2c: {  	_ =	sdelay $0x3  }
0x2d: {  	s12 =	simm.s32 $0x1  }
0x2e: {  	_ =	swait.ge [sflag:s5], $0x2000;
	s12 =	simm.s32 @!p0 $0x0  }
0x2f: {  	[sflag:s5] =	ssyncset.done $0x0;
	s13 =	sshll.u32 s12, $0xD  }
0x30: {  	[sflag:s5] =	ssyncadd.s32 $0xFFFFE000;
	s16 =	sor.u32 $0x20, s13  }
0x31: {  	s12 =	smul.u32 $0x8100, s12;
	v3 =	vld [tilespmem:s16+$0x10]  }
0x32: {  	s30 =	sand.u32 $0x1, s10;
	v2 =	vld [tilespmem:s16+$0xFFFFFFF0]  }
0x33: {  	s13 =	smul.u32 $0x8100, s30;
	s12 =	sshrl.u32 s12, $0x2;
	v0 =	vld [tilespmem:s16+$0x0]  }
0x34: {  	v1 =	vld [tilespmem:s16+$0xFFFFFFE0];
	s14 =	sor.u32 $0x4000, s12  }
0x35: {  	s31 =	sshrl.u32 s13, $0x2;
	s13 =	sadd.s32 $0x0, s14  }
0x36: {  	s15 =	simm.s32 $0x4;
	s16 =	sadd.s32 $0x40, s16;
	s12 =	sor.u32 $0x4000, s31;
	[tilespmem:s13+$0x1830 ss:$0x81] =	vst.msk $0xffff, v3  }
.LBB1_3:
0x37: {  	v3 =	vld [tilespmem:s16+$0x10];
	p1 =	sne.s32 s15, $0x1FC;
	[tilespmem:s13+$0x810 ss:$0x81] =	vst.msk $0xffff, v2;
	s17 =	smov.u32 s15;
	s15 =	sadd.s32 $0x4, s15  }
.Ltmp3:
0x38: {  	v2 =	vld [tilespmem:s16+$0xFFFFFFF0];
	[tilespmem:s13+$0x1020 ss:$0x81] =	vst.msk $0xffff, v0;
	(pc) =	sbr.rel @p1 .LBB1_3-.Ltmp3, $4  }
0x39: {  	v0 =	vld [tilespmem:s16+$0x0];
	[tilespmem:s13+$0x0 ss:$0x81] =	vst.msk $0xffff, v1  }
0x3a: {  	s13 =	sshra.s32 s17, $0x2;
	v1 =	vld [tilespmem:s16+$0xFFFFFFE0]  }
0x3b: {  	s13 =	sadd.s32 s13, s14  }
0x3c: {  	s16 =	sadd.s32 $0x40, s16;
	[tilespmem:s13+$0x1830 ss:$0x81] =	vst.msk $0xffff, v3  }
.Ltmp4:
0x3d: {  	_ = 	snop;
	(pc) =	sbr.rel .LBB1_4-.Ltmp4, $1  }
0x3e: {  	_ =	sdelay $0x3  }
.LBB1_6:
0x3f: {  	_ =	sfence.sel $0x180000  }
0x40: {  	s2 =	simm.s32 $0x1;
	[bflag:$0x0] =	sbarrier.arrive $0xFFFF  }
0x41: {  	s31 =	simm.s32 $0x2;
	[sflag:s2] =	ssyncpa.u1 $0x1  }
0x42: {  	[sflag:s31] =	ssyncpa.u1 $0x1  }
0x43: {  	p0 =	sne.s32 s0, $0x0;
	_ =	strace $0x9000004A  }
0x44: {  	s0 =	sadd.s32 @!p0 $0x100000, s1;
	[bflag:$0x2] =	sbarrier.arrive $0xFFFF  }
0x45: {  	[sflag:s0] =	ssyncadd.tile.s32 @!p0 $0x1;
	_ =	shalt  }
.Lfunc_end1:
_tile_overlayer_lowered:
.L_overlay_start_2:
0x46: {  	(tag) =	ssettag $0x2  }
0x47: {  	s0 =	rddreg [dreg:$0x0];
	s2 =	stileid.u32  }
0x48: {  	s1 =	rddreg [dreg:$0x1];
	p0 =	sne.s32 s2, $0x0  }
0x49: {  	s3 =	rddreg [dreg:$0x2];
	[bflag:$0x3] =	sbarrier.arrive $0xFFFF;
	s2 =	simm.s32 @!p0 $0x1C01  }
0x4a: {  	[timem:s3], [sflag:s2] =	dma.local @!p0 [hbm:s0], s1  }
0x4b: {  	s0 =	simm.s32 @!p0 $0x1  }
0x4c: {  	_ =	swait.ge @!p0 [sflag:s0], s1  }
0x4d: {  	s1 =	ssub.s32 @!p0 $0x0, s1;
	[sflag:s0] =	ssyncset.done @!p0 $0x0  }
0x4e: {  	[sflag:s0] =	ssyncadd.s32 @!p0 s1  }
0x4f: {  	[bflag:$0x3] =	sbarrier.arrive $0xFFFF  }
0x50: {  	_ =	shalt  }

</sc_bundles>
